<compile_context>
chip_gen: v7x
topology: tpu7x:2x2x1
jax: 0.10.2.dev20260603
libtpu: 0.0.44.dev20260713+nightly
codegen_flags: <defaults>
</compile_context>

<pallas_src>
import functools

import jax
import jax.numpy as jnp
from jax import lax
from jax.experimental import pallas as pl
from jax.experimental.pallas import tpu as pltpu
from jax.experimental.pallas import tpu_sc as plsc

_E, _K, _H, _M, _SH = 64, 6, 128, 80, 160
_N = 2048
_T = 256
_CAP = 512
_TB = 512
_SUB = _CAP // _TB
_NBLK = _E * _SUB
_NS = _NBLK * _TB
_NW = 32
_TW = _N // _NW


def _router_kernel(x_ref, r_ref, wg_ref, tri_ref, wsg_ref, wsd_ref,
                   scores_ref, ybase_ref, slots_ref, wb0, wb1, wb2, wb3,
                   wb4, wb5, counts_ref, carry_ref):
    wtk_ref = (wb0, wb1, wb2, wb3, wb4, wb5)
    i = pl.program_id(0)
    x = x_ref[...]
    r = r_ref[...]

    logits = jnp.dot(r, wg_ref[...], preferred_element_type=jnp.float32)
    mx = jnp.max(logits, axis=1, keepdims=True)
    ex = jnp.exp(logits - mx)
    scores = ex / jnp.sum(ex, axis=1, keepdims=True)
    scores_ref[...] = scores

    iota = lax.broadcasted_iota(jnp.int32, scores.shape, 1)
    iota_f = iota.astype(jnp.float32)
    sbits = lax.bitcast_convert_type(scores, jnp.int32)
    key = lax.bitwise_or(lax.bitwise_and(sbits, ~jnp.int32(_E - 1)),
                         (_E - 1) - iota)
    picks = []
    sel = jnp.zeros(scores.shape, jnp.bool_)
    for _ in range(_K):
        m = jnp.max(key, axis=1, keepdims=True)
        pick = key == m
        picks.append(pick)
        sel = jnp.logical_or(sel, pick)
        key = jnp.where(pick, jnp.int32(-1), key)

    @pl.when(i == 0)
    def _init():
        carry_ref[...] = jnp.zeros_like(carry_ref)

    carry = carry_ref[0:1, :_E]
    sel_f = sel.astype(jnp.float32)
    rank_all = jnp.dot(tri_ref[...], sel_f,
                       preferred_element_type=jnp.float32) + carry
    new_counts = carry + jnp.sum(sel_f, axis=0, keepdims=True)
    carry_ref[0:1, :_E] = new_counts
    cpad = jnp.concatenate(
        [new_counts, jnp.zeros((1, _H - _E), jnp.float32)], axis=1)
    counts_ref[...] = cpad[None].astype(jnp.int32)

    lane7 = lax.broadcasted_iota(jnp.int32, (_T, _H), 1)
    slots_acc = jnp.zeros((_T, _H), jnp.float32)
    wks = []
    wsum = jnp.zeros((_T, 1), jnp.float32)
    for k in range(_K):
        p = picks[k].astype(jnp.float32)
        eid = jnp.sum(p * iota_f, axis=1, keepdims=True)
        rk = jnp.sum(p * rank_all, axis=1, keepdims=True)
        rk = jnp.minimum(rk, _CAP - 1.0)
        wk = jnp.sum(p * scores, axis=1, keepdims=True)
        pos = eid * _CAP + rk
        slots_acc = slots_acc + jnp.where(lane7 == k, pos, 0.0)
        wks.append(wk)
        wsum = wsum + wk
    slots_ref[...] = slots_acc.astype(jnp.int32)
    inv = 1.0 / (wsum + 1e-20)
    ones = jnp.ones((1, _H), jnp.float32)
    for k in range(_K):
        wtk_ref[k][...] = (wks[k] * inv) * ones

    xb = x.astype(jnp.bfloat16)
    sh = jnp.dot(xb, wsg_ref[...],
                 preferred_element_type=jnp.float32).astype(jnp.bfloat16)
    sg = sh[:, :_SH]
    su = sh[:, _SH:]
    sact = (sg + sg * jnp.tanh(sg)) * su
    ybase_ref[...] = x + jnp.dot(sact, wsd_ref[...],
                                 preferred_element_type=jnp.float32)


def _grouped_ffn_kernel(cnt_ref, xs_ref, w_ref, wgu_ref, wd_ref, out_ref):
    b = pl.program_id(0)
    e = b // _SUB
    sub = b % _SUB
    valid = jnp.minimum(cnt_ref[e], _CAP) - sub * _TB

    @pl.when(valid > 0)
    def _():
        riota = lax.broadcasted_iota(jnp.int32, (_TB, 1), 0)
        xm = jnp.where(riota < valid, xs_ref[...], 0.0).astype(jnp.bfloat16)
        h = jnp.dot(xm, wgu_ref[0],
                    preferred_element_type=jnp.float32).astype(jnp.bfloat16)
        h1 = h[:, :_M]
        h2 = h[:, _M:]
        act = (h1 + h1 * jnp.tanh(h1)) * h2
        o = jnp.dot(act, wd_ref[0], preferred_element_type=jnp.float32)
        out_ref[...] = o * w_ref[...]


def _sc_dispatch(slots, x, wbs):
    mesh = plsc.VectorSubcoreMesh(core_axis_name="c", subcore_axis_name="s")

    @functools.partial(
        pl.kernel, mesh=mesh,
        out_type=[jax.ShapeDtypeStruct((_NS, _H), jnp.float32),
                  jax.ShapeDtypeStruct((_NS, _H), jnp.float32)],
        scratch_types=[pltpu.VMEM((_TW, _H), jnp.int32),
                       pltpu.VMEM((_TW, _H), jnp.float32),
                       pltpu.VMEM((_K, _TW, _H), jnp.float32),
                       pltpu.VMEM((_K, _TW), jnp.int32),
                       pltpu.SemaphoreType.DMA,
                       pltpu.SemaphoreType.DMA],
        compiler_params=pltpu.CompilerParams(needs_layout_passes=False),
    )
    def dispatch(slots_hbm, x_hbm, w0, w1, w2, w3, w4, w5,
                 xs_hbm, ws_hbm, slots_v, x_v, w_v, pos_v,
                 sem_in, sem_out):
        w_hbms = (w0, w1, w2, w3, w4, w5)
        wid = lax.axis_index("s") * 2 + lax.axis_index("c")
        base = wid * _TW
        win = []
        for k in range(_K):
            win.append(pltpu.async_copy(
                w_hbms[k].at[pl.ds(base, _TW)], w_v.at[k], sem_in))
        pltpu.sync_copy(slots_hbm.at[pl.ds(base, _TW)], slots_v)
        pltpu.sync_copy(x_hbm.at[pl.ds(base, _TW)], x_v)
        nch = _TW // 16
        for c in range(nch):
            rows = lax.iota(jnp.int32, 16) + c * 16
            for k in range(_K):
                col = jnp.zeros((16,), jnp.int32) + k
                pos = plsc.load_gather(slots_v, [rows, col])
                pos_v[k, pl.ds(c * 16, 16)] = pos
        wout = []
        for k in range(_K):
            wout.append(pltpu.async_copy(x_v, xs_hbm.at[pos_v.at[k]],
                                         sem_out))
        for h in win:
            h.wait()
        for k in range(_K):
            wout.append(pltpu.async_copy(w_v.at[k], ws_hbm.at[pos_v.at[k]],
                                         sem_out))
        for h in wout:
            h.wait()
        return None

    return dispatch(slots, x, *wbs)


def _sc_combine(slots, outs, ybase):
    mesh = plsc.VectorSubcoreMesh(core_axis_name="c", subcore_axis_name="s")
    nch = _TW // 16

    @functools.partial(
        pl.kernel, mesh=mesh,
        out_type=jax.ShapeDtypeStruct((_N, _H), jnp.float32),
        scratch_types=[pltpu.VMEM((_TW, _H), jnp.int32),
                       pltpu.VMEM((_K // 2, 128), jnp.int32),
                       pltpu.VMEM((_K // 2, 128, _H), jnp.float32),
                       pltpu.VMEM((_TW, _H), jnp.float32),
                       pltpu.VMEM((_TW, _H), jnp.float32),
                       pltpu.SemaphoreType.DMA,
                       pltpu.SemaphoreType.DMA],
        compiler_params=pltpu.CompilerParams(needs_layout_passes=False),
    )
    def combine(slots_hbm, outs_hbm, ybase_hbm, y_hbm,
                slots_v, pos_rows, gbuf, ybase_v, yout_v, sem_b, sem_g):
        wid = lax.axis_index("s") * 2 + lax.axis_index("c")
        base = wid * _TW
        hb = pltpu.async_copy(ybase_hbm.at[pl.ds(base, _TW)], ybase_v, sem_b)
        pltpu.sync_copy(slots_hbm.at[pl.ds(base, _TW)], slots_v)
        for k in range(_K):
            for c in range(nch):
                rows = lax.iota(jnp.int32, 16) + c * 16
                col = jnp.zeros((16,), jnp.int32) + k
                pos = plsc.load_gather(slots_v, [rows, col])
                off = (k % 2) * _TW + c * 16
                pos_rows[k // 2, pl.ds(off, 16)] = pos
        hg = [pltpu.async_copy(outs_hbm.at[pos_rows.at[j]], gbuf.at[j], sem_g)
              for j in range(_K // 2)]
        hb.wait()
        for h in hg:
            h.wait()

        def body(t, acc):
            for v in range(_H // 16):
                s = ybase_v[t, pl.ds(v * 16, 16)]
                for k in range(_K):
                    s = s + gbuf[k // 2, (k % 2) * _TW + t, pl.ds(v * 16, 16)]
                yout_v[t, pl.ds(v * 16, 16)] = s
            return acc

        lax.fori_loop(0, _TW, body, 0)
        pltpu.sync_copy(yout_v, y_hbm.at[pl.ds(base, _TW)])
        return None

    return combine(slots, outs, ybase)


def kernel(hidden_states, tgt_route, W_gate, Wg, Wu, Wd, Ws_g, Ws_u, Ws_d):
    B, S, H = hidden_states.shape
    x = hidden_states.reshape(_N, H)
    r = tgt_route.reshape(_N, H)

    wgT = W_gate.T
    tri = (jnp.arange(_T)[:, None] > jnp.arange(_T)[None, :]
           ).astype(jnp.float32)
    wsguT = jnp.concatenate([0.5 * Ws_g.T, Ws_u.T],
                            axis=1).astype(jnp.bfloat16)
    wsdT = Ws_d.T.astype(jnp.bfloat16)
    wgu = jnp.concatenate([0.5 * Wg.transpose(0, 2, 1),
                           Wu.transpose(0, 2, 1)],
                          axis=2).astype(jnp.bfloat16)
    wd = Wd.transpose(0, 2, 1).astype(jnp.bfloat16)

    grid = (_N // _T,)
    tok = lambda i: (i, 0)
    full = lambda i: (0, 0)
    router_out = pl.pallas_call(
        _router_kernel,
        grid=grid,
        in_specs=[
            pl.BlockSpec((_T, H), tok),
            pl.BlockSpec((_T, H), tok),
            pl.BlockSpec((H, _E), full),
            pl.BlockSpec((_T, _T), full),
            pl.BlockSpec((H, 2 * _SH), full),
            pl.BlockSpec((_SH, H), full),
        ],
        out_specs=[
            pl.BlockSpec((_T, _E), tok),
            pl.BlockSpec((_T, H), tok),
            pl.BlockSpec((_T, H), tok),
        ] + [pl.BlockSpec((_T, H), tok)] * _K + [
            pl.BlockSpec((1, 1, H), lambda i: (i, 0, 0)),
        ],
        out_shape=[
            jax.ShapeDtypeStruct((_N, _E), jnp.float32),
            jax.ShapeDtypeStruct((_N, H), jnp.float32),
            jax.ShapeDtypeStruct((_N, H), jnp.int32),
        ] + [jax.ShapeDtypeStruct((_N, H), jnp.float32)] * _K + [
            jax.ShapeDtypeStruct((_N // _T, 1, H), jnp.int32),
        ],
        scratch_shapes=[pltpu.VMEM((8, 128), jnp.float32)],
        compiler_params=pltpu.CompilerParams(
            dimension_semantics=("arbitrary",)),
    )(x, r, wgT, tri, wsguT, wsdT)
    scores, ybase, slots = router_out[0], router_out[1], router_out[2]
    wbs = router_out[3:3 + _K]
    counts3 = router_out[3 + _K]

    counts = counts3[_N // _T - 1, 0, :_E]

    xs, ws = _sc_dispatch(slots, x, wbs)

    def _xs_map(b, cnt):
        e = b // _SUB
        live = jnp.minimum(cnt[e], _CAP) > (b % _SUB) * _TB
        return (jnp.where(live, b, 0), 0)

    outs = pl.pallas_call(
        _grouped_ffn_kernel,
        grid_spec=pltpu.PrefetchScalarGridSpec(
            num_scalar_prefetch=1,
            grid=(_NBLK,),
            in_specs=[
                pl.BlockSpec((_TB, H), _xs_map),
                pl.BlockSpec((_TB, H), _xs_map),
                pl.BlockSpec((1, H, 2 * _M), lambda b, c: (b // _SUB, 0, 0)),
                pl.BlockSpec((1, _M, H), lambda b, c: (b // _SUB, 0, 0)),
            ],
            out_specs=pl.BlockSpec((_TB, H), lambda b, c: (b, 0)),
        ),
        out_shape=jax.ShapeDtypeStruct((_NS, H), jnp.float32),
        compiler_params=pltpu.CompilerParams(
            dimension_semantics=("arbitrary",)),
    )(counts, xs, ws, wgu, wd)

    y = _sc_combine(slots, outs, ybase)
    return y.reshape(B, S, H), scores

# --- scband reference (transcript-rebuilt; emitter-appended) ---
"""Pipeline reference for scband-deepseek-mo-e-63969242906700 (READ-ONLY COPY).

The authoritative reference and input builder live on the scoring server;
editing this copy changes nothing except your own understanding.
"""

import jax, jax.numpy as jnp
import numpy as np

E = 64
TOP_K = 6
H = 128
M_INT = 80
SH_INT = 160  # moe_intermediate_size(80) * n_shared_experts(2)


def setup_inputs(seed: int = 0) -> dict:
    key = jax.random.key(seed)
    ks = jax.random.split(key, 10)
    B, S = 1, 2048
    hidden_states = jax.random.normal(ks[0], (B, S, H), dtype=jnp.float32)
    tgt_route = jax.random.normal(ks[1], (B, S, H), dtype=jnp.float32)
    W_gate = jax.random.normal(ks[2], (E, H), dtype=jnp.float32) * (1.0 / np.sqrt(H))
    Wg = jax.random.normal(ks[3], (E, M_INT, H), dtype=jnp.float32) * (1.0 / np.sqrt(H))
    Wu = jax.random.normal(ks[4], (E, M_INT, H), dtype=jnp.float32) * (1.0 / np.sqrt(H))
    Wd = jax.random.normal(ks[5], (E, H, M_INT), dtype=jnp.float32) * (1.0 / np.sqrt(M_INT))
    Ws_g = jax.random.normal(ks[6], (SH_INT, H), dtype=jnp.float32) * (1.0 / np.sqrt(H))
    Ws_u = jax.random.normal(ks[7], (SH_INT, H), dtype=jnp.float32) * (1.0 / np.sqrt(H))
    Ws_d = jax.random.normal(ks[8], (H, SH_INT), dtype=jnp.float32) * (1.0 / np.sqrt(SH_INT))
    return {"hidden_states": hidden_states, "tgt_route": tgt_route, "W_gate": W_gate,
            "Wg": Wg, "Wu": Wu, "Wd": Wd, "Ws_g": Ws_g, "Ws_u": Ws_u, "Ws_d": Ws_d}


def _moe_forward(hidden_states, tgt_route, W_gate, Wg, Wu, Wd, Ws_g, Ws_u, Ws_d):
    B, S, h = hidden_states.shape
    # --- MoEGate on tgt_route (as in the original forward: self.gate(tgt_route)) ---
    x_route = tgt_route.reshape(-1, h)
    logits = x_route @ W_gate.T            # (N, E)
    scores = jax.nn.softmax(logits, axis=-1)
    topk_w, topk_idx = jax.lax.top_k(scores, TOP_K)   # (N, top_k)
    # norm_topk_prob = True
    topk_w = topk_w / (jnp.sum(topk_w, axis=-1, keepdims=True) + 1e-20)
    # --- routed experts (training path: every token evaluated by its top_k experts) ---
    x = hidden_states.reshape(-1, h)
    N = x.shape[0]
    h1 = jnp.einsum('nd,efd->enf', x, Wg)            # (E, N, M_INT)
    h2 = jnp.einsum('nd,efd->enf', x, Wu)            # (E, N, M_INT)
    act = jax.nn.silu(h1) * h2
    out_all = jnp.einsum('enf,ehf->enh', act, Wd)    # (E, N, H)
    gathered = out_all[topk_idx, jnp.arange(N)[:, None], :]   # (N, top_k, H)
    y = jnp.sum(gathered * topk_w[..., None], axis=1).reshape(B, S, h)
    # AddAuxiliaryLoss is identity in forward -> omitted from output math
    # --- shared experts on identity, scaled by shared_expert_weight=1.0 ---
    shared = (jax.nn.silu(hidden_states @ Ws_g.T) * (hidden_states @ Ws_u.T)) @ Ws_d.T
    y = y + 1.0 * shared
    # deepseek_residual = True
    y = y + hidden_states
    return y, scores


def reference(hidden_states, tgt_route, W_gate, Wg, Wu, Wd, Ws_g, Ws_u, Ws_d):
    return _moe_forward(hidden_states, tgt_route, W_gate, Wg, Wu, Wd, Ws_g, Ws_u, Ws_d)

if __name__ == "__main__":
    import jax
    _d = setup_inputs()
    print(jax.jit(kernel)(*tuple(_d.values())))

</pallas_src>

<mosaic_0001>
#map = affine_map<(d0, d1) -> (0, 0)>
module attributes {stable_mosaic.version = 14 : i64} {
  func.func @combine(%arg0: i32, %arg1: i32, %arg2: memref<2048x128xi32, #tpu.memory_space<hbm>>, %arg3: memref<32768x128xf32, #tpu.memory_space<hbm>>, %arg4: memref<2048x128xf32, #tpu.memory_space<hbm>>, %arg5: memref<2048x128xf32, #tpu.memory_space<hbm>>, %arg6: memref<64x128xi32, #tpu.memory_space<vmem>>, %arg7: memref<3x128xi32, #tpu.memory_space<vmem>>, %arg8: memref<3x128x128xf32, #tpu.memory_space<vmem>>, %arg9: memref<64x128xf32, #tpu.memory_space<vmem>>, %arg10: memref<64x128xf32, #tpu.memory_space<vmem>>, %arg11: memref<!tpu.dma_semaphore, #tpu.memory_space<semaphore_mem>>, %arg12: memref<!tpu.dma_semaphore, #tpu.memory_space<semaphore_mem>>) attributes {dimension_semantics = [#tpu.dimension_semantics<core_parallel>, #tpu.dimension_semantics<subcore_parallel>], iteration_bounds = array<i64: 2, 16>, scalar_prefetch = 0 : i64, scratch_operands = 7 : i64, tpu.core_type = #tpu.core_type<sc_vector_subcore>, window_params = [{transform_indices = #map}, {transform_indices = #map}, {transform_indices = #map}, {transform_indices = #map}]} {
    %mul3A = arith.constant 2 : i32
    %mul3A_0 = arith.muli %arg1, %mul3A : i32
    %add3A = arith.addi %mul3A_0, %arg0 : i32
    %mul3A_1 = arith.constant 64 : i32
    %mul3A_2 = arith.muli %add3A, %mul3A_1 : i32
    %dma_start3A = arith.constant 0 : i32
    %dma_start3A_3 = tpu.memref_slice %arg4[%mul3A_2, %dma_start3A] : memref<2048x128xf32, #tpu.memory_space<hbm>> -> memref<64x128xf32, #tpu.memory_space<hbm>>
    %dma_start3A_4 = arith.constant 0 : i32
    %dma_start3A_5 = tpu.memref_slice %arg4[%mul3A_2, %dma_start3A_4] : memref<2048x128xf32, #tpu.memory_space<hbm>> -> memref<64x128xf32, #tpu.memory_space<hbm>>
    tpu.enqueue_dma source(%dma_start3A_5 : memref<64x128xf32, #tpu.memory_space<hbm>>) target(%arg9 : memref<64x128xf32, #tpu.memory_space<vmem>>) target_semaphore(%arg11 : memref<!tpu.dma_semaphore, #tpu.memory_space<semaphore_mem>>)
    "tpu.region"() ({
      %run_scoped3A = tpu.sem_alloc : memref<!tpu.dma_semaphore, #tpu.memory_space<semaphore_mem>>
      %dma_start3A_418 = arith.constant 0 : i32
      %dma_start3A_419 = tpu.memref_slice %arg2[%mul3A_2, %dma_start3A_418] : memref<2048x128xi32, #tpu.memory_space<hbm>> -> memref<64x128xi32, #tpu.memory_space<hbm>>
      %dma_start3A_420 = arith.constant 0 : i32
      %dma_start3A_421 = tpu.memref_slice %arg2[%mul3A_2, %dma_start3A_420] : memref<2048x128xi32, #tpu.memory_space<hbm>> -> memref<64x128xi32, #tpu.memory_space<hbm>>
      tpu.enqueue_dma source(%dma_start3A_421 : memref<64x128xi32, #tpu.memory_space<hbm>>) target(%arg6 : memref<64x128xi32, #tpu.memory_space<vmem>>) target_semaphore(%run_scoped3A : memref<!tpu.dma_semaphore, #tpu.memory_space<semaphore_mem>>)
      %dma_wait3A_422 = arith.constant 0 : i32
      %dma_wait3A_423 = tpu.memref_slice %arg2[%mul3A_2, %dma_wait3A_422] : memref<2048x128xi32, #tpu.memory_space<hbm>> -> memref<64x128xi32, #tpu.memory_space<hbm>>
      %dma_wait3A_424 = arith.constant 0 : i32
      %dma_wait3A_425 = tpu.memref_slice %arg2[%mul3A_2, %dma_wait3A_424] : memref<2048x128xi32, #tpu.memory_space<hbm>> -> memref<64x128xi32, #tpu.memory_space<hbm>>
      tpu.wait_dma2 semaphore(%run_scoped3A : memref<!tpu.dma_semaphore, #tpu.memory_space<semaphore_mem>>) src(%dma_wait3A_425 : memref<64x128xi32, #tpu.memory_space<hbm>>) dst(%arg6 : memref<64x128xi32, #tpu.memory_space<vmem>>)
      tpu.yield
    }) : () -> ()
    %iota3A = tpu.iota {dimensions = array<i32: 0>} : vector<16xi32>
    %add3A_6 = arith.constant 0 : i32
    %add3A_7 = vector.broadcast %add3A_6 : i32 to vector<16xi32>
    %add3A_8 = arith.addi %iota3A, %add3A_7 : vector<16xi32>
    %broadcast_in_dim3A = arith.constant 0 : i32
    %broadcast_in_dim3A_9 = vector.broadcast %broadcast_in_dim3A : i32 to vector<16xi32>
    %add3A_10 = arith.constant 0 : i32
    %add3A_11 = vector.broadcast %add3A_10 : i32 to vector<16xi32>
    %add3A_12 = arith.addi %broadcast_in_dim3A_9, %add3A_11 : vector<16xi32>
    %gather3A = tpu.vector_load_idx %arg6[%add3A_8, %add3A_12] : memref<64x128xi32, #tpu.memory_space<vmem>>[vector<16xi32>, vector<16xi32>], vector<16xi32>,
    %swap3A = arith.constant 0 : i32
    %swap3A_13 = arith.index_cast %swap3A : i32 to index
    %swap3A_14 = arith.constant 0 : index
    %swap3A_15 = tpu.vector_load %arg7[%swap3A_13, %swap3A_14] {strides = array<i32>} : memref<3x128xi32, #tpu.memory_space<vmem>>, vector<16xi32>,
    tpu.vector_store %arg7[%swap3A_13, %swap3A_14], %gather3A {strides = array<i32>} : memref<3x128xi32, #tpu.memory_space<vmem>>, vector<16xi32>,
    %iota3A_16 = tpu.iota {dimensions = array<i32: 0>} : vector<16xi32>
    %add3A_17 = arith.constant 16 : i32
    %add3A_18 = vector.broadcast %add3A_17 : i32 to vector<16xi32>
    %add3A_19 = arith.addi %iota3A_16, %add3A_18 : vector<16xi32>
    %broadcast_in_dim3A_20 = arith.constant 0 : i32
    %broadcast_in_dim3A_21 = vector.broadcast %broadcast_in_dim3A_20 : i32 to vector<16xi32>
    %add3A_22 = arith.constant 0 : i32
    %add3A_23 = vector.broadcast %add3A_22 : i32 to vector<16xi32>
    %add3A_24 = arith.addi %broadcast_in_dim3A_21, %add3A_23 : vector<16xi32>
    %gather3A_25 = tpu.vector_load_idx %arg6[%add3A_19, %add3A_24] : memref<64x128xi32, #tpu.memory_space<vmem>>[vector<16xi32>, vector<16xi32>], vector<16xi32>,
    %swap3A_26 = arith.constant 0 : i32
    %swap3A_27 = arith.index_cast %swap3A_26 : i32 to index
    %swap3A_28 = arith.constant 16 : index
    %swap3A_29 = tpu.vector_load %arg7[%swap3A_27, %swap3A_28] {strides = array<i32>} : memref<3x128xi32, #tpu.memory_space<vmem>>, vector<16xi32>,
    tpu.vector_store %arg7[%swap3A_27, %swap3A_28], %gather3A_25 {strides = array<i32>} : memref<3x128xi32, #tpu.memory_space<vmem>>, vector<16xi32>,
    %iota3A_30 = tpu.iota {dimensions = array<i32: 0>} : vector<16xi32>
    %add3A_31 = arith.constant 32 : i32
    %add3A_32 = vector.broadcast %add3A_31 : i32 to vector<16xi32>
    %add3A_33 = arith.addi %iota3A_30, %add3A_32 : vector<16xi32>
    %broadcast_in_dim3A_34 = arith.constant 0 : i32
    %broadcast_in_dim3A_35 = vector.broadcast %broadcast_in_dim3A_34 : i32 to vector<16xi32>
    %add3A_36 = arith.constant 0 : i32
    %add3A_37 = vector.broadcast %add3A_36 : i32 to vector<16xi32>
    %add3A_38 = arith.addi %broadcast_in_dim3A_35, %add3A_37 : vector<16xi32>
    %gather3A_39 = tpu.vector_load_idx %arg6[%add3A_33, %add3A_38] : memref<64x128xi32, #tpu.memory_space<vmem>>[vector<16xi32>, vector<16xi32>], vector<16xi32>,
    %swap3A_40 = arith.constant 0 : i32
    %swap3A_41 = arith.index_cast %swap3A_40 : i32 to index
    %swap3A_42 = arith.constant 32 : index
    %swap3A_43 = tpu.vector_load %arg7[%swap3A_41, %swap3A_42] {strides = array<i32>} : memref<3x128xi32, #tpu.memory_space<vmem>>, vector<16xi32>,
    tpu.vector_store %arg7[%swap3A_41, %swap3A_42], %gather3A_39 {strides = array<i32>} : memref<3x128xi32, #tpu.memory_space<vmem>>, vector<16xi32>,
    %iota3A_44 = tpu.iota {dimensions = array<i32: 0>} : vector<16xi32>
    %add3A_45 = arith.constant 48 : i32
    %add3A_46 = vector.broadcast %add3A_45 : i32 to vector<16xi32>
    %add3A_47 = arith.addi %iota3A_44, %add3A_46 : vector<16xi32>
    %broadcast_in_dim3A_48 = arith.constant 0 : i32
    %broadcast_in_dim3A_49 = vector.broadcast %broadcast_in_dim3A_48 : i32 to vector<16xi32>
    %add3A_50 = arith.constant 0 : i32
    %add3A_51 = vector.broadcast %add3A_50 : i32 to vector<16xi32>
    %add3A_52 = arith.addi %broadcast_in_dim3A_49, %add3A_51 : vector<16xi32>
    %gather3A_53 = tpu.vector_load_idx %arg6[%add3A_47, %add3A_52] : memref<64x128xi32, #tpu.memory_space<vmem>>[vector<16xi32>, vector<16xi32>], vector<16xi32>,
    %swap3A_54 = arith.constant 0 : i32
    %swap3A_55 = arith.index_cast %swap3A_54 : i32 to index
    %swap3A_56 = arith.constant 48 : index
    %swap3A_57 = tpu.vector_load %arg7[%swap3A_55, %swap3A_56] {strides = array<i32>} : memref<3x128xi32, #tpu.memory_space<vmem>>, vector<16xi32>,
    tpu.vector_store %arg7[%swap3A_55, %swap3A_56], %gather3A_53 {strides = array<i32>} : memref<3x128xi32, #tpu.memory_space<vmem>>, vector<16xi32>,
    %iota3A_58 = tpu.iota {dimensions = array<i32: 0>} : vector<16xi32>
    %add3A_59 = arith.constant 0 : i32
    %add3A_60 = vector.broadcast %add3A_59 : i32 to vector<16xi32>
    %add3A_61 = arith.addi %iota3A_58, %add3A_60 : vector<16xi32>
    %broadcast_in_dim3A_62 = arith.constant 0 : i32
    %broadcast_in_dim3A_63 = vector.broadcast %broadcast_in_dim3A_62 : i32 to vector<16xi32>
    %add3A_64 = arith.constant 1 : i32
    %add3A_65 = vector.broadcast %add3A_64 : i32 to vector<16xi32>
    %add3A_66 = arith.addi %broadcast_in_dim3A_63, %add3A_65 : vector<16xi32>
    %gather3A_67 = tpu.vector_load_idx %arg6[%add3A_61, %add3A_66] : memref<64x128xi32, #tpu.memory_space<vmem>>[vector<16xi32>, vector<16xi32>], vector<16xi32>,
    %swap3A_68 = arith.constant 0 : i32
    %swap3A_69 = arith.index_cast %swap3A_68 : i32 to index
    %swap3A_70 = arith.constant 64 : index
    %swap3A_71 = tpu.vector_load %arg7[%swap3A_69, %swap3A_70] {strides = array<i32>} : memref<3x128xi32, #tpu.memory_space<vmem>>, vector<16xi32>,
    tpu.vector_store %arg7[%swap3A_69, %swap3A_70], %gather3A_67 {strides = array<i32>} : memref<3x128xi32, #tpu.memory_space<vmem>>, vector<16xi32>,
    %iota3A_72 = tpu.iota {dimensions = array<i32: 0>} : vector<16xi32>
    %add3A_73 = arith.constant 16 : i32
    %add3A_74 = vector.broadcast %add3A_73 : i32 to vector<16xi32>
    %add3A_75 = arith.addi %iota3A_72, %add3A_74 : vector<16xi32>
    %broadcast_in_dim3A_76 = arith.constant 0 : i32
    %broadcast_in_dim3A_77 = vector.broadcast %broadcast_in_dim3A_76 : i32 to vector<16xi32>
    %add3A_78 = arith.constant 1 : i32
    %add3A_79 = vector.broadcast %add3A_78 : i32 to vector<16xi32>
    %add3A_80 = arith.addi %broadcast_in_dim3A_77, %add3A_79 : vector<16xi32>
    %gather3A_81 = tpu.vector_load_idx %arg6[%add3A_75, %add3A_80] : memref<64x128xi32, #tpu.memory_space<vmem>>[vector<16xi32>, vector<16xi32>], vector<16xi32>,
    %swap3A_82 = arith.constant 0 : i32
    %swap3A_83 = arith.index_cast %swap3A_82 : i32 to index
    %swap3A_84 = arith.constant 80 : index
    %swap3A_85 = tpu.vector_load %arg7[%swap3A_83, %swap3A_84] {strides = array<i32>} : memref<3x128xi32, #tpu.memory_space<vmem>>, vector<16xi32>,
    tpu.vector_store %arg7[%swap3A_83, %swap3A_84], %gather3A_81 {strides = array<i32>} : memref<3x128xi32, #tpu.memory_space<vmem>>, vector<16xi32>,
    %iota3A_86 = tpu.iota {dimensions = array<i32: 0>} : vector<16xi32>
    %add3A_87 = arith.constant 32 : i32
    %add3A_88 = vector.broadcast %add3A_87 : i32 to vector<16xi32>
    %add3A_89 = arith.addi %iota3A_86, %add3A_88 : vector<16xi32>
    %broadcast_in_dim3A_90 = arith.constant 0 : i32
    %broadcast_in_dim3A_91 = vector.broadcast %broadcast_in_dim3A_90 : i32 to vector<16xi32>
    %add3A_92 = arith.constant 1 : i32
    %add3A_93 = vector.broadcast %add3A_92 : i32 to vector<16xi32>
    %add3A_94 = arith.addi %broadcast_in_dim3A_91, %add3A_93 : vector<16xi32>
    %gather3A_95 = tpu.vector_load_idx %arg6[%add3A_89, %add3A_94] : memref<64x128xi32, #tpu.memory_space<vmem>>[vector<16xi32>, vector<16xi32>], vector<16xi32>,
    %swap3A_96 = arith.constant 0 : i32
    %swap3A_97 = arith.index_cast %swap3A_96 : i32 to index
    %swap3A_98 = arith.constant 96 : index
    %swap3A_99 = tpu.vector_load %arg7[%swap3A_97, %swap3A_98] {strides = array<i32>} : memref<3x128xi32, #tpu.memory_space<vmem>>, vector<16xi32>,
    tpu.vector_store %arg7[%swap3A_97, %swap3A_98], %gather3A_95 {strides = array<i32>} : memref<3x128xi32, #tpu.memory_space<vmem>>, vector<16xi32>,
    %iota3A_100 = tpu.iota {dimensions = array<i32: 0>} : vector<16xi32>
    %add3A_101 = arith.constant 48 : i32
    %add3A_102 = vector.broadcast %add3A_101 : i32 to vector<16xi32>
    %add3A_103 = arith.addi %iota3A_100, %add3A_102 : vector<16xi32>
    %broadcast_in_dim3A_104 = arith.constant 0 : i32
    %broadcast_in_dim3A_105 = vector.broadcast %broadcast_in_dim3A_104 : i32 to vector<16xi32>
    %add3A_106 = arith.constant 1 : i32
    %add3A_107 = vector.broadcast %add3A_106 : i32 to vector<16xi32>
    %add3A_108 = arith.addi %broadcast_in_dim3A_105, %add3A_107 : vector<16xi32>
    %gather3A_109 = tpu.vector_load_idx %arg6[%add3A_103, %add3A_108] : memref<64x128xi32, #tpu.memory_space<vmem>>[vector<16xi32>, vector<16xi32>], vector<16xi32>,
    %swap3A_110 = arith.constant 0 : i32
    %swap3A_111 = arith.index_cast %swap3A_110 : i32 to index
    %swap3A_112 = arith.constant 112 : index
    %swap3A_113 = tpu.vector_load %arg7[%swap3A_111, %swap3A_112] {strides = array<i32>} : memref<3x128xi32, #tpu.memory_space<vmem>>, vector<16xi32>,
    tpu.vector_store %arg7[%swap3A_111, %swap3A_112], %gather3A_109 {strides = array<i32>} : memref<3x128xi32, #tpu.memory_space<vmem>>, vector<16xi32>,
    %iota3A_114 = tpu.iota {dimensions = array<i32: 0>} : vector<16xi32>
    %add3A_115 = arith.constant 0 : i32
    %add3A_116 = vector.broadcast %add3A_115 : i32 to vector<16xi32>
    %add3A_117 = arith.addi %iota3A_114, %add3A_116 : vector<16xi32>
    %broadcast_in_dim3A_118 = arith.constant 0 : i32
    %broadcast_in_dim3A_119 = vector.broadcast %broadcast_in_dim3A_118 : i32 to vector<16xi32>
    %add3A_120 = arith.constant 2 : i32
    %add3A_121 = vector.broadcast %add3A_120 : i32 to vector<16xi32>
    %add3A_122 = arith.addi %broadcast_in_dim3A_119, %add3A_121 : vector<16xi32>
    %gather3A_123 = tpu.vector_load_idx %arg6[%add3A_117, %add3A_122] : memref<64x128xi32, #tpu.memory_space<vmem>>[vector<16xi32>, vector<16xi32>], vector<16xi32>,
    %swap3A_124 = arith.constant 1 : i32
    %swap3A_125 = arith.index_cast %swap3A_124 : i32 to index
    %swap3A_126 = arith.constant 0 : index
    %swap3A_127 = tpu.vector_load %arg7[%swap3A_125, %swap3A_126] {strides = array<i32>} : memref<3x128xi32, #tpu.memory_space<vmem>>, vector<16xi32>,
    tpu.vector_store %arg7[%swap3A_125, %swap3A_126], %gather3A_123 {strides = array<i32>} : memref<3x128xi32, #tpu.memory_space<vmem>>, vector<16xi32>,
    %iota3A_128 = tpu.iota {dimensions = array<i32: 0>} : vector<16xi32>
    %add3A_129 = arith.constant 16 : i32
    %add3A_130 = vector.broadcast %add3A_129 : i32 to vector<16xi32>
    %add3A_131 = arith.addi %iota3A_128, %add3A_130 : vector<16xi32>
    %broadcast_in_dim3A_132 = arith.constant 0 : i32
    %broadcast_in_dim3A_133 = vector.broadcast %broadcast_in_dim3A_132 : i32 to vector<16xi32>
    %add3A_134 = arith.constant 2 : i32
    %add3A_135 = vector.broadcast %add3A_134 : i32 to vector<16xi32>
    %add3A_136 = arith.addi %broadcast_in_dim3A_133, %add3A_135 : vector<16xi32>
    %gather3A_137 = tpu.vector_load_idx %arg6[%add3A_131, %add3A_136] : memref<64x128xi32, #tpu.memory_space<vmem>>[vector<16xi32>, vector<16xi32>], vector<16xi32>,
    %swap3A_138 = arith.constant 1 : i32
    %swap3A_139 = arith.index_cast %swap3A_138 : i32 to index
    %swap3A_140 = arith.constant 16 : index
    %swap3A_141 = tpu.vector_load %arg7[%swap3A_139, %swap3A_140] {strides = array<i32>} : memref<3x128xi32, #tpu.memory_space<vmem>>, vector<16xi32>,
    tpu.vector_store %arg7[%swap3A_139, %swap3A_140], %gather3A_137 {strides = array<i32>} : memref<3x128xi32, #tpu.memory_space<vmem>>, vector<16xi32>,
    %iota3A_142 = tpu.iota {dimensions = array<i32: 0>} : vector<16xi32>
    %add3A_143 = arith.constant 32 : i32
    %add3A_144 = vector.broadcast %add3A_143 : i32 to vector<16xi32>
    %add3A_145 = arith.addi %iota3A_142, %add3A_144 : vector<16xi32>
    %broadcast_in_dim3A_146 = arith.constant 0 : i32
    %broadcast_in_dim3A_147 = vector.broadcast %broadcast_in_dim3A_146 : i32 to vector<16xi32>
    %add3A_148 = arith.constant 2 : i32
    %add3A_149 = vector.broadcast %add3A_148 : i32 to vector<16xi32>
    %add3A_150 = arith.addi %broadcast_in_dim3A_147, %add3A_149 : vector<16xi32>
    %gather3A_151 = tpu.vector_load_idx %arg6[%add3A_145, %add3A_150] : memref<64x128xi32, #tpu.memory_space<vmem>>[vector<16xi32>, vector<16xi32>], vector<16xi32>,
    %swap3A_152 = arith.constant 1 : i32
    %swap3A_153 = arith.index_cast %swap3A_152 : i32 to index
    %swap3A_154 = arith.constant 32 : index
    %swap3A_155 = tpu.vector_load %arg7[%swap3A_153, %swap3A_154] {strides = array<i32>} : memref<3x128xi32, #tpu.memory_space<vmem>>, vector<16xi32>,
    tpu.vector_store %arg7[%swap3A_153, %swap3A_154], %gather3A_151 {strides = array<i32>} : memref<3x128xi32, #tpu.memory_space<vmem>>, vector<16xi32>,
    %iota3A_156 = tpu.iota {dimensions = array<i32: 0>} : vector<16xi32>
    %add3A_157 = arith.constant 48 : i32
    %add3A_158 = vector.broadcast %add3A_157 : i32 to vector<16xi32>
    %add3A_159 = arith.addi %iota3A_156, %add3A_158 : vector<16xi32>
    %broadcast_in_dim3A_160 = arith.constant 0 : i32
    %broadcast_in_dim3A_161 = vector.broadcast %broadcast_in_dim3A_160 : i32 to vector<16xi32>
    %add3A_162 = arith.constant 2 : i32
    %add3A_163 = vector.broadcast %add3A_162 : i32 to vector<16xi32>
    %add3A_164 = arith.addi %broadcast_in_dim3A_161, %add3A_163 : vector<16xi32>
    %gather3A_165 = tpu.vector_load_idx %arg6[%add3A_159, %add3A_164] : memref<64x128xi32, #tpu.memory_space<vmem>>[vector<16xi32>, vector<16xi32>], vector<16xi32>,
    %swap3A_166 = arith.constant 1 : i32
    %swap3A_167 = arith.index_cast %swap3A_166 : i32 to index
    %swap3A_168 = arith.constant 48 : index
    %swap3A_169 = tpu.vector_load %arg7[%swap3A_167, %swap3A_168] {strides = array<i32>} : memref<3x128xi32, #tpu.memory_space<vmem>>, vector<16xi32>,
    tpu.vector_store %arg7[%swap3A_167, %swap3A_168], %gather3A_165 {strides = array<i32>} : memref<3x128xi32, #tpu.memory_space<vmem>>, vector<16xi32>,
    %iota3A_170 = tpu.iota {dimensions = array<i32: 0>} : vector<16xi32>
    %add3A_171 = arith.constant 0 : i32
    %add3A_172 = vector.broadcast %add3A_171 : i32 to vector<16xi32>
    %add3A_173 = arith.addi %iota3A_170, %add3A_172 : vector<16xi32>
    %broadcast_in_dim3A_174 = arith.constant 0 : i32
    %broadcast_in_dim3A_175 = vector.broadcast %broadcast_in_dim3A_174 : i32 to vector<16xi32>
    %add3A_176 = arith.constant 3 : i32
    %add3A_177 = vector.broadcast %add3A_176 : i32 to vector<16xi32>
    %add3A_178 = arith.addi %broadcast_in_dim3A_175, %add3A_177 : vector<16xi32>
    %gather3A_179 = tpu.vector_load_idx %arg6[%add3A_173, %add3A_178] : memref<64x128xi32, #tpu.memory_space<vmem>>[vector<16xi32>, vector<16xi32>], vector<16xi32>,
    %swap3A_180 = arith.constant 1 : i32
    %swap3A_181 = arith.index_cast %swap3A_180 : i32 to index
    %swap3A_182 = arith.constant 64 : index
    %swap3A_183 = tpu.vector_load %arg7[%swap3A_181, %swap3A_182] {strides = array<i32>} : memref<3x128xi32, #tpu.memory_space<vmem>>, vector<16xi32>,
    tpu.vector_store %arg7[%swap3A_181, %swap3A_182], %gather3A_179 {strides = array<i32>} : memref<3x128xi32, #tpu.memory_space<vmem>>, vector<16xi32>,
    %iota3A_184 = tpu.iota {dimensions = array<i32: 0>} : vector<16xi32>
    %add3A_185 = arith.constant 16 : i32
    %add3A_186 = vector.broadcast %add3A_185 : i32 to vector<16xi32>
    %add3A_187 = arith.addi %iota3A_184, %add3A_186 : vector<16xi32>
    %broadcast_in_dim3A_188 = arith.constant 0 : i32
    %broadcast_in_dim3A_189 = vector.broadcast %broadcast_in_dim3A_188 : i32 to vector<16xi32>
    %add3A_190 = arith.constant 3 : i32
    %add3A_191 = vector.broadcast %add3A_190 : i32 to vector<16xi32>
    %add3A_192 = arith.addi %broadcast_in_dim3A_189, %add3A_191 : vector<16xi32>
    %gather3A_193 = tpu.vector_load_idx %arg6[%add3A_187, %add3A_192] : memref<64x128xi32, #tpu.memory_space<vmem>>[vector<16xi32>, vector<16xi32>], vector<16xi32>,
    %swap3A_194 = arith.constant 1 : i32
    %swap3A_195 = arith.index_cast %swap3A_194 : i32 to index
    %swap3A_196 = arith.constant 80 : index
    %swap3A_197 = tpu.vector_load %arg7[%swap3A_195, %swap3A_196] {strides = array<i32>} : memref<3x128xi32, #tpu.memory_space<vmem>>, vector<16xi32>,
    tpu.vector_store %arg7[%swap3A_195, %swap3A_196], %gather3A_193 {strides = array<i32>} : memref<3x128xi32, #tpu.memory_space<vmem>>, vector<16xi32>,
    %iota3A_198 = tpu.iota {dimensions = array<i32: 0>} : vector<16xi32>
    %add3A_199 = arith.constant 32 : i32
    %add3A_200 = vector.broadcast %add3A_199 : i32 to vector<16xi32>
    %add3A_201 = arith.addi %iota3A_198, %add3A_200 : vector<16xi32>
    %broadcast_in_dim3A_202 = arith.constant 0 : i32
    %broadcast_in_dim3A_203 = vector.broadcast %broadcast_in_dim3A_202 : i32 to vector<16xi32>
    %add3A_204 = arith.constant 3 : i32
    %add3A_205 = vector.broadcast %add3A_204 : i32 to vector<16xi32>
    %add3A_206 = arith.addi %broadcast_in_dim3A_203, %add3A_205 : vector<16xi32>
    %gather3A_207 = tpu.vector_load_idx %arg6[%add3A_201, %add3A_206] : memref<64x128xi32, #tpu.memory_space<vmem>>[vector<16xi32>, vector<16xi32>], vector<16xi32>,
    %swap3A_208 = arith.constant 1 : i32
    %swap3A_209 = arith.index_cast %swap3A_208 : i32 to index
    %swap3A_210 = arith.constant 96 : index
    %swap3A_211 = tpu.vector_load %arg7[%swap3A_209, %swap3A_210] {strides = array<i32>} : memref<3x128xi32, #tpu.memory_space<vmem>>, vector<16xi32>,
    tpu.vector_store %arg7[%swap3A_209, %swap3A_210], %gather3A_207 {strides = array<i32>} : memref<3x128xi32, #tpu.memory_space<vmem>>, vector<16xi32>,
    %iota3A_212 = tpu.iota {dimensions = array<i32: 0>} : vector<16xi32>
    %add3A_213 = arith.constant 48 : i32
    %add3A_214 = vector.broadcast %add3A_213 : i32 to vector<16xi32>
    %add3A_215 = arith.addi %iota3A_212, %add3A_214 : vector<16xi32>
    %broadcast_in_dim3A_216 = arith.constant 0 : i32
    %broadcast_in_dim3A_217 = vector.broadcast %broadcast_in_dim3A_216 : i32 to vector<16xi32>
    %add3A_218 = arith.constant 3 : i32
    %add3A_219 = vector.broadcast %add3A_218 : i32 to vector<16xi32>
    %add3A_220 = arith.addi %broadcast_in_dim3A_217, %add3A_219 : vector<16xi32>
    %gather3A_221 = tpu.vector_load_idx %arg6[%add3A_215, %add3A_220] : memref<64x128xi32, #tpu.memory_space<vmem>>[vector<16xi32>, vector<16xi32>], vector<16xi32>,
    %swap3A_222 = arith.constant 1 : i32
    %swap3A_223 = arith.index_cast %swap3A_222 : i32 to index
    %swap3A_224 = arith.constant 112 : index
    %swap3A_225 = tpu.vector_load %arg7[%swap3A_223, %swap3A_224] {strides = array<i32>} : memref<3x128xi32, #tpu.memory_space<vmem>>, vector<16xi32>,
    tpu.vector_store %arg7[%swap3A_223, %swap3A_224], %gather3A_221 {strides = array<i32>} : memref<3x128xi32, #tpu.memory_space<vmem>>, vector<16xi32>,
    %iota3A_226 = tpu.iota {dimensions = array<i32: 0>} : vector<16xi32>
    %add3A_227 = arith.constant 0 : i32
    %add3A_228 = vector.broadcast %add3A_227 : i32 to vector<16xi32>
    %add3A_229 = arith.addi %iota3A_226, %add3A_228 : vector<16xi32>
    %broadcast_in_dim3A_230 = arith.constant 0 : i32
    %broadcast_in_dim3A_231 = vector.broadcast %broadcast_in_dim3A_230 : i32 to vector<16xi32>
    %add3A_232 = arith.constant 4 : i32
    %add3A_233 = vector.broadcast %add3A_232 : i32 to vector<16xi32>
    %add3A_234 = arith.addi %broadcast_in_dim3A_231, %add3A_233 : vector<16xi32>
    %gather3A_235 = tpu.vector_load_idx %arg6[%add3A_229, %add3A_234] : memref<64x128xi32, #tpu.memory_space<vmem>>[vector<16xi32>, vector<16xi32>], vector<16xi32>,
    %swap3A_236 = arith.constant 2 : i32
    %swap3A_237 = arith.index_cast %swap3A_236 : i32 to index
    %swap3A_238 = arith.constant 0 : index
    %swap3A_239 = tpu.vector_load %arg7[%swap3A_237, %swap3A_238] {strides = array<i32>} : memref<3x128xi32, #tpu.memory_space<vmem>>, vector<16xi32>,
    tpu.vector_store %arg7[%swap3A_237, %swap3A_238], %gather3A_235 {strides = array<i32>} : memref<3x128xi32, #tpu.memory_space<vmem>>, vector<16xi32>,
    %iota3A_240 = tpu.iota {dimensions = array<i32: 0>} : vector<16xi32>
    %add3A_241 = arith.constant 16 : i32
    %add3A_242 = vector.broadcast %add3A_241 : i32 to vector<16xi32>
    %add3A_243 = arith.addi %iota3A_240, %add3A_242 : vector<16xi32>
    %broadcast_in_dim3A_244 = arith.constant 0 : i32
    %broadcast_in_dim3A_245 = vector.broadcast %broadcast_in_dim3A_244 : i32 to vector<16xi32>
    %add3A_246 = arith.constant 4 : i32
    %add3A_247 = vector.broadcast %add3A_246 : i32 to vector<16xi32>
    %add3A_248 = arith.addi %broadcast_in_dim3A_245, %add3A_247 : vector<16xi32>
    %gather3A_249 = tpu.vector_load_idx %arg6[%add3A_243, %add3A_248] : memref<64x128xi32, #tpu.memory_space<vmem>>[vector<16xi32>, vector<16xi32>], vector<16xi32>,
    %swap3A_250 = arith.constant 2 : i32
    %swap3A_251 = arith.index_cast %swap3A_250 : i32 to index
    %swap3A_252 = arith.constant 16 : index
    %swap3A_253 = tpu.vector_load %arg7[%swap3A_251, %swap3A_252] {strides = array<i32>} : memref<3x128xi32, #tpu.memory_space<vmem>>, vector<16xi32>,
    tpu.vector_store %arg7[%swap3A_251, %swap3A_252], %gather3A_249 {strides = array<i32>} : memref<3x128xi32, #tpu.memory_space<vmem>>, vector<16xi32>,
    %iota3A_254 = tpu.iota {dimensions = array<i32: 0>} : vector<16xi32>
    %add3A_255 = arith.constant 32 : i32
    %add3A_256 = vector.broadcast %add3A_255 : i32 to vector<16xi32>
    %add3A_257 = arith.addi %iota3A_254, %add3A_256 : vector<16xi32>
    %broadcast_in_dim3A_258 = arith.constant 0 : i32
    %broadcast_in_dim3A_259 = vector.broadcast %broadcast_in_dim3A_258 : i32 to vector<16xi32>
    %add3A_260 = arith.constant 4 : i32
    %add3A_261 = vector.broadcast %add3A_260 : i32 to vector<16xi32>
    %add3A_262 = arith.addi %broadcast_in_dim3A_259, %add3A_261 : vector<16xi32>
    %gather3A_263 = tpu.vector_load_idx %arg6[%add3A_257, %add3A_262] : memref<64x128xi32, #tpu.memory_space<vmem>>[vector<16xi32>, vector<16xi32>], vector<16xi32>,
    %swap3A_264 = arith.constant 2 : i32
    %swap3A_265 = arith.index_cast %swap3A_264 : i32 to index
    %swap3A_266 = arith.constant 32 : index
    %swap3A_267 = tpu.vector_load %arg7[%swap3A_265, %swap3A_266] {strides = array<i32>} : memref<3x128xi32, #tpu.memory_space<vmem>>, vector<16xi32>,
    tpu.vector_store %arg7[%swap3A_265, %swap3A_266], %gather3A_263 {strides = array<i32>} : memref<3x128xi32, #tpu.memory_space<vmem>>, vector<16xi32>,
    %iota3A_268 = tpu.iota {dimensions = array<i32: 0>} : vector<16xi32>
    %add3A_269 = arith.constant 48 : i32
    %add3A_270 = vector.broadcast %add3A_269 : i32 to vector<16xi32>
    %add3A_271 = arith.addi %iota3A_268, %add3A_270 : vector<16xi32>
    %broadcast_in_dim3A_272 = arith.constant 0 : i32
    %broadcast_in_dim3A_273 = vector.broadcast %broadcast_in_dim3A_272 : i32 to vector<16xi32>
    %add3A_274 = arith.constant 4 : i32
    %add3A_275 = vector.broadcast %add3A_274 : i32 to vector<16xi32>
    %add3A_276 = arith.addi %broadcast_in_dim3A_273, %add3A_275 : vector<16xi32>
    %gather3A_277 = tpu.vector_load_idx %arg6[%add3A_271, %add3A_276] : memref<64x128xi32, #tpu.memory_space<vmem>>[vector<16xi32>, vector<16xi32>], vector<16xi32>,
    %swap3A_278 = arith.constant 2 : i32
    %swap3A_279 = arith.index_cast %swap3A_278 : i32 to index
    %swap3A_280 = arith.constant 48 : index
    %swap3A_281 = tpu.vector_load %arg7[%swap3A_279, %swap3A_280] {strides = array<i32>} : memref<3x128xi32, #tpu.memory_space<vmem>>, vector<16xi32>,
    tpu.vector_store %arg7[%swap3A_279, %swap3A_280], %gather3A_277 {strides = array<i32>} : memref<3x128xi32, #tpu.memory_space<vmem>>, vector<16xi32>,
    %iota3A_282 = tpu.iota {dimensions = array<i32: 0>} : vector<16xi32>
    %add3A_283 = arith.constant 0 : i32
    %add3A_284 = vector.broadcast %add3A_283 : i32 to vector<16xi32>
    %add3A_285 = arith.addi %iota3A_282, %add3A_284 : vector<16xi32>
    %broadcast_in_dim3A_286 = arith.constant 0 : i32
    %broadcast_in_dim3A_287 = vector.broadcast %broadcast_in_dim3A_286 : i32 to vector<16xi32>
    %add3A_288 = arith.constant 5 : i32
    %add3A_289 = vector.broadcast %add3A_288 : i32 to vector<16xi32>
    %add3A_290 = arith.addi %broadcast_in_dim3A_287, %add3A_289 : vector<16xi32>
    %gather3A_291 = tpu.vector_load_idx %arg6[%add3A_285, %add3A_290] : memref<64x128xi32, #tpu.memory_space<vmem>>[vector<16xi32>, vector<16xi32>], vector<16xi32>,
    %swap3A_292 = arith.constant 2 : i32
    %swap3A_293 = arith.index_cast %swap3A_292 : i32 to index
    %swap3A_294 = arith.constant 64 : index
    %swap3A_295 = tpu.vector_load %arg7[%swap3A_293, %swap3A_294] {strides = array<i32>} : memref<3x128xi32, #tpu.memory_space<vmem>>, vector<16xi32>,
    tpu.vector_store %arg7[%swap3A_293, %swap3A_294], %gather3A_291 {strides = array<i32>} : memref<3x128xi32, #tpu.memory_space<vmem>>, vector<16xi32>,
    %iota3A_296 = tpu.iota {dimensions = array<i32: 0>} : vector<16xi32>
    %add3A_297 = arith.constant 16 : i32
    %add3A_298 = vector.broadcast %add3A_297 : i32 to vector<16xi32>
    %add3A_299 = arith.addi %iota3A_296, %add3A_298 : vector<16xi32>
    %broadcast_in_dim3A_300 = arith.constant 0 : i32
    %broadcast_in_dim3A_301 = vector.broadcast %broadcast_in_dim3A_300 : i32 to vector<16xi32>
    %add3A_302 = arith.constant 5 : i32
    %add3A_303 = vector.broadcast %add3A_302 : i32 to vector<16xi32>
    %add3A_304 = arith.addi %broadcast_in_dim3A_301, %add3A_303 : vector<16xi32>
    %gather3A_305 = tpu.vector_load_idx %arg6[%add3A_299, %add3A_304] : memref<64x128xi32, #tpu.memory_space<vmem>>[vector<16xi32>, vector<16xi32>], vector<16xi32>,
    %swap3A_306 = arith.constant 2 : i32
    %swap3A_307 = arith.index_cast %swap3A_306 : i32 to index
    %swap3A_308 = arith.constant 80 : index
    %swap3A_309 = tpu.vector_load %arg7[%swap3A_307, %swap3A_308] {strides = array<i32>} : memref<3x128xi32, #tpu.memory_space<vmem>>, vector<16xi32>,
    tpu.vector_store %arg7[%swap3A_307, %swap3A_308], %gather3A_305 {strides = array<i32>} : memref<3x128xi32, #tpu.memory_space<vmem>>, vector<16xi32>,
    %iota3A_310 = tpu.iota {dimensions = array<i32: 0>} : vector<16xi32>
    %add3A_311 = arith.constant 32 : i32
    %add3A_312 = vector.broadcast %add3A_311 : i32 to vector<16xi32>
    %add3A_313 = arith.addi %iota3A_310, %add3A_312 : vector<16xi32>
    %broadcast_in_dim3A_314 = arith.constant 0 : i32
    %broadcast_in_dim3A_315 = vector.broadcast %broadcast_in_dim3A_314 : i32 to vector<16xi32>
    %add3A_316 = arith.constant 5 : i32
    %add3A_317 = vector.broadcast %add3A_316 : i32 to vector<16xi32>
    %add3A_318 = arith.addi %broadcast_in_dim3A_315, %add3A_317 : vector<16xi32>
    %gather3A_319 = tpu.vector_load_idx %arg6[%add3A_313, %add3A_318] : memref<64x128xi32, #tpu.memory_space<vmem>>[vector<16xi32>, vector<16xi32>], vector<16xi32>,
    %swap3A_320 = arith.constant 2 : i32
    %swap3A_321 = arith.index_cast %swap3A_320 : i32 to index
    %swap3A_322 = arith.constant 96 : index
    %swap3A_323 = tpu.vector_load %arg7[%swap3A_321, %swap3A_322] {strides = array<i32>} : memref<3x128xi32, #tpu.memory_space<vmem>>, vector<16xi32>,
    tpu.vector_store %arg7[%swap3A_321, %swap3A_322], %gather3A_319 {strides = array<i32>} : memref<3x128xi32, #tpu.memory_space<vmem>>, vector<16xi32>,
    %iota3A_324 = tpu.iota {dimensions = array<i32: 0>} : vector<16xi32>
    %add3A_325 = arith.constant 48 : i32
    %add3A_326 = vector.broadcast %add3A_325 : i32 to vector<16xi32>
    %add3A_327 = arith.addi %iota3A_324, %add3A_326 : vector<16xi32>
    %broadcast_in_dim3A_328 = arith.constant 0 : i32
    %broadcast_in_dim3A_329 = vector.broadcast %broadcast_in_dim3A_328 : i32 to vector<16xi32>
    %add3A_330 = arith.constant 5 : i32
    %add3A_331 = vector.broadcast %add3A_330 : i32 to vector<16xi32>
    %add3A_332 = arith.addi %broadcast_in_dim3A_329, %add3A_331 : vector<16xi32>
    %gather3A_333 = tpu.vector_load_idx %arg6[%add3A_327, %add3A_332] : memref<64x128xi32, #tpu.memory_space<vmem>>[vector<16xi32>, vector<16xi32>], vector<16xi32>,
    %swap3A_334 = arith.constant 2 : i32
    %swap3A_335 = arith.index_cast %swap3A_334 : i32 to index
    %swap3A_336 = arith.constant 112 : index
    %swap3A_337 = tpu.vector_load %arg7[%swap3A_335, %swap3A_336] {strides = array<i32>} : memref<3x128xi32, #tpu.memory_space<vmem>>, vector<16xi32>,
    tpu.vector_store %arg7[%swap3A_335, %swap3A_336], %gather3A_333 {strides = array<i32>} : memref<3x128xi32, #tpu.memory_space<vmem>>, vector<16xi32>,
    %dma_start3A_338 = arith.constant 0 : i32
    %dma_start3A_339 = arith.constant 0 : i32
    %dma_start3A_340 = arith.constant 0 : i32
    %dma_start3A_341 = arith.constant 0 : i32
    %dma_start3A_342 = tpu.memref_slice %arg8[%dma_start3A_339, %dma_start3A_340, %dma_start3A_341] : memref<3x128x128xf32, #tpu.memory_space<vmem>> -> memref<1x128x128xf32, #tpu.memory_space<vmem>>
    %dma_start3A_343 = tpu.memref_squeeze %dma_start3A_342 : memref<1x128x128xf32, #tpu.memory_space<vmem>> -> memref<128x128xf32, #tpu.memory_space<vmem>>
    %dma_start3A_344 = arith.constant 0 : i32
    %dma_start3A_345 = tpu.memref_slice %arg7[%dma_start3A_338, %dma_start3A_344] : memref<3x128xi32, #tpu.memory_space<vmem>> -> memref<1x128xi32, #tpu.memory_space<vmem>>
    %dma_start3A_346 = tpu.memref_squeeze %dma_start3A_345 : memref<1x128xi32, #tpu.memory_space<vmem>> -> memref<128xi32, #tpu.memory_space<vmem>>
    %dma_start3A_347 = arith.constant 0 : i32
    %dma_start3A_348 = arith.constant 0 : i32
    %dma_start3A_349 = tpu.memref_slice %arg3[%dma_start3A_347, %dma_start3A_348] : memref<32768x128xf32, #tpu.memory_space<hbm>> -> memref<32768x128xf32, #tpu.memory_space<hbm>>
    tpu.enqueue_indirect_dma source(%dma_start3A_349 : memref<32768x128xf32, #tpu.memory_space<hbm>>) target(%dma_start3A_343 : memref<128x128xf32, #tpu.memory_space<vmem>>) offsets(%dma_start3A_346 : memref<128xi32, #tpu.memory_space<vmem>>) semaphore(%arg12 : memref<!tpu.dma_semaphore, #tpu.memory_space<semaphore_mem>>)
    %dma_start3A_350 = arith.constant 1 : i32
    %dma_start3A_351 = arith.constant 1 : i32
    %dma_start3A_352 = arith.constant 0 : i32
    %dma_start3A_353 = arith.constant 0 : i32
    %dma_start3A_354 = tpu.memref_slice %arg8[%dma_start3A_351, %dma_start3A_352, %dma_start3A_353] : memref<3x128x128xf32, #tpu.memory_space<vmem>> -> memref<1x128x128xf32, #tpu.memory_space<vmem>>
    %dma_start3A_355 = tpu.memref_squeeze %dma_start3A_354 : memref<1x128x128xf32, #tpu.memory_space<vmem>> -> memref<128x128xf32, #tpu.memory_space<vmem>>
    %dma_start3A_356 = arith.constant 0 : i32
    %dma_start3A_357 = tpu.memref_slice %arg7[%dma_start3A_350, %dma_start3A_356] : memref<3x128xi32, #tpu.memory_space<vmem>> -> memref<1x128xi32, #tpu.memory_space<vmem>>
    %dma_start3A_358 = tpu.memref_squeeze %dma_start3A_357 : memref<1x128xi32, #tpu.memory_space<vmem>> -> memref<128xi32, #tpu.memory_space<vmem>>
    %dma_start3A_359 = arith.constant 0 : i32
    %dma_start3A_360 = arith.constant 0 : i32
    %dma_start3A_361 = tpu.memref_slice %arg3[%dma_start3A_359, %dma_start3A_360] : memref<32768x128xf32, #tpu.memory_space<hbm>> -> memref<32768x128xf32, #tpu.memory_space<hbm>>
    tpu.enqueue_indirect_dma source(%dma_start3A_361 : memref<32768x128xf32, #tpu.memory_space<hbm>>) target(%dma_start3A_355 : memref<128x128xf32, #tpu.memory_space<vmem>>) offsets(%dma_start3A_358 : memref<128xi32, #tpu.memory_space<vmem>>) semaphore(%arg12 : memref<!tpu.dma_semaphore, #tpu.memory_space<semaphore_mem>>)
    %dma_start3A_362 = arith.constant 2 : i32
    %dma_start3A_363 = arith.constant 2 : i32
    %dma_start3A_364 = arith.constant 0 : i32
    %dma_start3A_365 = arith.constant 0 : i32
    %dma_start3A_366 = tpu.memref_slice %arg8[%dma_start3A_363, %dma_start3A_364, %dma_start3A_365] : memref<3x128x128xf32, #tpu.memory_space<vmem>> -> memref<1x128x128xf32, #tpu.memory_space<vmem>>
    %dma_start3A_367 = tpu.memref_squeeze %dma_start3A_366 : memref<1x128x128xf32, #tpu.memory_space<vmem>> -> memref<128x128xf32, #tpu.memory_space<vmem>>
    %dma_start3A_368 = arith.constant 0 : i32
    %dma_start3A_369 = tpu.memref_slice %arg7[%dma_start3A_362, %dma_start3A_368] : memref<3x128xi32, #tpu.memory_space<vmem>> -> memref<1x128xi32, #tpu.memory_space<vmem>>
    %dma_start3A_370 = tpu.memref_squeeze %dma_start3A_369 : memref<1x128xi32, #tpu.memory_space<vmem>> -> memref<128xi32, #tpu.memory_space<vmem>>
    %dma_start3A_371 = arith.constant 0 : i32
    %dma_start3A_372 = arith.constant 0 : i32
    %dma_start3A_373 = tpu.memref_slice %arg3[%dma_start3A_371, %dma_start3A_372] : memref<32768x128xf32, #tpu.memory_space<hbm>> -> memref<32768x128xf32, #tpu.memory_space<hbm>>
    tpu.enqueue_indirect_dma source(%dma_start3A_373 : memref<32768x128xf32, #tpu.memory_space<hbm>>) target(%dma_start3A_367 : memref<128x128xf32, #tpu.memory_space<vmem>>) offsets(%dma_start3A_370 : memref<128xi32, #tpu.memory_space<vmem>>) semaphore(%arg12 : memref<!tpu.dma_semaphore, #tpu.memory_space<semaphore_mem>>)
    %dma_wait3A = arith.constant 0 : i32
    %dma_wait3A_374 = tpu.memref_slice %arg4[%mul3A_2, %dma_wait3A] : memref<2048x128xf32, #tpu.memory_space<hbm>> -> memref<64x128xf32, #tpu.memory_space<hbm>>
    %dma_wait3A_375 = arith.constant 0 : i32
    %dma_wait3A_376 = tpu.memref_slice %arg4[%mul3A_2, %dma_wait3A_375] : memref<2048x128xf32, #tpu.memory_space<hbm>> -> memref<64x128xf32, #tpu.memory_space<hbm>>
    tpu.wait_dma2 semaphore(%arg11 : memref<!tpu.dma_semaphore, #tpu.memory_space<semaphore_mem>>) src(%dma_wait3A_376 : memref<64x128xf32, #tpu.memory_space<hbm>>) dst(%arg9 : memref<64x128xf32, #tpu.memory_space<vmem>>)
    %dma_wait3A_377 = arith.constant 0 : i32
    %dma_wait3A_378 = arith.constant 0 : i32
    %dma_wait3A_379 = arith.constant 0 : i32
    %dma_wait3A_380 = arith.constant 0 : i32
    %dma_wait3A_381 = tpu.memref_slice %arg8[%dma_wait3A_378, %dma_wait3A_379, %dma_wait3A_380] : memref<3x128x128xf32, #tpu.memory_space<vmem>> -> memref<1x128x128xf32, #tpu.memory_space<vmem>>
    %dma_wait3A_382 = tpu.memref_squeeze %dma_wait3A_381 : memref<1x128x128xf32, #tpu.memory_space<vmem>> -> memref<128x128xf32, #tpu.memory_space<vmem>>
    %dma_wait3A_383 = arith.constant 0 : i32
    %dma_wait3A_384 = tpu.memref_slice %arg7[%dma_wait3A_377, %dma_wait3A_383] : memref<3x128xi32, #tpu.memory_space<vmem>> -> memref<1x128xi32, #tpu.memory_space<vmem>>
    %dma_wait3A_385 = tpu.memref_squeeze %dma_wait3A_384 : memref<1x128xi32, #tpu.memory_space<vmem>> -> memref<128xi32, #tpu.memory_space<vmem>>
    %dma_wait3A_386 = arith.constant 0 : i32
    %dma_wait3A_387 = arith.constant 0 : i32
    %dma_wait3A_388 = tpu.memref_slice %arg3[%dma_wait3A_386, %dma_wait3A_387] : memref<32768x128xf32, #tpu.memory_space<hbm>> -> memref<32768x128xf32, #tpu.memory_space<hbm>>
    tpu.wait_indirect_dma semaphore(%arg12 : memref<!tpu.dma_semaphore, #tpu.memory_space<semaphore_mem>>) src(%dma_wait3A_388 : memref<32768x128xf32, #tpu.memory_space<hbm>>) dst(%dma_wait3A_382 : memref<128x128xf32, #tpu.memory_space<vmem>>)
    %dma_wait3A_389 = arith.constant 1 : i32
    %dma_wait3A_390 = arith.constant 1 : i32
    %dma_wait3A_391 = arith.constant 0 : i32
    %dma_wait3A_392 = arith.constant 0 : i32
    %dma_wait3A_393 = tpu.memref_slice %arg8[%dma_wait3A_390, %dma_wait3A_391, %dma_wait3A_392] : memref<3x128x128xf32, #tpu.memory_space<vmem>> -> memref<1x128x128xf32, #tpu.memory_space<vmem>>
    %dma_wait3A_394 = tpu.memref_squeeze %dma_wait3A_393 : memref<1x128x128xf32, #tpu.memory_space<vmem>> -> memref<128x128xf32, #tpu.memory_space<vmem>>
    %dma_wait3A_395 = arith.constant 0 : i32
    %dma_wait3A_396 = tpu.memref_slice %arg7[%dma_wait3A_389, %dma_wait3A_395] : memref<3x128xi32, #tpu.memory_space<vmem>> -> memref<1x128xi32, #tpu.memory_space<vmem>>
    %dma_wait3A_397 = tpu.memref_squeeze %dma_wait3A_396 : memref<1x128xi32, #tpu.memory_space<vmem>> -> memref<128xi32, #tpu.memory_space<vmem>>
    %dma_wait3A_398 = arith.constant 0 : i32
    %dma_wait3A_399 = arith.constant 0 : i32
    %dma_wait3A_400 = tpu.memref_slice %arg3[%dma_wait3A_398, %dma_wait3A_399] : memref<32768x128xf32, #tpu.memory_space<hbm>> -> memref<32768x128xf32, #tpu.memory_space<hbm>>
    tpu.wait_indirect_dma semaphore(%arg12 : memref<!tpu.dma_semaphore, #tpu.memory_space<semaphore_mem>>) src(%dma_wait3A_400 : memref<32768x128xf32, #tpu.memory_space<hbm>>) dst(%dma_wait3A_394 : memref<128x128xf32, #tpu.memory_space<vmem>>)
    %dma_wait3A_401 = arith.constant 2 : i32
    %dma_wait3A_402 = arith.constant 2 : i32
    %dma_wait3A_403 = arith.constant 0 : i32
    %dma_wait3A_404 = arith.constant 0 : i32
    %dma_wait3A_405 = tpu.memref_slice %arg8[%dma_wait3A_402, %dma_wait3A_403, %dma_wait3A_404] : memref<3x128x128xf32, #tpu.memory_space<vmem>> -> memref<1x128x128xf32, #tpu.memory_space<vmem>>
    %dma_wait3A_406 = tpu.memref_squeeze %dma_wait3A_405 : memref<1x128x128xf32, #tpu.memory_space<vmem>> -> memref<128x128xf32, #tpu.memory_space<vmem>>
    %dma_wait3A_407 = arith.constant 0 : i32
    %dma_wait3A_408 = tpu.memref_slice %arg7[%dma_wait3A_401, %dma_wait3A_407] : memref<3x128xi32, #tpu.memory_space<vmem>> -> memref<1x128xi32, #tpu.memory_space<vmem>>
    %dma_wait3A_409 = tpu.memref_squeeze %dma_wait3A_408 : memref<1x128xi32, #tpu.memory_space<vmem>> -> memref<128xi32, #tpu.memory_space<vmem>>
    %dma_wait3A_410 = arith.constant 0 : i32
    %dma_wait3A_411 = arith.constant 0 : i32
    %dma_wait3A_412 = tpu.memref_slice %arg3[%dma_wait3A_410, %dma_wait3A_411] : memref<32768x128xf32, #tpu.memory_space<hbm>> -> memref<32768x128xf32, #tpu.memory_space<hbm>>
    tpu.wait_indirect_dma semaphore(%arg12 : memref<!tpu.dma_semaphore, #tpu.memory_space<semaphore_mem>>) src(%dma_wait3A_412 : memref<32768x128xf32, #tpu.memory_space<hbm>>) dst(%dma_wait3A_406 : memref<128x128xf32, #tpu.memory_space<vmem>>)
    %scan3A = arith.constant 0 : i32
    %scan3A_413 = arith.constant 0 : i32
    %scan3A_414 = arith.constant 64 : i32
    %scan3A_415 = arith.addi %scan3A_413, %scan3A_414 : i32
    %scan3A_416 = arith.constant 1 : i32
    scf.for %scan3A_418 = %scan3A_413 to %scan3A_415 step %scan3A_416  : i32 {
      %get3A = arith.index_cast %scan3A_418 : i32 to index
      %get3A_419 = arith.constant 0 : index
      %get3A_420 = tpu.vector_load %arg9[%get3A, %get3A_419] {strides = array<i32>} : memref<64x128xf32, #tpu.memory_space<vmem>>, vector<16xf32>,
      %add3A_421 = arith.constant 0 : i32
      %add3A_422 = arith.addi %add3A_421, %scan3A_418 : i32
      %get3A_423 = arith.constant 0 : i32
      %get3A_424 = arith.index_cast %get3A_423 : i32 to index
      %get3A_425 = arith.index_cast %add3A_422 : i32 to index
      %get3A_426 = arith.constant 0 : index
      %get3A_427 = tpu.vector_load %arg8[%get3A_424, %get3A_425, %get3A_426] {strides = array<i32>} : memref<3x128x128xf32, #tpu.memory_space<vmem>>, vector<16xf32>,
      %add3A_428 = arith.addf %get3A_420, %get3A_427 : vector<16xf32>
      %add3A_429 = arith.constant 64 : i32
      %add3A_430 = arith.addi %add3A_429, %scan3A_418 : i32
      %get3A_431 = arith.constant 0 : i32
      %get3A_432 = arith.index_cast %get3A_431 : i32 to index
      %get3A_433 = arith.index_cast %add3A_430 : i32 to index
      %get3A_434 = arith.constant 0 : index
      %get3A_435 = tpu.vector_load %arg8[%get3A_432, %get3A_433, %get3A_434] {strides = array<i32>} : memref<3x128x128xf32, #tpu.memory_space<vmem>>, vector<16xf32>,
      %add3A_436 = arith.addf %add3A_428, %get3A_435 : vector<16xf32>
      %add3A_437 = arith.constant 0 : i32
      %add3A_438 = arith.addi %add3A_437, %scan3A_418 : i32
      %get3A_439 = arith.constant 1 : i32
      %get3A_440 = arith.index_cast %get3A_439 : i32 to index
      %get3A_441 = arith.index_cast %add3A_438 : i32 to index
      %get3A_442 = arith.constant 0 : index
      %get3A_443 = tpu.vector_load %arg8[%get3A_440, %get3A_441, %get3A_442] {strides = array<i32>} : memref<3x128x128xf32, #tpu.memory_space<vmem>>, vector<16xf32>,
      %add3A_444 = arith.addf %add3A_436, %get3A_443 : vector<16xf32>
      %add3A_445 = arith.constant 64 : i32
      %add3A_446 = arith.addi %add3A_445, %scan3A_418 : i32
      %get3A_447 = arith.constant 1 : i32
      %get3A_448 = arith.index_cast %get3A_447 : i32 to index
      %get3A_449 = arith.index_cast %add3A_446 : i32 to index
      %get3A_450 = arith.constant 0 : index
      %get3A_451 = tpu.vector_load %arg8[%get3A_448, %get3A_449, %get3A_450] {strides = array<i32>} : memref<3x128x128xf32, #tpu.memory_space<vmem>>, vector<16xf32>,
      %add3A_452 = arith.addf %add3A_444, %get3A_451 : vector<16xf32>
      %add3A_453 = arith.constant 0 : i32
      %add3A_454 = arith.addi %add3A_453, %scan3A_418 : i32
      %get3A_455 = arith.constant 2 : i32
      %get3A_456 = arith.index_cast %get3A_455 : i32 to index
      %get3A_457 = arith.index_cast %add3A_454 : i32 to index
      %get3A_458 = arith.constant 0 : index
      %get3A_459 = tpu.vector_load %arg8[%get3A_456, %get3A_457, %get3A_458] {strides = array<i32>} : memref<3x128x128xf32, #tpu.memory_space<vmem>>, vector<16xf32>,
      %add3A_460 = arith.addf %add3A_452, %get3A_459 : vector<16xf32>
      %add3A_461 = arith.constant 64 : i32
      %add3A_462 = arith.addi %add3A_461, %scan3A_418 : i32
      %get3A_463 = arith.constant 2 : i32
      %get3A_464 = arith.index_cast %get3A_463 : i32 to index
      %get3A_465 = arith.index_cast %add3A_462 : i32 to index
      %get3A_466 = arith.constant 0 : index
      %get3A_467 = tpu.vector_load %arg8[%get3A_464, %get3A_465, %get3A_466] {strides = array<i32>} : memref<3x128x128xf32, #tpu.memory_space<vmem>>, vector<16xf32>,
      %add3A_468 = arith.addf %add3A_460, %get3A_467 : vector<16xf32>
      %swap3A_469 = arith.index_cast %scan3A_418 : i32 to index
      %swap3A_470 = arith.constant 0 : index
      %swap3A_471 = tpu.vector_load %arg10[%swap3A_469, %swap3A_470] {strides = array<i32>} : memref<64x128xf32, #tpu.memory_space<vmem>>, vector<16xf32>,
      tpu.vector_store %arg10[%swap3A_469, %swap3A_470], %add3A_468 {strides = array<i32>} : memref<64x128xf32, #tpu.memory_space<vmem>>, vector<16xf32>,
      %get3A_472 = arith.index_cast %scan3A_418 : i32 to index
      %get3A_473 = arith.constant 16 : index
      %get3A_474 = tpu.vector_load %arg9[%get3A_472, %get3A_473] {strides = array<i32>} : memref<64x128xf32, #tpu.memory_space<vmem>>, vector<16xf32>,
      %add3A_475 = arith.constant 0 : i32
      %add3A_476 = arith.addi %add3A_475, %scan3A_418 : i32
      %get3A_477 = arith.constant 0 : i32
      %get3A_478 = arith.index_cast %get3A_477 : i32 to index
      %get3A_479 = arith.index_cast %add3A_476 : i32 to index
      %get3A_480 = arith.constant 16 : index
      %get3A_481 = tpu.vector_load %arg8[%get3A_478, %get3A_479, %get3A_480] {strides = array<i32>} : memref<3x128x128xf32, #tpu.memory_space<vmem>>, vector<16xf32>,
      %add3A_482 = arith.addf %get3A_474, %get3A_481 : vector<16xf32>
      %add3A_483 = arith.constant 64 : i32
      %add3A_484 = arith.addi %add3A_483, %scan3A_418 : i32
      %get3A_485 = arith.constant 0 : i32
      %get3A_486 = arith.index_cast %get3A_485 : i32 to index
      %get3A_487 = arith.index_cast %add3A_484 : i32 to index
      %get3A_488 = arith.constant 16 : index
      %get3A_489 = tpu.vector_load %arg8[%get3A_486, %get3A_487, %get3A_488] {strides = array<i32>} : memref<3x128x128xf32, #tpu.memory_space<vmem>>, vector<16xf32>,
      %add3A_490 = arith.addf %add3A_482, %get3A_489 : vector<16xf32>
      %add3A_491 = arith.constant 0 : i32
      %add3A_492 = arith.addi %add3A_491, %scan3A_418 : i32
      %get3A_493 = arith.constant 1 : i32
      %get3A_494 = arith.index_cast %get3A_493 : i32 to index
      %get3A_495 = arith.index_cast %add3A_492 : i32 to index
      %get3A_496 = arith.constant 16 : index
      %get3A_497 = tpu.vector_load %arg8[%get3A_494, %get3A_495, %get3A_496] {strides = array<i32>} : memref<3x128x128xf32, #tpu.memory_space<vmem>>, vector<16xf32>,
      %add3A_498 = arith.addf %add3A_490, %get3A_497 : vector<16xf32>
      %add3A_499 = arith.constant 64 : i32
      %add3A_500 = arith.addi %add3A_499, %scan3A_418 : i32
      %get3A_501 = arith.constant 1 : i32
      %get3A_502 = arith.index_cast %get3A_501 : i32 to index
      %get3A_503 = arith.index_cast %add3A_500 : i32 to index
      %get3A_504 = arith.constant 16 : index
      %get3A_505 = tpu.vector_load %arg8[%get3A_502, %get3A_503, %get3A_504] {strides = array<i32>} : memref<3x128x128xf32, #tpu.memory_space<vmem>>, vector<16xf32>,
      %add3A_506 = arith.addf %add3A_498, %get3A_505 : vector<16xf32>
      %add3A_507 = arith.constant 0 : i32
      %add3A_508 = arith.addi %add3A_507, %scan3A_418 : i32
      %get3A_509 = arith.constant 2 : i32
      %get3A_510 = arith.index_cast %get3A_509 : i32 to index
      %get3A_511 = arith.index_cast %add3A_508 : i32 to index
      %get3A_512 = arith.constant 16 : index
      %get3A_513 = tpu.vector_load %arg8[%get3A_510, %get3A_511, %get3A_512] {strides = array<i32>} : memref<3x128x128xf32, #tpu.memory_space<vmem>>, vector<16xf32>,
      %add3A_514 = arith.addf %add3A_506, %get3A_513 : vector<16xf32>
      %add3A_515 = arith.constant 64 : i32
      %add3A_516 = arith.addi %add3A_515, %scan3A_418 : i32
      %get3A_517 = arith.constant 2 : i32
      %get3A_518 = arith.index_cast %get3A_517 : i32 to index
      %get3A_519 = arith.index_cast %add3A_516 : i32 to index
      %get3A_520 = arith.constant 16 : index
      %get3A_521 = tpu.vector_load %arg8[%get3A_518, %get3A_519, %get3A_520] {strides = array<i32>} : memref<3x128x128xf32, #tpu.memory_space<vmem>>, vector<16xf32>,
      %add3A_522 = arith.addf %add3A_514, %get3A_521 : vector<16xf32>
      %swap3A_523 = arith.index_cast %scan3A_418 : i32 to index
      %swap3A_524 = arith.constant 16 : index
      %swap3A_525 = tpu.vector_load %arg10[%swap3A_523, %swap3A_524] {strides = array<i32>} : memref<64x128xf32, #tpu.memory_space<vmem>>, vector<16xf32>,
      tpu.vector_store %arg10[%swap3A_523, %swap3A_524], %add3A_522 {strides = array<i32>} : memref<64x128xf32, #tpu.memory_space<vmem>>, vector<16xf32>,
      %get3A_526 = arith.index_cast %scan3A_418 : i32 to index
      %get3A_527 = arith.constant 32 : index
      %get3A_528 = tpu.vector_load %arg9[%get3A_526, %get3A_527] {strides = array<i32>} : memref<64x128xf32, #tpu.memory_space<vmem>>, vector<16xf32>,
      %add3A_529 = arith.constant 0 : i32
      %add3A_530 = arith.addi %add3A_529, %scan3A_418 : i32
      %get3A_531 = arith.constant 0 : i32
      %get3A_532 = arith.index_cast %get3A_531 : i32 to index
      %get3A_533 = arith.index_cast %add3A_530 : i32 to index
      %get3A_534 = arith.constant 32 : index
      %get3A_535 = tpu.vector_load %arg8[%get3A_532, %get3A_533, %get3A_534] {strides = array<i32>} : memref<3x128x128xf32, #tpu.memory_space<vmem>>, vector<16xf32>,
      %add3A_536 = arith.addf %get3A_528, %get3A_535 : vector<16xf32>
      %add3A_537 = arith.constant 64 : i32
      %add3A_538 = arith.addi %add3A_537, %scan3A_418 : i32
      %get3A_539 = arith.constant 0 : i32
      %get3A_540 = arith.index_cast %get3A_539 : i32 to index
      %get3A_541 = arith.index_cast %add3A_538 : i32 to index
      %get3A_542 = arith.constant 32 : index
      %get3A_543 = tpu.vector_load %arg8[%get3A_540, %get3A_541, %get3A_542] {strides = array<i32>} : memref<3x128x128xf32, #tpu.memory_space<vmem>>, vector<16xf32>,
      %add3A_544 = arith.addf %add3A_536, %get3A_543 : vector<16xf32>
      %add3A_545 = arith.constant 0 : i32
      %add3A_546 = arith.addi %add3A_545, %scan3A_418 : i32
      %get3A_547 = arith.constant 1 : i32
      %get3A_548 = arith.index_cast %get3A_547 : i32 to index
      %get3A_549 = arith.index_cast %add3A_546 : i32 to index
      %get3A_550 = arith.constant 32 : index
      %get3A_551 = tpu.vector_load %arg8[%get3A_548, %get3A_549, %get3A_550] {strides = array<i32>} : memref<3x128x128xf32, #tpu.memory_space<vmem>>, vector<16xf32>,
      %add3A_552 = arith.addf %add3A_544, %get3A_551 : vector<16xf32>
      %add3A_553 = arith.constant 64 : i32
      %add3A_554 = arith.addi %add3A_553, %scan3A_418 : i32
      %get3A_555 = arith.constant 1 : i32
      %get3A_556 = arith.index_cast %get3A_555 : i32 to index
      %get3A_557 = arith.index_cast %add3A_554 : i32 to index
      %get3A_558 = arith.constant 32 : index
      %get3A_559 = tpu.vector_load %arg8[%get3A_556, %get3A_557, %get3A_558] {strides = array<i32>} : memref<3x128x128xf32, #tpu.memory_space<vmem>>, vector<16xf32>,
      %add3A_560 = arith.addf %add3A_552, %get3A_559 : vector<16xf32>
      %add3A_561 = arith.constant 0 : i32
      %add3A_562 = arith.addi %add3A_561, %scan3A_418 : i32
      %get3A_563 = arith.constant 2 : i32
      %get3A_564 = arith.index_cast %get3A_563 : i32 to index
      %get3A_565 = arith.index_cast %add3A_562 : i32 to index
      %get3A_566 = arith.constant 32 : index
      %get3A_567 = tpu.vector_load %arg8[%get3A_564, %get3A_565, %get3A_566] {strides = array<i32>} : memref<3x128x128xf32, #tpu.memory_space<vmem>>, vector<16xf32>,
      %add3A_568 = arith.addf %add3A_560, %get3A_567 : vector<16xf32>
      %add3A_569 = arith.constant 64 : i32
      %add3A_570 = arith.addi %add3A_569, %scan3A_418 : i32
      %get3A_571 = arith.constant 2 : i32
      %get3A_572 = arith.index_cast %get3A_571 : i32 to index
      %get3A_573 = arith.index_cast %add3A_570 : i32 to index
      %get3A_574 = arith.constant 32 : index
      %get3A_575 = tpu.vector_load %arg8[%get3A_572, %get3A_573, %get3A_574] {strides = array<i32>} : memref<3x128x128xf32, #tpu.memory_space<vmem>>, vector<16xf32>,
      %add3A_576 = arith.addf %add3A_568, %get3A_575 : vector<16xf32>
      %swap3A_577 = arith.index_cast %scan3A_418 : i32 to index
      %swap3A_578 = arith.constant 32 : index
      %swap3A_579 = tpu.vector_load %arg10[%swap3A_577, %swap3A_578] {strides = array<i32>} : memref<64x128xf32, #tpu.memory_space<vmem>>, vector<16xf32>,
      tpu.vector_store %arg10[%swap3A_577, %swap3A_578], %add3A_576 {strides = array<i32>} : memref<64x128xf32, #tpu.memory_space<vmem>>, vector<16xf32>,
      %get3A_580 = arith.index_cast %scan3A_418 : i32 to index
      %get3A_581 = arith.constant 48 : index
      %get3A_582 = tpu.vector_load %arg9[%get3A_580, %get3A_581] {strides = array<i32>} : memref<64x128xf32, #tpu.memory_space<vmem>>, vector<16xf32>,
      %add3A_583 = arith.constant 0 : i32
      %add3A_584 = arith.addi %add3A_583, %scan3A_418 : i32
      %get3A_585 = arith.constant 0 : i32
      %get3A_586 = arith.index_cast %get3A_585 : i32 to index
      %get3A_587 = arith.index_cast %add3A_584 : i32 to index
      %get3A_588 = arith.constant 48 : index
      %get3A_589 = tpu.vector_load %arg8[%get3A_586, %get3A_587, %get3A_588] {strides = array<i32>} : memref<3x128x128xf32, #tpu.memory_space<vmem>>, vector<16xf32>,
      %add3A_590 = arith.addf %get3A_582, %get3A_589 : vector<16xf32>
      %add3A_591 = arith.constant 64 : i32
      %add3A_592 = arith.addi %add3A_591, %scan3A_418 : i32
      %get3A_593 = arith.constant 0 : i32
      %get3A_594 = arith.index_cast %get3A_593 : i32 to index
      %get3A_595 = arith.index_cast %add3A_592 : i32 to index
      %get3A_596 = arith.constant 48 : index
      %get3A_597 = tpu.vector_load %arg8[%get3A_594, %get3A_595, %get3A_596] {strides = array<i32>} : memref<3x128x128xf32, #tpu.memory_space<vmem>>, vector<16xf32>,
      %add3A_598 = arith.addf %add3A_590, %get3A_597 : vector<16xf32>
      %add3A_599 = arith.constant 0 : i32
      %add3A_600 = arith.addi %add3A_599, %scan3A_418 : i32
      %get3A_601 = arith.constant 1 : i32
      %get3A_602 = arith.index_cast %get3A_601 : i32 to index
      %get3A_603 = arith.index_cast %add3A_600 : i32 to index
      %get3A_604 = arith.constant 48 : index
      %get3A_605 = tpu.vector_load %arg8[%get3A_602, %get3A_603, %get3A_604] {strides = array<i32>} : memref<3x128x128xf32, #tpu.memory_space<vmem>>, vector<16xf32>,
      %add3A_606 = arith.addf %add3A_598, %get3A_605 : vector<16xf32>
      %add3A_607 = arith.constant 64 : i32
      %add3A_608 = arith.addi %add3A_607, %scan3A_418 : i32
      %get3A_609 = arith.constant 1 : i32
      %get3A_610 = arith.index_cast %get3A_609 : i32 to index
      %get3A_611 = arith.index_cast %add3A_608 : i32 to index
      %get3A_612 = arith.constant 48 : index
      %get3A_613 = tpu.vector_load %arg8[%get3A_610, %get3A_611, %get3A_612] {strides = array<i32>} : memref<3x128x128xf32, #tpu.memory_space<vmem>>, vector<16xf32>,
      %add3A_614 = arith.addf %add3A_606, %get3A_613 : vector<16xf32>
      %add3A_615 = arith.constant 0 : i32
      %add3A_616 = arith.addi %add3A_615, %scan3A_418 : i32
      %get3A_617 = arith.constant 2 : i32
      %get3A_618 = arith.index_cast %get3A_617 : i32 to index
      %get3A_619 = arith.index_cast %add3A_616 : i32 to index
      %get3A_620 = arith.constant 48 : index
      %get3A_621 = tpu.vector_load %arg8[%get3A_618, %get3A_619, %get3A_620] {strides = array<i32>} : memref<3x128x128xf32, #tpu.memory_space<vmem>>, vector<16xf32>,
      %add3A_622 = arith.addf %add3A_614, %get3A_621 : vector<16xf32>
      %add3A_623 = arith.constant 64 : i32
      %add3A_624 = arith.addi %add3A_623, %scan3A_418 : i32
      %get3A_625 = arith.constant 2 : i32
      %get3A_626 = arith.index_cast %get3A_625 : i32 to index
      %get3A_627 = arith.index_cast %add3A_624 : i32 to index
      %get3A_628 = arith.constant 48 : index
      %get3A_629 = tpu.vector_load %arg8[%get3A_626, %get3A_627, %get3A_628] {strides = array<i32>} : memref<3x128x128xf32, #tpu.memory_space<vmem>>, vector<16xf32>,
      %add3A_630 = arith.addf %add3A_622, %get3A_629 : vector<16xf32>
      %swap3A_631 = arith.index_cast %scan3A_418 : i32 to index
      %swap3A_632 = arith.constant 48 : index
      %swap3A_633 = tpu.vector_load %arg10[%swap3A_631, %swap3A_632] {strides = array<i32>} : memref<64x128xf32, #tpu.memory_space<vmem>>, vector<16xf32>,
      tpu.vector_store %arg10[%swap3A_631, %swap3A_632], %add3A_630 {strides = array<i32>} : memref<64x128xf32, #tpu.memory_space<vmem>>, vector<16xf32>,
      %get3A_634 = arith.index_cast %scan3A_418 : i32 to index
      %get3A_635 = arith.constant 64 : index
      %get3A_636 = tpu.vector_load %arg9[%get3A_634, %get3A_635] {strides = array<i32>} : memref<64x128xf32, #tpu.memory_space<vmem>>, vector<16xf32>,
      %add3A_637 = arith.constant 0 : i32
      %add3A_638 = arith.addi %add3A_637, %scan3A_418 : i32
      %get3A_639 = arith.constant 0 : i32
      %get3A_640 = arith.index_cast %get3A_639 : i32 to index
      %get3A_641 = arith.index_cast %add3A_638 : i32 to index
      %get3A_642 = arith.constant 64 : index
      %get3A_643 = tpu.vector_load %arg8[%get3A_640, %get3A_641, %get3A_642] {strides = array<i32>} : memref<3x128x128xf32, #tpu.memory_space<vmem>>, vector<16xf32>,
      %add3A_644 = arith.addf %get3A_636, %get3A_643 : vector<16xf32>
      %add3A_645 = arith.constant 64 : i32
      %add3A_646 = arith.addi %add3A_645, %scan3A_418 : i32
      %get3A_647 = arith.constant 0 : i32
      %get3A_648 = arith.index_cast %get3A_647 : i32 to index
      %get3A_649 = arith.index_cast %add3A_646 : i32 to index
      %get3A_650 = arith.constant 64 : index
      %get3A_651 = tpu.vector_load %arg8[%get3A_648, %get3A_649, %get3A_650] {strides = array<i32>} : memref<3x128x128xf32, #tpu.memory_space<vmem>>, vector<16xf32>,
      %add3A_652 = arith.addf %add3A_644, %get3A_651 : vector<16xf32>
      %add3A_653 = arith.constant 0 : i32
      %add3A_654 = arith.addi %add3A_653, %scan3A_418 : i32
      %get3A_655 = arith.constant 1 : i32
      %get3A_656 = arith.index_cast %get3A_655 : i32 to index
      %get3A_657 = arith.index_cast %add3A_654 : i32 to index
      %get3A_658 = arith.constant 64 : index
      %get3A_659 = tpu.vector_load %arg8[%get3A_656, %get3A_657, %get3A_658] {strides = array<i32>} : memref<3x128x128xf32, #tpu.memory_space<vmem>>, vector<16xf32>,
      %add3A_660 = arith.addf %add3A_652, %get3A_659 : vector<16xf32>
      %add3A_661 = arith.constant 64 : i32
      %add3A_662 = arith.addi %add3A_661, %scan3A_418 : i32
      %get3A_663 = arith.constant 1 : i32
      %get3A_664 = arith.index_cast %get3A_663 : i32 to index
      %get3A_665 = arith.index_cast %add3A_662 : i32 to index
      %get3A_666 = arith.constant 64 : index
      %get3A_667 = tpu.vector_load %arg8[%get3A_664, %get3A_665, %get3A_666] {strides = array<i32>} : memref<3x128x128xf32, #tpu.memory_space<vmem>>, vector<16xf32>,
      %add3A_668 = arith.addf %add3A_660, %get3A_667 : vector<16xf32>
      %add3A_669 = arith.constant 0 : i32
      %add3A_670 = arith.addi %add3A_669, %scan3A_418 : i32
      %get3A_671 = arith.constant 2 : i32
      %get3A_672 = arith.index_cast %get3A_671 : i32 to index
      %get3A_673 = arith.index_cast %add3A_670 : i32 to index
      %get3A_674 = arith.constant 64 : index
      %get3A_675 = tpu.vector_load %arg8[%get3A_672, %get3A_673, %get3A_674] {strides = array<i32>} : memref<3x128x128xf32, #tpu.memory_space<vmem>>, vector<16xf32>,
      %add3A_676 = arith.addf %add3A_668, %get3A_675 : vector<16xf32>
      %add3A_677 = arith.constant 64 : i32
      %add3A_678 = arith.addi %add3A_677, %scan3A_418 : i32
      %get3A_679 = arith.constant 2 : i32
      %get3A_680 = arith.index_cast %get3A_679 : i32 to index
      %get3A_681 = arith.index_cast %add3A_678 : i32 to index
      %get3A_682 = arith.constant 64 : index
      %get3A_683 = tpu.vector_load %arg8[%get3A_680, %get3A_681, %get3A_682] {strides = array<i32>} : memref<3x128x128xf32, #tpu.memory_space<vmem>>, vector<16xf32>,
      %add3A_684 = arith.addf %add3A_676, %get3A_683 : vector<16xf32>
      %swap3A_685 = arith.index_cast %scan3A_418 : i32 to index
      %swap3A_686 = arith.constant 64 : index
      %swap3A_687 = tpu.vector_load %arg10[%swap3A_685, %swap3A_686] {strides = array<i32>} : memref<64x128xf32, #tpu.memory_space<vmem>>, vector<16xf32>,
      tpu.vector_store %arg10[%swap3A_685, %swap3A_686], %add3A_684 {strides = array<i32>} : memref<64x128xf32, #tpu.memory_space<vmem>>, vector<16xf32>,
      %get3A_688 = arith.index_cast %scan3A_418 : i32 to index
      %get3A_689 = arith.constant 80 : index
      %get3A_690 = tpu.vector_load %arg9[%get3A_688, %get3A_689] {strides = array<i32>} : memref<64x128xf32, #tpu.memory_space<vmem>>, vector<16xf32>,
      %add3A_691 = arith.constant 0 : i32
      %add3A_692 = arith.addi %add3A_691, %scan3A_418 : i32
      %get3A_693 = arith.constant 0 : i32
      %get3A_694 = arith.index_cast %get3A_693 : i32 to index
      %get3A_695 = arith.index_cast %add3A_692 : i32 to index
      %get3A_696 = arith.constant 80 : index
      %get3A_697 = tpu.vector_load %arg8[%get3A_694, %get3A_695, %get3A_696] {strides = array<i32>} : memref<3x128x128xf32, #tpu.memory_space<vmem>>, vector<16xf32>,
      %add3A_698 = arith.addf %get3A_690, %get3A_697 : vector<16xf32>
      %add3A_699 = arith.constant 64 : i32
      %add3A_700 = arith.addi %add3A_699, %scan3A_418 : i32
      %get3A_701 = arith.constant 0 : i32
      %get3A_702 = arith.index_cast %get3A_701 : i32 to index
      %get3A_703 = arith.index_cast %add3A_700 : i32 to index
      %get3A_704 = arith.constant 80 : index
      %get3A_705 = tpu.vector_load %arg8[%get3A_702, %get3A_703, %get3A_704] {strides = array<i32>} : memref<3x128x128xf32, #tpu.memory_space<vmem>>, vector<16xf32>,
      %add3A_706 = arith.addf %add3A_698, %get3A_705 : vector<16xf32>
      %add3A_707 = arith.constant 0 : i32
      %add3A_708 = arith.addi %add3A_707, %scan3A_418 : i32
      %get3A_709 = arith.constant 1 : i32
      %get3A_710 = arith.index_cast %get3A_709 : i32 to index
      %get3A_711 = arith.index_cast %add3A_708 : i32 to index
      %get3A_712 = arith.constant 80 : index
      %get3A_713 = tpu.vector_load %arg8[%get3A_710, %get3A_711, %get3A_712] {strides = array<i32>} : memref<3x128x128xf32, #tpu.memory_space<vmem>>, vector<16xf32>,
      %add3A_714 = arith.addf %add3A_706, %get3A_713 : vector<16xf32>
      %add3A_715 = arith.constant 64 : i32
      %add3A_716 = arith.addi %add3A_715, %scan3A_418 : i32
      %get3A_717 = arith.constant 1 : i32
      %get3A_718 = arith.index_cast %get3A_717 : i32 to index
      %get3A_719 = arith.index_cast %add3A_716 : i32 to index
      %get3A_720 = arith.constant 80 : index
      %get3A_721 = tpu.vector_load %arg8[%get3A_718, %get3A_719, %get3A_720] {strides = array<i32>} : memref<3x128x128xf32, #tpu.memory_space<vmem>>, vector<16xf32>,
      %add3A_722 = arith.addf %add3A_714, %get3A_721 : vector<16xf32>
      %add3A_723 = arith.constant 0 : i32
      %add3A_724 = arith.addi %add3A_723, %scan3A_418 : i32
      %get3A_725 = arith.constant 2 : i32
      %get3A_726 = arith.index_cast %get3A_725 : i32 to index
      %get3A_727 = arith.index_cast %add3A_724 : i32 to index
      %get3A_728 = arith.constant 80 : index
      %get3A_729 = tpu.vector_load %arg8[%get3A_726, %get3A_727, %get3A_728] {strides = array<i32>} : memref<3x128x128xf32, #tpu.memory_space<vmem>>, vector<16xf32>,
      %add3A_730 = arith.addf %add3A_722, %get3A_729 : vector<16xf32>
      %add3A_731 = arith.constant 64 : i32
      %add3A_732 = arith.addi %add3A_731, %scan3A_418 : i32
      %get3A_733 = arith.constant 2 : i32
      %get3A_734 = arith.index_cast %get3A_733 : i32 to index
      %get3A_735 = arith.index_cast %add3A_732 : i32 to index
      %get3A_736 = arith.constant 80 : index
      %get3A_737 = tpu.vector_load %arg8[%get3A_734, %get3A_735, %get3A_736] {strides = array<i32>} : memref<3x128x128xf32, #tpu.memory_space<vmem>>, vector<16xf32>,
      %add3A_738 = arith.addf %add3A_730, %get3A_737 : vector<16xf32>
      %swap3A_739 = arith.index_cast %scan3A_418 : i32 to index
      %swap3A_740 = arith.constant 80 : index
      %swap3A_741 = tpu.vector_load %arg10[%swap3A_739, %swap3A_740] {strides = array<i32>} : memref<64x128xf32, #tpu.memory_space<vmem>>, vector<16xf32>,
      tpu.vector_store %arg10[%swap3A_739, %swap3A_740], %add3A_738 {strides = array<i32>} : memref<64x128xf32, #tpu.memory_space<vmem>>, vector<16xf32>,
      %get3A_742 = arith.index_cast %scan3A_418 : i32 to index
      %get3A_743 = arith.constant 96 : index
      %get3A_744 = tpu.vector_load %arg9[%get3A_742, %get3A_743] {strides = array<i32>} : memref<64x128xf32, #tpu.memory_space<vmem>>, vector<16xf32>,
      %add3A_745 = arith.constant 0 : i32
      %add3A_746 = arith.addi %add3A_745, %scan3A_418 : i32
      %get3A_747 = arith.constant 0 : i32
      %get3A_748 = arith.index_cast %get3A_747 : i32 to index
      %get3A_749 = arith.index_cast %add3A_746 : i32 to index
      %get3A_750 = arith.constant 96 : index
      %get3A_751 = tpu.vector_load %arg8[%get3A_748, %get3A_749, %get3A_750] {strides = array<i32>} : memref<3x128x128xf32, #tpu.memory_space<vmem>>, vector<16xf32>,
      %add3A_752 = arith.addf %get3A_744, %get3A_751 : vector<16xf32>
      %add3A_753 = arith.constant 64 : i32
      %add3A_754 = arith.addi %add3A_753, %scan3A_418 : i32
      %get3A_755 = arith.constant 0 : i32
      %get3A_756 = arith.index_cast %get3A_755 : i32 to index
      %get3A_757 = arith.index_cast %add3A_754 : i32 to index
      %get3A_758 = arith.constant 96 : index
      %get3A_759 = tpu.vector_load %arg8[%get3A_756, %get3A_757, %get3A_758] {strides = array<i32>} : memref<3x128x128xf32, #tpu.memory_space<vmem>>, vector<16xf32>,
      %add3A_760 = arith.addf %add3A_752, %get3A_759 : vector<16xf32>
      %add3A_761 = arith.constant 0 : i32
      %add3A_762 = arith.addi %add3A_761, %scan3A_418 : i32
      %get3A_763 = arith.constant 1 : i32
      %get3A_764 = arith.index_cast %get3A_763 : i32 to index
      %get3A_765 = arith.index_cast %add3A_762 : i32 to index
      %get3A_766 = arith.constant 96 : index
      %get3A_767 = tpu.vector_load %arg8[%get3A_764, %get3A_765, %get3A_766] {strides = array<i32>} : memref<3x128x128xf32, #tpu.memory_space<vmem>>, vector<16xf32>,
      %add3A_768 = arith.addf %add3A_760, %get3A_767 : vector<16xf32>
      %add3A_769 = arith.constant 64 : i32
      %add3A_770 = arith.addi %add3A_769, %scan3A_418 : i32
      %get3A_771 = arith.constant 1 : i32
      %get3A_772 = arith.index_cast %get3A_771 : i32 to index
      %get3A_773 = arith.index_cast %add3A_770 : i32 to index
      %get3A_774 = arith.constant 96 : index
      %get3A_775 = tpu.vector_load %arg8[%get3A_772, %get3A_773, %get3A_774] {strides = array<i32>} : memref<3x128x128xf32, #tpu.memory_space<vmem>>, vector<16xf32>,
      %add3A_776 = arith.addf %add3A_768, %get3A_775 : vector<16xf32>
      %add3A_777 = arith.constant 0 : i32
      %add3A_778 = arith.addi %add3A_777, %scan3A_418 : i32
      %get3A_779 = arith.constant 2 : i32
      %get3A_780 = arith.index_cast %get3A_779 : i32 to index
      %get3A_781 = arith.index_cast %add3A_778 : i32 to index
      %get3A_782 = arith.constant 96 : index
      %get3A_783 = tpu.vector_load %arg8[%get3A_780, %get3A_781, %get3A_782] {strides = array<i32>} : memref<3x128x128xf32, #tpu.memory_space<vmem>>, vector<16xf32>,
      %add3A_784 = arith.addf %add3A_776, %get3A_783 : vector<16xf32>
      %add3A_785 = arith.constant 64 : i32
      %add3A_786 = arith.addi %add3A_785, %scan3A_418 : i32
      %get3A_787 = arith.constant 2 : i32
      %get3A_788 = arith.index_cast %get3A_787 : i32 to index
      %get3A_789 = arith.index_cast %add3A_786 : i32 to index
      %get3A_790 = arith.constant 96 : index
      %get3A_791 = tpu.vector_load %arg8[%get3A_788, %get3A_789, %get3A_790] {strides = array<i32>} : memref<3x128x128xf32, #tpu.memory_space<vmem>>, vector<16xf32>,
      %add3A_792 = arith.addf %add3A_784, %get3A_791 : vector<16xf32>
      %swap3A_793 = arith.index_cast %scan3A_418 : i32 to index
      %swap3A_794 = arith.constant 96 : index
      %swap3A_795 = tpu.vector_load %arg10[%swap3A_793, %swap3A_794] {strides = array<i32>} : memref<64x128xf32, #tpu.memory_space<vmem>>, vector<16xf32>,
      tpu.vector_store %arg10[%swap3A_793, %swap3A_794], %add3A_792 {strides = array<i32>} : memref<64x128xf32, #tpu.memory_space<vmem>>, vector<16xf32>,
      %get3A_796 = arith.index_cast %scan3A_418 : i32 to index
      %get3A_797 = arith.constant 112 : index
      %get3A_798 = tpu.vector_load %arg9[%get3A_796, %get3A_797] {strides = array<i32>} : memref<64x128xf32, #tpu.memory_space<vmem>>, vector<16xf32>,
      %add3A_799 = arith.constant 0 : i32
      %add3A_800 = arith.addi %add3A_799, %scan3A_418 : i32
      %get3A_801 = arith.constant 0 : i32
      %get3A_802 = arith.index_cast %get3A_801 : i32 to index
      %get3A_803 = arith.index_cast %add3A_800 : i32 to index
      %get3A_804 = arith.constant 112 : index
      %get3A_805 = tpu.vector_load %arg8[%get3A_802, %get3A_803, %get3A_804] {strides = array<i32>} : memref<3x128x128xf32, #tpu.memory_space<vmem>>, vector<16xf32>,
      %add3A_806 = arith.addf %get3A_798, %get3A_805 : vector<16xf32>
      %add3A_807 = arith.constant 64 : i32
      %add3A_808 = arith.addi %add3A_807, %scan3A_418 : i32
      %get3A_809 = arith.constant 0 : i32
      %get3A_810 = arith.index_cast %get3A_809 : i32 to index
      %get3A_811 = arith.index_cast %add3A_808 : i32 to index
      %get3A_812 = arith.constant 112 : index
      %get3A_813 = tpu.vector_load %arg8[%get3A_810, %get3A_811, %get3A_812] {strides = array<i32>} : memref<3x128x128xf32, #tpu.memory_space<vmem>>, vector<16xf32>,
      %add3A_814 = arith.addf %add3A_806, %get3A_813 : vector<16xf32>
      %add3A_815 = arith.constant 0 : i32
      %add3A_816 = arith.addi %add3A_815, %scan3A_418 : i32
      %get3A_817 = arith.constant 1 : i32
      %get3A_818 = arith.index_cast %get3A_817 : i32 to index
      %get3A_819 = arith.index_cast %add3A_816 : i32 to index
      %get3A_820 = arith.constant 112 : index
      %get3A_821 = tpu.vector_load %arg8[%get3A_818, %get3A_819, %get3A_820] {strides = array<i32>} : memref<3x128x128xf32, #tpu.memory_space<vmem>>, vector<16xf32>,
      %add3A_822 = arith.addf %add3A_814, %get3A_821 : vector<16xf32>
      %add3A_823 = arith.constant 64 : i32
      %add3A_824 = arith.addi %add3A_823, %scan3A_418 : i32
      %get3A_825 = arith.constant 1 : i32
      %get3A_826 = arith.index_cast %get3A_825 : i32 to index
      %get3A_827 = arith.index_cast %add3A_824 : i32 to index
      %get3A_828 = arith.constant 112 : index
      %get3A_829 = tpu.vector_load %arg8[%get3A_826, %get3A_827, %get3A_828] {strides = array<i32>} : memref<3x128x128xf32, #tpu.memory_space<vmem>>, vector<16xf32>,
      %add3A_830 = arith.addf %add3A_822, %get3A_829 : vector<16xf32>
      %add3A_831 = arith.constant 0 : i32
      %add3A_832 = arith.addi %add3A_831, %scan3A_418 : i32
      %get3A_833 = arith.constant 2 : i32
      %get3A_834 = arith.index_cast %get3A_833 : i32 to index
      %get3A_835 = arith.index_cast %add3A_832 : i32 to index
      %get3A_836 = arith.constant 112 : index
      %get3A_837 = tpu.vector_load %arg8[%get3A_834, %get3A_835, %get3A_836] {strides = array<i32>} : memref<3x128x128xf32, #tpu.memory_space<vmem>>, vector<16xf32>,
      %add3A_838 = arith.addf %add3A_830, %get3A_837 : vector<16xf32>
      %add3A_839 = arith.constant 64 : i32
      %add3A_840 = arith.addi %add3A_839, %scan3A_418 : i32
      %get3A_841 = arith.constant 2 : i32
      %get3A_842 = arith.index_cast %get3A_841 : i32 to index
      %get3A_843 = arith.index_cast %add3A_840 : i32 to index
      %get3A_844 = arith.constant 112 : index
      %get3A_845 = tpu.vector_load %arg8[%get3A_842, %get3A_843, %get3A_844] {strides = array<i32>} : memref<3x128x128xf32, #tpu.memory_space<vmem>>, vector<16xf32>,
      %add3A_846 = arith.addf %add3A_838, %get3A_845 : vector<16xf32>
      %swap3A_847 = arith.index_cast %scan3A_418 : i32 to index
      %swap3A_848 = arith.constant 112 : index
      %swap3A_849 = tpu.vector_load %arg10[%swap3A_847, %swap3A_848] {strides = array<i32>} : memref<64x128xf32, #tpu.memory_space<vmem>>, vector<16xf32>,
      tpu.vector_store %arg10[%swap3A_847, %swap3A_848], %add3A_846 {strides = array<i32>} : memref<64x128xf32, #tpu.memory_space<vmem>>, vector<16xf32>,
    }
    %scan3A_417 = arith.constant 64 : i32
    "tpu.region"() ({
      %run_scoped3A = tpu.sem_alloc : memref<!tpu.dma_semaphore, #tpu.memory_space<semaphore_mem>>
      %dma_start3A_418 = arith.constant 0 : i32
      %dma_start3A_419 = tpu.memref_slice %arg5[%mul3A_2, %dma_start3A_418] : memref<2048x128xf32, #tpu.memory_space<hbm>> -> memref<64x128xf32, #tpu.memory_space<hbm>>
      %dma_start3A_420 = arith.constant 0 : i32
      %dma_start3A_421 = tpu.memref_slice %arg5[%mul3A_2, %dma_start3A_420] : memref<2048x128xf32, #tpu.memory_space<hbm>> -> memref<64x128xf32, #tpu.memory_space<hbm>>
      tpu.enqueue_dma source(%arg10 : memref<64x128xf32, #tpu.memory_space<vmem>>) target(%dma_start3A_421 : memref<64x128xf32, #tpu.memory_space<hbm>>) target_semaphore(%run_scoped3A : memref<!tpu.dma_semaphore, #tpu.memory_space<semaphore_mem>>)
      %dma_wait3A_422 = arith.constant 0 : i32
      %dma_wait3A_423 = tpu.memref_slice %arg5[%mul3A_2, %dma_wait3A_422] : memref<2048x128xf32, #tpu.memory_space<hbm>> -> memref<64x128xf32, #tpu.memory_space<hbm>>
      %dma_wait3A_424 = arith.constant 0 : i32
      %dma_wait3A_425 = tpu.memref_slice %arg5[%mul3A_2, %dma_wait3A_424] : memref<2048x128xf32, #tpu.memory_space<hbm>> -> memref<64x128xf32, #tpu.memory_space<hbm>>
      tpu.wait_dma2 semaphore(%run_scoped3A : memref<!tpu.dma_semaphore, #tpu.memory_space<semaphore_mem>>) src(%arg10 : memref<64x128xf32, #tpu.memory_space<vmem>>) dst(%dma_wait3A_425 : memref<64x128xf32, #tpu.memory_space<hbm>>)
      tpu.yield
    }) : () -> ()
    return
  }
}

#map = affine_map<(d0, d1) -> (0, 0)>
module attributes {stable_mosaic.version = 14 : i64} {
  func.func @dispatch(%arg0: i32, %arg1: i32, %arg2: memref<2048x128xi32, #tpu.memory_space<hbm>>, %arg3: memref<2048x128xf32, #tpu.memory_space<hbm>>, %arg4: memref<2048x128xf32, #tpu.memory_space<hbm>>, %arg5: memref<2048x128xf32, #tpu.memory_space<hbm>>, %arg6: memref<2048x128xf32, #tpu.memory_space<hbm>>, %arg7: memref<2048x128xf32, #tpu.memory_space<hbm>>, %arg8: memref<2048x128xf32, #tpu.memory_space<hbm>>, %arg9: memref<2048x128xf32, #tpu.memory_space<hbm>>, %arg10: memref<32768x128xf32, #tpu.memory_space<hbm>>, %arg11: memref<32768x128xf32, #tpu.memory_space<hbm>>, %arg12: memref<64x128xi32, #tpu.memory_space<vmem>>, %arg13: memref<64x128xf32, #tpu.memory_space<vmem>>, %arg14: memref<6x64x128xf32, #tpu.memory_space<vmem>>, %arg15: memref<6x64xi32, #tpu.memory_space<vmem>>, %arg16: memref<!tpu.dma_semaphore, #tpu.memory_space<semaphore_mem>>, %arg17: memref<!tpu.dma_semaphore, #tpu.memory_space<semaphore_mem>>) attributes {dimension_semantics = [#tpu.dimension_semantics<core_parallel>, #tpu.dimension_semantics<subcore_parallel>], iteration_bounds = array<i64: 2, 16>, scalar_prefetch = 0 : i64, scratch_operands = 6 : i64, tpu.core_type = #tpu.core_type<sc_vector_subcore>, window_params = [{transform_indices = #map}, {transform_indices = #map}, {transform_indices = #map}, {transform_indices = #map}, {transform_indices = #map}, {transform_indices = #map}, {transform_indices = #map}, {transform_indices = #map}, {transform_indices = #map}, {transform_indices = #map}]} {
    %mul3A = arith.constant 2 : i32
    %mul3A_0 = arith.muli %arg1, %mul3A : i32
    %add3A = arith.addi %mul3A_0, %arg0 : i32
    %mul3A_1 = arith.constant 64 : i32
    %mul3A_2 = arith.muli %add3A, %mul3A_1 : i32
    %dma_start3A = arith.constant 0 : i32
    %dma_start3A_3 = arith.constant 0 : i32
    %dma_start3A_4 = arith.constant 0 : i32
    %dma_start3A_5 = tpu.memref_slice %arg14[%dma_start3A, %dma_start3A_3, %dma_start3A_4] : memref<6x64x128xf32, #tpu.memory_space<vmem>> -> memref<1x64x128xf32, #tpu.memory_space<vmem>>
    %dma_start3A_6 = tpu.memref_squeeze %dma_start3A_5 : memref<1x64x128xf32, #tpu.memory_space<vmem>> -> memref<64x128xf32, #tpu.memory_space<vmem>>
    %dma_start3A_7 = arith.constant 0 : i32
    %dma_start3A_8 = tpu.memref_slice %arg4[%mul3A_2, %dma_start3A_7] : memref<2048x128xf32, #tpu.memory_space<hbm>> -> memref<64x128xf32, #tpu.memory_space<hbm>>
    %dma_start3A_9 = arith.constant 0 : i32
    %dma_start3A_10 = arith.constant 0 : i32
    %dma_start3A_11 = tpu.memref_slice %arg14[%dma_start3A, %dma_start3A_9, %dma_start3A_10] : memref<6x64x128xf32, #tpu.memory_space<vmem>> -> memref<1x64x128xf32, #tpu.memory_space<vmem>>
    %dma_start3A_12 = tpu.memref_squeeze %dma_start3A_11 : memref<1x64x128xf32, #tpu.memory_space<vmem>> -> memref<64x128xf32, #tpu.memory_space<vmem>>
    %dma_start3A_13 = arith.constant 0 : i32
    %dma_start3A_14 = tpu.memref_slice %arg4[%mul3A_2, %dma_start3A_13] : memref<2048x128xf32, #tpu.memory_space<hbm>> -> memref<64x128xf32, #tpu.memory_space<hbm>>
    tpu.enqueue_dma source(%dma_start3A_14 : memref<64x128xf32, #tpu.memory_space<hbm>>) target(%dma_start3A_12 : memref<64x128xf32, #tpu.memory_space<vmem>>) target_semaphore(%arg16 : memref<!tpu.dma_semaphore, #tpu.memory_space<semaphore_mem>>)
    %dma_start3A_15 = arith.constant 1 : i32
    %dma_start3A_16 = arith.constant 0 : i32
    %dma_start3A_17 = arith.constant 0 : i32
    %dma_start3A_18 = tpu.memref_slice %arg14[%dma_start3A_15, %dma_start3A_16, %dma_start3A_17] : memref<6x64x128xf32, #tpu.memory_space<vmem>> -> memref<1x64x128xf32, #tpu.memory_space<vmem>>
    %dma_start3A_19 = tpu.memref_squeeze %dma_start3A_18 : memref<1x64x128xf32, #tpu.memory_space<vmem>> -> memref<64x128xf32, #tpu.memory_space<vmem>>
    %dma_start3A_20 = arith.constant 0 : i32
    %dma_start3A_21 = tpu.memref_slice %arg5[%mul3A_2, %dma_start3A_20] : memref<2048x128xf32, #tpu.memory_space<hbm>> -> memref<64x128xf32, #tpu.memory_space<hbm>>
    %dma_start3A_22 = arith.constant 0 : i32
    %dma_start3A_23 = arith.constant 0 : i32
    %dma_start3A_24 = tpu.memref_slice %arg14[%dma_start3A_15, %dma_start3A_22, %dma_start3A_23] : memref<6x64x128xf32, #tpu.memory_space<vmem>> -> memref<1x64x128xf32, #tpu.memory_space<vmem>>
    %dma_start3A_25 = tpu.memref_squeeze %dma_start3A_24 : memref<1x64x128xf32, #tpu.memory_space<vmem>> -> memref<64x128xf32, #tpu.memory_space<vmem>>
    %dma_start3A_26 = arith.constant 0 : i32
    %dma_start3A_27 = tpu.memref_slice %arg5[%mul3A_2, %dma_start3A_26] : memref<2048x128xf32, #tpu.memory_space<hbm>> -> memref<64x128xf32, #tpu.memory_space<hbm>>
    tpu.enqueue_dma source(%dma_start3A_27 : memref<64x128xf32, #tpu.memory_space<hbm>>) target(%dma_start3A_25 : memref<64x128xf32, #tpu.memory_space<vmem>>) target_semaphore(%arg16 : memref<!tpu.dma_semaphore, #tpu.memory_space<semaphore_mem>>)
    %dma_start3A_28 = arith.constant 2 : i32
    %dma_start3A_29 = arith.constant 0 : i32
    %dma_start3A_30 = arith.constant 0 : i32
    %dma_start3A_31 = tpu.memref_slice %arg14[%dma_start3A_28, %dma_start3A_29, %dma_start3A_30] : memref<6x64x128xf32, #tpu.memory_space<vmem>> -> memref<1x64x128xf32, #tpu.memory_space<vmem>>
    %dma_start3A_32 = tpu.memref_squeeze %dma_start3A_31 : memref<1x64x128xf32, #tpu.memory_space<vmem>> -> memref<64x128xf32, #tpu.memory_space<vmem>>
    %dma_start3A_33 = arith.constant 0 : i32
    %dma_start3A_34 = tpu.memref_slice %arg6[%mul3A_2, %dma_start3A_33] : memref<2048x128xf32, #tpu.memory_space<hbm>> -> memref<64x128xf32, #tpu.memory_space<hbm>>
    %dma_start3A_35 = arith.constant 0 : i32
    %dma_start3A_36 = arith.constant 0 : i32
    %dma_start3A_37 = tpu.memref_slice %arg14[%dma_start3A_28, %dma_start3A_35, %dma_start3A_36] : memref<6x64x128xf32, #tpu.memory_space<vmem>> -> memref<1x64x128xf32, #tpu.memory_space<vmem>>
    %dma_start3A_38 = tpu.memref_squeeze %dma_start3A_37 : memref<1x64x128xf32, #tpu.memory_space<vmem>> -> memref<64x128xf32, #tpu.memory_space<vmem>>
    %dma_start3A_39 = arith.constant 0 : i32
    %dma_start3A_40 = tpu.memref_slice %arg6[%mul3A_2, %dma_start3A_39] : memref<2048x128xf32, #tpu.memory_space<hbm>> -> memref<64x128xf32, #tpu.memory_space<hbm>>
    tpu.enqueue_dma source(%dma_start3A_40 : memref<64x128xf32, #tpu.memory_space<hbm>>) target(%dma_start3A_38 : memref<64x128xf32, #tpu.memory_space<vmem>>) target_semaphore(%arg16 : memref<!tpu.dma_semaphore, #tpu.memory_space<semaphore_mem>>)
    %dma_start3A_41 = arith.constant 3 : i32
    %dma_start3A_42 = arith.constant 0 : i32
    %dma_start3A_43 = arith.constant 0 : i32
    %dma_start3A_44 = tpu.memref_slice %arg14[%dma_start3A_41, %dma_start3A_42, %dma_start3A_43] : memref<6x64x128xf32, #tpu.memory_space<vmem>> -> memref<1x64x128xf32, #tpu.memory_space<vmem>>
    %dma_start3A_45 = tpu.memref_squeeze %dma_start3A_44 : memref<1x64x128xf32, #tpu.memory_space<vmem>> -> memref<64x128xf32, #tpu.memory_space<vmem>>
    %dma_start3A_46 = arith.constant 0 : i32
    %dma_start3A_47 = tpu.memref_slice %arg7[%mul3A_2, %dma_start3A_46] : memref<2048x128xf32, #tpu.memory_space<hbm>> -> memref<64x128xf32, #tpu.memory_space<hbm>>
    %dma_start3A_48 = arith.constant 0 : i32
    %dma_start3A_49 = arith.constant 0 : i32
    %dma_start3A_50 = tpu.memref_slice %arg14[%dma_start3A_41, %dma_start3A_48, %dma_start3A_49] : memref<6x64x128xf32, #tpu.memory_space<vmem>> -> memref<1x64x128xf32, #tpu.memory_space<vmem>>
    %dma_start3A_51 = tpu.memref_squeeze %dma_start3A_50 : memref<1x64x128xf32, #tpu.memory_space<vmem>> -> memref<64x128xf32, #tpu.memory_space<vmem>>
    %dma_start3A_52 = arith.constant 0 : i32
    %dma_start3A_53 = tpu.memref_slice %arg7[%mul3A_2, %dma_start3A_52] : memref<2048x128xf32, #tpu.memory_space<hbm>> -> memref<64x128xf32, #tpu.memory_space<hbm>>
    tpu.enqueue_dma source(%dma_start3A_53 : memref<64x128xf32, #tpu.memory_space<hbm>>) target(%dma_start3A_51 : memref<64x128xf32, #tpu.memory_space<vmem>>) target_semaphore(%arg16 : memref<!tpu.dma_semaphore, #tpu.memory_space<semaphore_mem>>)
    %dma_start3A_54 = arith.constant 4 : i32
    %dma_start3A_55 = arith.constant 0 : i32
    %dma_start3A_56 = arith.constant 0 : i32
    %dma_start3A_57 = tpu.memref_slice %arg14[%dma_start3A_54, %dma_start3A_55, %dma_start3A_56] : memref<6x64x128xf32, #tpu.memory_space<vmem>> -> memref<1x64x128xf32, #tpu.memory_space<vmem>>
    %dma_start3A_58 = tpu.memref_squeeze %dma_start3A_57 : memref<1x64x128xf32, #tpu.memory_space<vmem>> -> memref<64x128xf32, #tpu.memory_space<vmem>>
    %dma_start3A_59 = arith.constant 0 : i32
    %dma_start3A_60 = tpu.memref_slice %arg8[%mul3A_2, %dma_start3A_59] : memref<2048x128xf32, #tpu.memory_space<hbm>> -> memref<64x128xf32, #tpu.memory_space<hbm>>
    %dma_start3A_61 = arith.constant 0 : i32
    %dma_start3A_62 = arith.constant 0 : i32
    %dma_start3A_63 = tpu.memref_slice %arg14[%dma_start3A_54, %dma_start3A_61, %dma_start3A_62] : memref<6x64x128xf32, #tpu.memory_space<vmem>> -> memref<1x64x128xf32, #tpu.memory_space<vmem>>
    %dma_start3A_64 = tpu.memref_squeeze %dma_start3A_63 : memref<1x64x128xf32, #tpu.memory_space<vmem>> -> memref<64x128xf32, #tpu.memory_space<vmem>>
    %dma_start3A_65 = arith.constant 0 : i32
    %dma_start3A_66 = tpu.memref_slice %arg8[%mul3A_2, %dma_start3A_65] : memref<2048x128xf32, #tpu.memory_space<hbm>> -> memref<64x128xf32, #tpu.memory_space<hbm>>
    tpu.enqueue_dma source(%dma_start3A_66 : memref<64x128xf32, #tpu.memory_space<hbm>>) target(%dma_start3A_64 : memref<64x128xf32, #tpu.memory_space<vmem>>) target_semaphore(%arg16 : memref<!tpu.dma_semaphore, #tpu.memory_space<semaphore_mem>>)
    %dma_start3A_67 = arith.constant 5 : i32
    %dma_start3A_68 = arith.constant 0 : i32
    %dma_start3A_69 = arith.constant 0 : i32
    %dma_start3A_70 = tpu.memref_slice %arg14[%dma_start3A_67, %dma_start3A_68, %dma_start3A_69] : memref<6x64x128xf32, #tpu.memory_space<vmem>> -> memref<1x64x128xf32, #tpu.memory_space<vmem>>
    %dma_start3A_71 = tpu.memref_squeeze %dma_start3A_70 : memref<1x64x128xf32, #tpu.memory_space<vmem>> -> memref<64x128xf32, #tpu.memory_space<vmem>>
    %dma_start3A_72 = arith.constant 0 : i32
    %dma_start3A_73 = tpu.memref_slice %arg9[%mul3A_2, %dma_start3A_72] : memref<2048x128xf32, #tpu.memory_space<hbm>> -> memref<64x128xf32, #tpu.memory_space<hbm>>
    %dma_start3A_74 = arith.constant 0 : i32
    %dma_start3A_75 = arith.constant 0 : i32
    %dma_start3A_76 = tpu.memref_slice %arg14[%dma_start3A_67, %dma_start3A_74, %dma_start3A_75] : memref<6x64x128xf32, #tpu.memory_space<vmem>> -> memref<1x64x128xf32, #tpu.memory_space<vmem>>
    %dma_start3A_77 = tpu.memref_squeeze %dma_start3A_76 : memref<1x64x128xf32, #tpu.memory_space<vmem>> -> memref<64x128xf32, #tpu.memory_space<vmem>>
    %dma_start3A_78 = arith.constant 0 : i32
    %dma_start3A_79 = tpu.memref_slice %arg9[%mul3A_2, %dma_start3A_78] : memref<2048x128xf32, #tpu.memory_space<hbm>> -> memref<64x128xf32, #tpu.memory_space<hbm>>
    tpu.enqueue_dma source(%dma_start3A_79 : memref<64x128xf32, #tpu.memory_space<hbm>>) target(%dma_start3A_77 : memref<64x128xf32, #tpu.memory_space<vmem>>) target_semaphore(%arg16 : memref<!tpu.dma_semaphore, #tpu.memory_space<semaphore_mem>>)
    "tpu.region"() ({
      %run_scoped3A = tpu.sem_alloc : memref<!tpu.dma_semaphore, #tpu.memory_space<semaphore_mem>>
      %dma_start3A_637 = arith.constant 0 : i32
      %dma_start3A_638 = tpu.memref_slice %arg2[%mul3A_2, %dma_start3A_637] : memref<2048x128xi32, #tpu.memory_space<hbm>> -> memref<64x128xi32, #tpu.memory_space<hbm>>
      %dma_start3A_639 = arith.constant 0 : i32
      %dma_start3A_640 = tpu.memref_slice %arg2[%mul3A_2, %dma_start3A_639] : memref<2048x128xi32, #tpu.memory_space<hbm>> -> memref<64x128xi32, #tpu.memory_space<hbm>>
      tpu.enqueue_dma source(%dma_start3A_640 : memref<64x128xi32, #tpu.memory_space<hbm>>) target(%arg12 : memref<64x128xi32, #tpu.memory_space<vmem>>) target_semaphore(%run_scoped3A : memref<!tpu.dma_semaphore, #tpu.memory_space<semaphore_mem>>)
      %dma_wait3A_641 = arith.constant 0 : i32
      %dma_wait3A_642 = tpu.memref_slice %arg2[%mul3A_2, %dma_wait3A_641] : memref<2048x128xi32, #tpu.memory_space<hbm>> -> memref<64x128xi32, #tpu.memory_space<hbm>>
      %dma_wait3A_643 = arith.constant 0 : i32
      %dma_wait3A_644 = tpu.memref_slice %arg2[%mul3A_2, %dma_wait3A_643] : memref<2048x128xi32, #tpu.memory_space<hbm>> -> memref<64x128xi32, #tpu.memory_space<hbm>>
      tpu.wait_dma2 semaphore(%run_scoped3A : memref<!tpu.dma_semaphore, #tpu.memory_space<semaphore_mem>>) src(%dma_wait3A_644 : memref<64x128xi32, #tpu.memory_space<hbm>>) dst(%arg12 : memref<64x128xi32, #tpu.memory_space<vmem>>)
      tpu.yield
    }) : () -> ()
    "tpu.region"() ({
      %run_scoped3A = tpu.sem_alloc : memref<!tpu.dma_semaphore, #tpu.memory_space<semaphore_mem>>
      %dma_start3A_637 = arith.constant 0 : i32
      %dma_start3A_638 = tpu.memref_slice %arg3[%mul3A_2, %dma_start3A_637] : memref<2048x128xf32, #tpu.memory_space<hbm>> -> memref<64x128xf32, #tpu.memory_space<hbm>>
      %dma_start3A_639 = arith.constant 0 : i32
      %dma_start3A_640 = tpu.memref_slice %arg3[%mul3A_2, %dma_start3A_639] : memref<2048x128xf32, #tpu.memory_space<hbm>> -> memref<64x128xf32, #tpu.memory_space<hbm>>
      tpu.enqueue_dma source(%dma_start3A_640 : memref<64x128xf32, #tpu.memory_space<hbm>>) target(%arg13 : memref<64x128xf32, #tpu.memory_space<vmem>>) target_semaphore(%run_scoped3A : memref<!tpu.dma_semaphore, #tpu.memory_space<semaphore_mem>>)
      %dma_wait3A_641 = arith.constant 0 : i32
      %dma_wait3A_642 = tpu.memref_slice %arg3[%mul3A_2, %dma_wait3A_641] : memref<2048x128xf32, #tpu.memory_space<hbm>> -> memref<64x128xf32, #tpu.memory_space<hbm>>
      %dma_wait3A_643 = arith.constant 0 : i32
      %dma_wait3A_644 = tpu.memref_slice %arg3[%mul3A_2, %dma_wait3A_643] : memref<2048x128xf32, #tpu.memory_space<hbm>> -> memref<64x128xf32, #tpu.memory_space<hbm>>
      tpu.wait_dma2 semaphore(%run_scoped3A : memref<!tpu.dma_semaphore, #tpu.memory_space<semaphore_mem>>) src(%dma_wait3A_644 : memref<64x128xf32, #tpu.memory_space<hbm>>) dst(%arg13 : memref<64x128xf32, #tpu.memory_space<vmem>>)
      tpu.yield
    }) : () -> ()
    %iota3A = tpu.iota {dimensions = array<i32: 0>} : vector<16xi32>
    %add3A_80 = arith.constant 0 : i32
    %add3A_81 = vector.broadcast %add3A_80 : i32 to vector<16xi32>
    %add3A_82 = arith.addi %iota3A, %add3A_81 : vector<16xi32>
    %broadcast_in_dim3A = arith.constant 0 : i32
    %broadcast_in_dim3A_83 = vector.broadcast %broadcast_in_dim3A : i32 to vector<16xi32>
    %add3A_84 = arith.constant 0 : i32
    %add3A_85 = vector.broadcast %add3A_84 : i32 to vector<16xi32>
    %add3A_86 = arith.addi %broadcast_in_dim3A_83, %add3A_85 : vector<16xi32>
    %gather3A = tpu.vector_load_idx %arg12[%add3A_82, %add3A_86] : memref<64x128xi32, #tpu.memory_space<vmem>>[vector<16xi32>, vector<16xi32>], vector<16xi32>,
    %swap3A = arith.constant 0 : i32
    %swap3A_87 = arith.index_cast %swap3A : i32 to index
    %swap3A_88 = arith.constant 0 : index
    %swap3A_89 = tpu.vector_load %arg15[%swap3A_87, %swap3A_88] {strides = array<i32>} : memref<6x64xi32, #tpu.memory_space<vmem>>, vector<16xi32>,
    tpu.vector_store %arg15[%swap3A_87, %swap3A_88], %gather3A {strides = array<i32>} : memref<6x64xi32, #tpu.memory_space<vmem>>, vector<16xi32>,
    %broadcast_in_dim3A_90 = arith.constant 0 : i32
    %broadcast_in_dim3A_91 = vector.broadcast %broadcast_in_dim3A_90 : i32 to vector<16xi32>
    %add3A_92 = arith.constant 1 : i32
    %add3A_93 = vector.broadcast %add3A_92 : i32 to vector<16xi32>
    %add3A_94 = arith.addi %broadcast_in_dim3A_91, %add3A_93 : vector<16xi32>
    %gather3A_95 = tpu.vector_load_idx %arg12[%add3A_82, %add3A_94] : memref<64x128xi32, #tpu.memory_space<vmem>>[vector<16xi32>, vector<16xi32>], vector<16xi32>,
    %swap3A_96 = arith.constant 1 : i32
    %swap3A_97 = arith.index_cast %swap3A_96 : i32 to index
    %swap3A_98 = arith.constant 0 : index
    %swap3A_99 = tpu.vector_load %arg15[%swap3A_97, %swap3A_98] {strides = array<i32>} : memref<6x64xi32, #tpu.memory_space<vmem>>, vector<16xi32>,
    tpu.vector_store %arg15[%swap3A_97, %swap3A_98], %gather3A_95 {strides = array<i32>} : memref<6x64xi32, #tpu.memory_space<vmem>>, vector<16xi32>,
    %broadcast_in_dim3A_100 = arith.constant 0 : i32
    %broadcast_in_dim3A_101 = vector.broadcast %broadcast_in_dim3A_100 : i32 to vector<16xi32>
    %add3A_102 = arith.constant 2 : i32
    %add3A_103 = vector.broadcast %add3A_102 : i32 to vector<16xi32>
    %add3A_104 = arith.addi %broadcast_in_dim3A_101, %add3A_103 : vector<16xi32>
    %gather3A_105 = tpu.vector_load_idx %arg12[%add3A_82, %add3A_104] : memref<64x128xi32, #tpu.memory_space<vmem>>[vector<16xi32>, vector<16xi32>], vector<16xi32>,
    %swap3A_106 = arith.constant 2 : i32
    %swap3A_107 = arith.index_cast %swap3A_106 : i32 to index
    %swap3A_108 = arith.constant 0 : index
    %swap3A_109 = tpu.vector_load %arg15[%swap3A_107, %swap3A_108] {strides = array<i32>} : memref<6x64xi32, #tpu.memory_space<vmem>>, vector<16xi32>,
    tpu.vector_store %arg15[%swap3A_107, %swap3A_108], %gather3A_105 {strides = array<i32>} : memref<6x64xi32, #tpu.memory_space<vmem>>, vector<16xi32>,
    %broadcast_in_dim3A_110 = arith.constant 0 : i32
    %broadcast_in_dim3A_111 = vector.broadcast %broadcast_in_dim3A_110 : i32 to vector<16xi32>
    %add3A_112 = arith.constant 3 : i32
    %add3A_113 = vector.broadcast %add3A_112 : i32 to vector<16xi32>
    %add3A_114 = arith.addi %broadcast_in_dim3A_111, %add3A_113 : vector<16xi32>
    %gather3A_115 = tpu.vector_load_idx %arg12[%add3A_82, %add3A_114] : memref<64x128xi32, #tpu.memory_space<vmem>>[vector<16xi32>, vector<16xi32>], vector<16xi32>,
    %swap3A_116 = arith.constant 3 : i32
    %swap3A_117 = arith.index_cast %swap3A_116 : i32 to index
    %swap3A_118 = arith.constant 0 : index
    %swap3A_119 = tpu.vector_load %arg15[%swap3A_117, %swap3A_118] {strides = array<i32>} : memref<6x64xi32, #tpu.memory_space<vmem>>, vector<16xi32>,
    tpu.vector_store %arg15[%swap3A_117, %swap3A_118], %gather3A_115 {strides = array<i32>} : memref<6x64xi32, #tpu.memory_space<vmem>>, vector<16xi32>,
    %broadcast_in_dim3A_120 = arith.constant 0 : i32
    %broadcast_in_dim3A_121 = vector.broadcast %broadcast_in_dim3A_120 : i32 to vector<16xi32>
    %add3A_122 = arith.constant 4 : i32
    %add3A_123 = vector.broadcast %add3A_122 : i32 to vector<16xi32>
    %add3A_124 = arith.addi %broadcast_in_dim3A_121, %add3A_123 : vector<16xi32>
    %gather3A_125 = tpu.vector_load_idx %arg12[%add3A_82, %add3A_124] : memref<64x128xi32, #tpu.memory_space<vmem>>[vector<16xi32>, vector<16xi32>], vector<16xi32>,
    %swap3A_126 = arith.constant 4 : i32
    %swap3A_127 = arith.index_cast %swap3A_126 : i32 to index
    %swap3A_128 = arith.constant 0 : index
    %swap3A_129 = tpu.vector_load %arg15[%swap3A_127, %swap3A_128] {strides = array<i32>} : memref<6x64xi32, #tpu.memory_space<vmem>>, vector<16xi32>,
    tpu.vector_store %arg15[%swap3A_127, %swap3A_128], %gather3A_125 {strides = array<i32>} : memref<6x64xi32, #tpu.memory_space<vmem>>, vector<16xi32>,
    %broadcast_in_dim3A_130 = arith.constant 0 : i32
    %broadcast_in_dim3A_131 = vector.broadcast %broadcast_in_dim3A_130 : i32 to vector<16xi32>
    %add3A_132 = arith.constant 5 : i32
    %add3A_133 = vector.broadcast %add3A_132 : i32 to vector<16xi32>
    %add3A_134 = arith.addi %broadcast_in_dim3A_131, %add3A_133 : vector<16xi32>
    %gather3A_135 = tpu.vector_load_idx %arg12[%add3A_82, %add3A_134] : memref<64x128xi32, #tpu.memory_space<vmem>>[vector<16xi32>, vector<16xi32>], vector<16xi32>,
    %swap3A_136 = arith.constant 5 : i32
    %swap3A_137 = arith.index_cast %swap3A_136 : i32 to index
    %swap3A_138 = arith.constant 0 : index
    %swap3A_139 = tpu.vector_load %arg15[%swap3A_137, %swap3A_138] {strides = array<i32>} : memref<6x64xi32, #tpu.memory_space<vmem>>, vector<16xi32>,
    tpu.vector_store %arg15[%swap3A_137, %swap3A_138], %gather3A_135 {strides = array<i32>} : memref<6x64xi32, #tpu.memory_space<vmem>>, vector<16xi32>,
    %iota3A_140 = tpu.iota {dimensions = array<i32: 0>} : vector<16xi32>
    %add3A_141 = arith.constant 16 : i32
    %add3A_142 = vector.broadcast %add3A_141 : i32 to vector<16xi32>
    %add3A_143 = arith.addi %iota3A_140, %add3A_142 : vector<16xi32>
    %broadcast_in_dim3A_144 = arith.constant 0 : i32
    %broadcast_in_dim3A_145 = vector.broadcast %broadcast_in_dim3A_144 : i32 to vector<16xi32>
    %add3A_146 = arith.constant 0 : i32
    %add3A_147 = vector.broadcast %add3A_146 : i32 to vector<16xi32>
    %add3A_148 = arith.addi %broadcast_in_dim3A_145, %add3A_147 : vector<16xi32>
    %gather3A_149 = tpu.vector_load_idx %arg12[%add3A_143, %add3A_148] : memref<64x128xi32, #tpu.memory_space<vmem>>[vector<16xi32>, vector<16xi32>], vector<16xi32>,
    %swap3A_150 = arith.constant 0 : i32
    %swap3A_151 = arith.index_cast %swap3A_150 : i32 to index
    %swap3A_152 = arith.constant 16 : index
    %swap3A_153 = tpu.vector_load %arg15[%swap3A_151, %swap3A_152] {strides = array<i32>} : memref<6x64xi32, #tpu.memory_space<vmem>>, vector<16xi32>,
    tpu.vector_store %arg15[%swap3A_151, %swap3A_152], %gather3A_149 {strides = array<i32>} : memref<6x64xi32, #tpu.memory_space<vmem>>, vector<16xi32>,
    %broadcast_in_dim3A_154 = arith.constant 0 : i32
    %broadcast_in_dim3A_155 = vector.broadcast %broadcast_in_dim3A_154 : i32 to vector<16xi32>
    %add3A_156 = arith.constant 1 : i32
    %add3A_157 = vector.broadcast %add3A_156 : i32 to vector<16xi32>
    %add3A_158 = arith.addi %broadcast_in_dim3A_155, %add3A_157 : vector<16xi32>
    %gather3A_159 = tpu.vector_load_idx %arg12[%add3A_143, %add3A_158] : memref<64x128xi32, #tpu.memory_space<vmem>>[vector<16xi32>, vector<16xi32>], vector<16xi32>,
    %swap3A_160 = arith.constant 1 : i32
    %swap3A_161 = arith.index_cast %swap3A_160 : i32 to index
    %swap3A_162 = arith.constant 16 : index
    %swap3A_163 = tpu.vector_load %arg15[%swap3A_161, %swap3A_162] {strides = array<i32>} : memref<6x64xi32, #tpu.memory_space<vmem>>, vector<16xi32>,
    tpu.vector_store %arg15[%swap3A_161, %swap3A_162], %gather3A_159 {strides = array<i32>} : memref<6x64xi32, #tpu.memory_space<vmem>>, vector<16xi32>,
    %broadcast_in_dim3A_164 = arith.constant 0 : i32
    %broadcast_in_dim3A_165 = vector.broadcast %broadcast_in_dim3A_164 : i32 to vector<16xi32>
    %add3A_166 = arith.constant 2 : i32
    %add3A_167 = vector.broadcast %add3A_166 : i32 to vector<16xi32>
    %add3A_168 = arith.addi %broadcast_in_dim3A_165, %add3A_167 : vector<16xi32>
    %gather3A_169 = tpu.vector_load_idx %arg12[%add3A_143, %add3A_168] : memref<64x128xi32, #tpu.memory_space<vmem>>[vector<16xi32>, vector<16xi32>], vector<16xi32>,
    %swap3A_170 = arith.constant 2 : i32
    %swap3A_171 = arith.index_cast %swap3A_170 : i32 to index
    %swap3A_172 = arith.constant 16 : index
    %swap3A_173 = tpu.vector_load %arg15[%swap3A_171, %swap3A_172] {strides = array<i32>} : memref<6x64xi32, #tpu.memory_space<vmem>>, vector<16xi32>,
    tpu.vector_store %arg15[%swap3A_171, %swap3A_172], %gather3A_169 {strides = array<i32>} : memref<6x64xi32, #tpu.memory_space<vmem>>, vector<16xi32>,
    %broadcast_in_dim3A_174 = arith.constant 0 : i32
    %broadcast_in_dim3A_175 = vector.broadcast %broadcast_in_dim3A_174 : i32 to vector<16xi32>
    %add3A_176 = arith.constant 3 : i32
    %add3A_177 = vector.broadcast %add3A_176 : i32 to vector<16xi32>
    %add3A_178 = arith.addi %broadcast_in_dim3A_175, %add3A_177 : vector<16xi32>
    %gather3A_179 = tpu.vector_load_idx %arg12[%add3A_143, %add3A_178] : memref<64x128xi32, #tpu.memory_space<vmem>>[vector<16xi32>, vector<16xi32>], vector<16xi32>,
    %swap3A_180 = arith.constant 3 : i32
    %swap3A_181 = arith.index_cast %swap3A_180 : i32 to index
    %swap3A_182 = arith.constant 16 : index
    %swap3A_183 = tpu.vector_load %arg15[%swap3A_181, %swap3A_182] {strides = array<i32>} : memref<6x64xi32, #tpu.memory_space<vmem>>, vector<16xi32>,
    tpu.vector_store %arg15[%swap3A_181, %swap3A_182], %gather3A_179 {strides = array<i32>} : memref<6x64xi32, #tpu.memory_space<vmem>>, vector<16xi32>,
    %broadcast_in_dim3A_184 = arith.constant 0 : i32
    %broadcast_in_dim3A_185 = vector.broadcast %broadcast_in_dim3A_184 : i32 to vector<16xi32>
    %add3A_186 = arith.constant 4 : i32
    %add3A_187 = vector.broadcast %add3A_186 : i32 to vector<16xi32>
    %add3A_188 = arith.addi %broadcast_in_dim3A_185, %add3A_187 : vector<16xi32>
    %gather3A_189 = tpu.vector_load_idx %arg12[%add3A_143, %add3A_188] : memref<64x128xi32, #tpu.memory_space<vmem>>[vector<16xi32>, vector<16xi32>], vector<16xi32>,
    %swap3A_190 = arith.constant 4 : i32
    %swap3A_191 = arith.index_cast %swap3A_190 : i32 to index
    %swap3A_192 = arith.constant 16 : index
    %swap3A_193 = tpu.vector_load %arg15[%swap3A_191, %swap3A_192] {strides = array<i32>} : memref<6x64xi32, #tpu.memory_space<vmem>>, vector<16xi32>,
    tpu.vector_store %arg15[%swap3A_191, %swap3A_192], %gather3A_189 {strides = array<i32>} : memref<6x64xi32, #tpu.memory_space<vmem>>, vector<16xi32>,
    %broadcast_in_dim3A_194 = arith.constant 0 : i32
    %broadcast_in_dim3A_195 = vector.broadcast %broadcast_in_dim3A_194 : i32 to vector<16xi32>
    %add3A_196 = arith.constant 5 : i32
    %add3A_197 = vector.broadcast %add3A_196 : i32 to vector<16xi32>
    %add3A_198 = arith.addi %broadcast_in_dim3A_195, %add3A_197 : vector<16xi32>
    %gather3A_199 = tpu.vector_load_idx %arg12[%add3A_143, %add3A_198] : memref<64x128xi32, #tpu.memory_space<vmem>>[vector<16xi32>, vector<16xi32>], vector<16xi32>,
    %swap3A_200 = arith.constant 5 : i32
    %swap3A_201 = arith.index_cast %swap3A_200 : i32 to index
    %swap3A_202 = arith.constant 16 : index
    %swap3A_203 = tpu.vector_load %arg15[%swap3A_201, %swap3A_202] {strides = array<i32>} : memref<6x64xi32, #tpu.memory_space<vmem>>, vector<16xi32>,
    tpu.vector_store %arg15[%swap3A_201, %swap3A_202], %gather3A_199 {strides = array<i32>} : memref<6x64xi32, #tpu.memory_space<vmem>>, vector<16xi32>,
    %iota3A_204 = tpu.iota {dimensions = array<i32: 0>} : vector<16xi32>
    %add3A_205 = arith.constant 32 : i32
    %add3A_206 = vector.broadcast %add3A_205 : i32 to vector<16xi32>
    %add3A_207 = arith.addi %iota3A_204, %add3A_206 : vector<16xi32>
    %broadcast_in_dim3A_208 = arith.constant 0 : i32
    %broadcast_in_dim3A_209 = vector.broadcast %broadcast_in_dim3A_208 : i32 to vector<16xi32>
    %add3A_210 = arith.constant 0 : i32
    %add3A_211 = vector.broadcast %add3A_210 : i32 to vector<16xi32>
    %add3A_212 = arith.addi %broadcast_in_dim3A_209, %add3A_211 : vector<16xi32>
    %gather3A_213 = tpu.vector_load_idx %arg12[%add3A_207, %add3A_212] : memref<64x128xi32, #tpu.memory_space<vmem>>[vector<16xi32>, vector<16xi32>], vector<16xi32>,
    %swap3A_214 = arith.constant 0 : i32
    %swap3A_215 = arith.index_cast %swap3A_214 : i32 to index
    %swap3A_216 = arith.constant 32 : index
    %swap3A_217 = tpu.vector_load %arg15[%swap3A_215, %swap3A_216] {strides = array<i32>} : memref<6x64xi32, #tpu.memory_space<vmem>>, vector<16xi32>,
    tpu.vector_store %arg15[%swap3A_215, %swap3A_216], %gather3A_213 {strides = array<i32>} : memref<6x64xi32, #tpu.memory_space<vmem>>, vector<16xi32>,
    %broadcast_in_dim3A_218 = arith.constant 0 : i32
    %broadcast_in_dim3A_219 = vector.broadcast %broadcast_in_dim3A_218 : i32 to vector<16xi32>
    %add3A_220 = arith.constant 1 : i32
    %add3A_221 = vector.broadcast %add3A_220 : i32 to vector<16xi32>
    %add3A_222 = arith.addi %broadcast_in_dim3A_219, %add3A_221 : vector<16xi32>
    %gather3A_223 = tpu.vector_load_idx %arg12[%add3A_207, %add3A_222] : memref<64x128xi32, #tpu.memory_space<vmem>>[vector<16xi32>, vector<16xi32>], vector<16xi32>,
    %swap3A_224 = arith.constant 1 : i32
    %swap3A_225 = arith.index_cast %swap3A_224 : i32 to index
    %swap3A_226 = arith.constant 32 : index
    %swap3A_227 = tpu.vector_load %arg15[%swap3A_225, %swap3A_226] {strides = array<i32>} : memref<6x64xi32, #tpu.memory_space<vmem>>, vector<16xi32>,
    tpu.vector_store %arg15[%swap3A_225, %swap3A_226], %gather3A_223 {strides = array<i32>} : memref<6x64xi32, #tpu.memory_space<vmem>>, vector<16xi32>,
    %broadcast_in_dim3A_228 = arith.constant 0 : i32
    %broadcast_in_dim3A_229 = vector.broadcast %broadcast_in_dim3A_228 : i32 to vector<16xi32>
    %add3A_230 = arith.constant 2 : i32
    %add3A_231 = vector.broadcast %add3A_230 : i32 to vector<16xi32>
    %add3A_232 = arith.addi %broadcast_in_dim3A_229, %add3A_231 : vector<16xi32>
    %gather3A_233 = tpu.vector_load_idx %arg12[%add3A_207, %add3A_232] : memref<64x128xi32, #tpu.memory_space<vmem>>[vector<16xi32>, vector<16xi32>], vector<16xi32>,
    %swap3A_234 = arith.constant 2 : i32
    %swap3A_235 = arith.index_cast %swap3A_234 : i32 to index
    %swap3A_236 = arith.constant 32 : index
    %swap3A_237 = tpu.vector_load %arg15[%swap3A_235, %swap3A_236] {strides = array<i32>} : memref<6x64xi32, #tpu.memory_space<vmem>>, vector<16xi32>,
    tpu.vector_store %arg15[%swap3A_235, %swap3A_236], %gather3A_233 {strides = array<i32>} : memref<6x64xi32, #tpu.memory_space<vmem>>, vector<16xi32>,
    %broadcast_in_dim3A_238 = arith.constant 0 : i32
    %broadcast_in_dim3A_239 = vector.broadcast %broadcast_in_dim3A_238 : i32 to vector<16xi32>
    %add3A_240 = arith.constant 3 : i32
    %add3A_241 = vector.broadcast %add3A_240 : i32 to vector<16xi32>
    %add3A_242 = arith.addi %broadcast_in_dim3A_239, %add3A_241 : vector<16xi32>
    %gather3A_243 = tpu.vector_load_idx %arg12[%add3A_207, %add3A_242] : memref<64x128xi32, #tpu.memory_space<vmem>>[vector<16xi32>, vector<16xi32>], vector<16xi32>,
    %swap3A_244 = arith.constant 3 : i32
    %swap3A_245 = arith.index_cast %swap3A_244 : i32 to index
    %swap3A_246 = arith.constant 32 : index
    %swap3A_247 = tpu.vector_load %arg15[%swap3A_245, %swap3A_246] {strides = array<i32>} : memref<6x64xi32, #tpu.memory_space<vmem>>, vector<16xi32>,
    tpu.vector_store %arg15[%swap3A_245, %swap3A_246], %gather3A_243 {strides = array<i32>} : memref<6x64xi32, #tpu.memory_space<vmem>>, vector<16xi32>,
    %broadcast_in_dim3A_248 = arith.constant 0 : i32
    %broadcast_in_dim3A_249 = vector.broadcast %broadcast_in_dim3A_248 : i32 to vector<16xi32>
    %add3A_250 = arith.constant 4 : i32
    %add3A_251 = vector.broadcast %add3A_250 : i32 to vector<16xi32>
    %add3A_252 = arith.addi %broadcast_in_dim3A_249, %add3A_251 : vector<16xi32>
    %gather3A_253 = tpu.vector_load_idx %arg12[%add3A_207, %add3A_252] : memref<64x128xi32, #tpu.memory_space<vmem>>[vector<16xi32>, vector<16xi32>], vector<16xi32>,
    %swap3A_254 = arith.constant 4 : i32
    %swap3A_255 = arith.index_cast %swap3A_254 : i32 to index
    %swap3A_256 = arith.constant 32 : index
    %swap3A_257 = tpu.vector_load %arg15[%swap3A_255, %swap3A_256] {strides = array<i32>} : memref<6x64xi32, #tpu.memory_space<vmem>>, vector<16xi32>,
    tpu.vector_store %arg15[%swap3A_255, %swap3A_256], %gather3A_253 {strides = array<i32>} : memref<6x64xi32, #tpu.memory_space<vmem>>, vector<16xi32>,
    %broadcast_in_dim3A_258 = arith.constant 0 : i32
    %broadcast_in_dim3A_259 = vector.broadcast %broadcast_in_dim3A_258 : i32 to vector<16xi32>
    %add3A_260 = arith.constant 5 : i32
    %add3A_261 = vector.broadcast %add3A_260 : i32 to vector<16xi32>
    %add3A_262 = arith.addi %broadcast_in_dim3A_259, %add3A_261 : vector<16xi32>
    %gather3A_263 = tpu.vector_load_idx %arg12[%add3A_207, %add3A_262] : memref<64x128xi32, #tpu.memory_space<vmem>>[vector<16xi32>, vector<16xi32>], vector<16xi32>,
    %swap3A_264 = arith.constant 5 : i32
    %swap3A_265 = arith.index_cast %swap3A_264 : i32 to index
    %swap3A_266 = arith.constant 32 : index
    %swap3A_267 = tpu.vector_load %arg15[%swap3A_265, %swap3A_266] {strides = array<i32>} : memref<6x64xi32, #tpu.memory_space<vmem>>, vector<16xi32>,
    tpu.vector_store %arg15[%swap3A_265, %swap3A_266], %gather3A_263 {strides = array<i32>} : memref<6x64xi32, #tpu.memory_space<vmem>>, vector<16xi32>,
    %iota3A_268 = tpu.iota {dimensions = array<i32: 0>} : vector<16xi32>
    %add3A_269 = arith.constant 48 : i32
    %add3A_270 = vector.broadcast %add3A_269 : i32 to vector<16xi32>
    %add3A_271 = arith.addi %iota3A_268, %add3A_270 : vector<16xi32>
    %broadcast_in_dim3A_272 = arith.constant 0 : i32
    %broadcast_in_dim3A_273 = vector.broadcast %broadcast_in_dim3A_272 : i32 to vector<16xi32>
    %add3A_274 = arith.constant 0 : i32
    %add3A_275 = vector.broadcast %add3A_274 : i32 to vector<16xi32>
    %add3A_276 = arith.addi %broadcast_in_dim3A_273, %add3A_275 : vector<16xi32>
    %gather3A_277 = tpu.vector_load_idx %arg12[%add3A_271, %add3A_276] : memref<64x128xi32, #tpu.memory_space<vmem>>[vector<16xi32>, vector<16xi32>], vector<16xi32>,
    %swap3A_278 = arith.constant 0 : i32
    %swap3A_279 = arith.index_cast %swap3A_278 : i32 to index
    %swap3A_280 = arith.constant 48 : index
    %swap3A_281 = tpu.vector_load %arg15[%swap3A_279, %swap3A_280] {strides = array<i32>} : memref<6x64xi32, #tpu.memory_space<vmem>>, vector<16xi32>,
    tpu.vector_store %arg15[%swap3A_279, %swap3A_280], %gather3A_277 {strides = array<i32>} : memref<6x64xi32, #tpu.memory_space<vmem>>, vector<16xi32>,
    %broadcast_in_dim3A_282 = arith.constant 0 : i32
    %broadcast_in_dim3A_283 = vector.broadcast %broadcast_in_dim3A_282 : i32 to vector<16xi32>
    %add3A_284 = arith.constant 1 : i32
    %add3A_285 = vector.broadcast %add3A_284 : i32 to vector<16xi32>
    %add3A_286 = arith.addi %broadcast_in_dim3A_283, %add3A_285 : vector<16xi32>
    %gather3A_287 = tpu.vector_load_idx %arg12[%add3A_271, %add3A_286] : memref<64x128xi32, #tpu.memory_space<vmem>>[vector<16xi32>, vector<16xi32>], vector<16xi32>,
    %swap3A_288 = arith.constant 1 : i32
    %swap3A_289 = arith.index_cast %swap3A_288 : i32 to index
    %swap3A_290 = arith.constant 48 : index
    %swap3A_291 = tpu.vector_load %arg15[%swap3A_289, %swap3A_290] {strides = array<i32>} : memref<6x64xi32, #tpu.memory_space<vmem>>, vector<16xi32>,
    tpu.vector_store %arg15[%swap3A_289, %swap3A_290], %gather3A_287 {strides = array<i32>} : memref<6x64xi32, #tpu.memory_space<vmem>>, vector<16xi32>,
    %broadcast_in_dim3A_292 = arith.constant 0 : i32
    %broadcast_in_dim3A_293 = vector.broadcast %broadcast_in_dim3A_292 : i32 to vector<16xi32>
    %add3A_294 = arith.constant 2 : i32
    %add3A_295 = vector.broadcast %add3A_294 : i32 to vector<16xi32>
    %add3A_296 = arith.addi %broadcast_in_dim3A_293, %add3A_295 : vector<16xi32>
    %gather3A_297 = tpu.vector_load_idx %arg12[%add3A_271, %add3A_296] : memref<64x128xi32, #tpu.memory_space<vmem>>[vector<16xi32>, vector<16xi32>], vector<16xi32>,
    %swap3A_298 = arith.constant 2 : i32
    %swap3A_299 = arith.index_cast %swap3A_298 : i32 to index
    %swap3A_300 = arith.constant 48 : index
    %swap3A_301 = tpu.vector_load %arg15[%swap3A_299, %swap3A_300] {strides = array<i32>} : memref<6x64xi32, #tpu.memory_space<vmem>>, vector<16xi32>,
    tpu.vector_store %arg15[%swap3A_299, %swap3A_300], %gather3A_297 {strides = array<i32>} : memref<6x64xi32, #tpu.memory_space<vmem>>, vector<16xi32>,
    %broadcast_in_dim3A_302 = arith.constant 0 : i32
    %broadcast_in_dim3A_303 = vector.broadcast %broadcast_in_dim3A_302 : i32 to vector<16xi32>
    %add3A_304 = arith.constant 3 : i32
    %add3A_305 = vector.broadcast %add3A_304 : i32 to vector<16xi32>
    %add3A_306 = arith.addi %broadcast_in_dim3A_303, %add3A_305 : vector<16xi32>
    %gather3A_307 = tpu.vector_load_idx %arg12[%add3A_271, %add3A_306] : memref<64x128xi32, #tpu.memory_space<vmem>>[vector<16xi32>, vector<16xi32>], vector<16xi32>,
    %swap3A_308 = arith.constant 3 : i32
    %swap3A_309 = arith.index_cast %swap3A_308 : i32 to index
    %swap3A_310 = arith.constant 48 : index
    %swap3A_311 = tpu.vector_load %arg15[%swap3A_309, %swap3A_310] {strides = array<i32>} : memref<6x64xi32, #tpu.memory_space<vmem>>, vector<16xi32>,
    tpu.vector_store %arg15[%swap3A_309, %swap3A_310], %gather3A_307 {strides = array<i32>} : memref<6x64xi32, #tpu.memory_space<vmem>>, vector<16xi32>,
    %broadcast_in_dim3A_312 = arith.constant 0 : i32
    %broadcast_in_dim3A_313 = vector.broadcast %broadcast_in_dim3A_312 : i32 to vector<16xi32>
    %add3A_314 = arith.constant 4 : i32
    %add3A_315 = vector.broadcast %add3A_314 : i32 to vector<16xi32>
    %add3A_316 = arith.addi %broadcast_in_dim3A_313, %add3A_315 : vector<16xi32>
    %gather3A_317 = tpu.vector_load_idx %arg12[%add3A_271, %add3A_316] : memref<64x128xi32, #tpu.memory_space<vmem>>[vector<16xi32>, vector<16xi32>], vector<16xi32>,
    %swap3A_318 = arith.constant 4 : i32
    %swap3A_319 = arith.index_cast %swap3A_318 : i32 to index
    %swap3A_320 = arith.constant 48 : index
    %swap3A_321 = tpu.vector_load %arg15[%swap3A_319, %swap3A_320] {strides = array<i32>} : memref<6x64xi32, #tpu.memory_space<vmem>>, vector<16xi32>,
    tpu.vector_store %arg15[%swap3A_319, %swap3A_320], %gather3A_317 {strides = array<i32>} : memref<6x64xi32, #tpu.memory_space<vmem>>, vector<16xi32>,
    %broadcast_in_dim3A_322 = arith.constant 0 : i32
    %broadcast_in_dim3A_323 = vector.broadcast %broadcast_in_dim3A_322 : i32 to vector<16xi32>
    %add3A_324 = arith.constant 5 : i32
    %add3A_325 = vector.broadcast %add3A_324 : i32 to vector<16xi32>
    %add3A_326 = arith.addi %broadcast_in_dim3A_323, %add3A_325 : vector<16xi32>
    %gather3A_327 = tpu.vector_load_idx %arg12[%add3A_271, %add3A_326] : memref<64x128xi32, #tpu.memory_space<vmem>>[vector<16xi32>, vector<16xi32>], vector<16xi32>,
    %swap3A_328 = arith.constant 5 : i32
    %swap3A_329 = arith.index_cast %swap3A_328 : i32 to index
    %swap3A_330 = arith.constant 48 : index
    %swap3A_331 = tpu.vector_load %arg15[%swap3A_329, %swap3A_330] {strides = array<i32>} : memref<6x64xi32, #tpu.memory_space<vmem>>, vector<16xi32>,
    tpu.vector_store %arg15[%swap3A_329, %swap3A_330], %gather3A_327 {strides = array<i32>} : memref<6x64xi32, #tpu.memory_space<vmem>>, vector<16xi32>,
    %dma_start3A_332 = arith.constant 0 : i32
    %dma_start3A_333 = arith.constant 0 : i32
    %dma_start3A_334 = tpu.memref_slice %arg15[%dma_start3A_332, %dma_start3A_333] : memref<6x64xi32, #tpu.memory_space<vmem>> -> memref<1x64xi32, #tpu.memory_space<vmem>>
    %dma_start3A_335 = tpu.memref_squeeze %dma_start3A_334 : memref<1x64xi32, #tpu.memory_space<vmem>> -> memref<64xi32, #tpu.memory_space<vmem>>
    %dma_start3A_336 = arith.constant 0 : i32
    %dma_start3A_337 = arith.constant 0 : i32
    %dma_start3A_338 = tpu.memref_slice %arg10[%dma_start3A_336, %dma_start3A_337] : memref<32768x128xf32, #tpu.memory_space<hbm>> -> memref<32768x128xf32, #tpu.memory_space<hbm>>
    tpu.enqueue_indirect_dma source(%arg13 : memref<64x128xf32, #tpu.memory_space<vmem>>) target(%dma_start3A_338 : memref<32768x128xf32, #tpu.memory_space<hbm>>) offsets(%dma_start3A_335 : memref<64xi32, #tpu.memory_space<vmem>>) semaphore(%arg17 : memref<!tpu.dma_semaphore, #tpu.memory_space<semaphore_mem>>)
    %dma_start3A_339 = arith.constant 1 : i32
    %dma_start3A_340 = arith.constant 0 : i32
    %dma_start3A_341 = tpu.memref_slice %arg15[%dma_start3A_339, %dma_start3A_340] : memref<6x64xi32, #tpu.memory_space<vmem>> -> memref<1x64xi32, #tpu.memory_space<vmem>>
    %dma_start3A_342 = tpu.memref_squeeze %dma_start3A_341 : memref<1x64xi32, #tpu.memory_space<vmem>> -> memref<64xi32, #tpu.memory_space<vmem>>
    %dma_start3A_343 = arith.constant 0 : i32
    %dma_start3A_344 = arith.constant 0 : i32
    %dma_start3A_345 = tpu.memref_slice %arg10[%dma_start3A_343, %dma_start3A_344] : memref<32768x128xf32, #tpu.memory_space<hbm>> -> memref<32768x128xf32, #tpu.memory_space<hbm>>
    tpu.enqueue_indirect_dma source(%arg13 : memref<64x128xf32, #tpu.memory_space<vmem>>) target(%dma_start3A_345 : memref<32768x128xf32, #tpu.memory_space<hbm>>) offsets(%dma_start3A_342 : memref<64xi32, #tpu.memory_space<vmem>>) semaphore(%arg17 : memref<!tpu.dma_semaphore, #tpu.memory_space<semaphore_mem>>)
    %dma_start3A_346 = arith.constant 2 : i32
    %dma_start3A_347 = arith.constant 0 : i32
    %dma_start3A_348 = tpu.memref_slice %arg15[%dma_start3A_346, %dma_start3A_347] : memref<6x64xi32, #tpu.memory_space<vmem>> -> memref<1x64xi32, #tpu.memory_space<vmem>>
    %dma_start3A_349 = tpu.memref_squeeze %dma_start3A_348 : memref<1x64xi32, #tpu.memory_space<vmem>> -> memref<64xi32, #tpu.memory_space<vmem>>
    %dma_start3A_350 = arith.constant 0 : i32
    %dma_start3A_351 = arith.constant 0 : i32
    %dma_start3A_352 = tpu.memref_slice %arg10[%dma_start3A_350, %dma_start3A_351] : memref<32768x128xf32, #tpu.memory_space<hbm>> -> memref<32768x128xf32, #tpu.memory_space<hbm>>
    tpu.enqueue_indirect_dma source(%arg13 : memref<64x128xf32, #tpu.memory_space<vmem>>) target(%dma_start3A_352 : memref<32768x128xf32, #tpu.memory_space<hbm>>) offsets(%dma_start3A_349 : memref<64xi32, #tpu.memory_space<vmem>>) semaphore(%arg17 : memref<!tpu.dma_semaphore, #tpu.memory_space<semaphore_mem>>)
    %dma_start3A_353 = arith.constant 3 : i32
    %dma_start3A_354 = arith.constant 0 : i32
    %dma_start3A_355 = tpu.memref_slice %arg15[%dma_start3A_353, %dma_start3A_354] : memref<6x64xi32, #tpu.memory_space<vmem>> -> memref<1x64xi32, #tpu.memory_space<vmem>>
    %dma_start3A_356 = tpu.memref_squeeze %dma_start3A_355 : memref<1x64xi32, #tpu.memory_space<vmem>> -> memref<64xi32, #tpu.memory_space<vmem>>
    %dma_start3A_357 = arith.constant 0 : i32
    %dma_start3A_358 = arith.constant 0 : i32
    %dma_start3A_359 = tpu.memref_slice %arg10[%dma_start3A_357, %dma_start3A_358] : memref<32768x128xf32, #tpu.memory_space<hbm>> -> memref<32768x128xf32, #tpu.memory_space<hbm>>
    tpu.enqueue_indirect_dma source(%arg13 : memref<64x128xf32, #tpu.memory_space<vmem>>) target(%dma_start3A_359 : memref<32768x128xf32, #tpu.memory_space<hbm>>) offsets(%dma_start3A_356 : memref<64xi32, #tpu.memory_space<vmem>>) semaphore(%arg17 : memref<!tpu.dma_semaphore, #tpu.memory_space<semaphore_mem>>)
    %dma_start3A_360 = arith.constant 4 : i32
    %dma_start3A_361 = arith.constant 0 : i32
    %dma_start3A_362 = tpu.memref_slice %arg15[%dma_start3A_360, %dma_start3A_361] : memref<6x64xi32, #tpu.memory_space<vmem>> -> memref<1x64xi32, #tpu.memory_space<vmem>>
    %dma_start3A_363 = tpu.memref_squeeze %dma_start3A_362 : memref<1x64xi32, #tpu.memory_space<vmem>> -> memref<64xi32, #tpu.memory_space<vmem>>
    %dma_start3A_364 = arith.constant 0 : i32
    %dma_start3A_365 = arith.constant 0 : i32
    %dma_start3A_366 = tpu.memref_slice %arg10[%dma_start3A_364, %dma_start3A_365] : memref<32768x128xf32, #tpu.memory_space<hbm>> -> memref<32768x128xf32, #tpu.memory_space<hbm>>
    tpu.enqueue_indirect_dma source(%arg13 : memref<64x128xf32, #tpu.memory_space<vmem>>) target(%dma_start3A_366 : memref<32768x128xf32, #tpu.memory_space<hbm>>) offsets(%dma_start3A_363 : memref<64xi32, #tpu.memory_space<vmem>>) semaphore(%arg17 : memref<!tpu.dma_semaphore, #tpu.memory_space<semaphore_mem>>)
    %dma_start3A_367 = arith.constant 5 : i32
    %dma_start3A_368 = arith.constant 0 : i32
    %dma_start3A_369 = tpu.memref_slice %arg15[%dma_start3A_367, %dma_start3A_368] : memref<6x64xi32, #tpu.memory_space<vmem>> -> memref<1x64xi32, #tpu.memory_space<vmem>>
    %dma_start3A_370 = tpu.memref_squeeze %dma_start3A_369 : memref<1x64xi32, #tpu.memory_space<vmem>> -> memref<64xi32, #tpu.memory_space<vmem>>
    %dma_start3A_371 = arith.constant 0 : i32
    %dma_start3A_372 = arith.constant 0 : i32
    %dma_start3A_373 = tpu.memref_slice %arg10[%dma_start3A_371, %dma_start3A_372] : memref<32768x128xf32, #tpu.memory_space<hbm>> -> memref<32768x128xf32, #tpu.memory_space<hbm>>
    tpu.enqueue_indirect_dma source(%arg13 : memref<64x128xf32, #tpu.memory_space<vmem>>) target(%dma_start3A_373 : memref<32768x128xf32, #tpu.memory_space<hbm>>) offsets(%dma_start3A_370 : memref<64xi32, #tpu.memory_space<vmem>>) semaphore(%arg17 : memref<!tpu.dma_semaphore, #tpu.memory_space<semaphore_mem>>)
    %dma_wait3A = arith.constant 0 : i32
    %dma_wait3A_374 = arith.constant 0 : i32
    %dma_wait3A_375 = arith.constant 0 : i32
    %dma_wait3A_376 = tpu.memref_slice %arg14[%dma_wait3A, %dma_wait3A_374, %dma_wait3A_375] : memref<6x64x128xf32, #tpu.memory_space<vmem>> -> memref<1x64x128xf32, #tpu.memory_space<vmem>>
    %dma_wait3A_377 = tpu.memref_squeeze %dma_wait3A_376 : memref<1x64x128xf32, #tpu.memory_space<vmem>> -> memref<64x128xf32, #tpu.memory_space<vmem>>
    %dma_wait3A_378 = arith.constant 0 : i32
    %dma_wait3A_379 = tpu.memref_slice %arg4[%mul3A_2, %dma_wait3A_378] : memref<2048x128xf32, #tpu.memory_space<hbm>> -> memref<64x128xf32, #tpu.memory_space<hbm>>
    %dma_wait3A_380 = arith.constant 0 : i32
    %dma_wait3A_381 = arith.constant 0 : i32
    %dma_wait3A_382 = tpu.memref_slice %arg14[%dma_wait3A, %dma_wait3A_380, %dma_wait3A_381] : memref<6x64x128xf32, #tpu.memory_space<vmem>> -> memref<1x64x128xf32, #tpu.memory_space<vmem>>
    %dma_wait3A_383 = tpu.memref_squeeze %dma_wait3A_382 : memref<1x64x128xf32, #tpu.memory_space<vmem>> -> memref<64x128xf32, #tpu.memory_space<vmem>>
    %dma_wait3A_384 = arith.constant 0 : i32
    %dma_wait3A_385 = tpu.memref_slice %arg4[%mul3A_2, %dma_wait3A_384] : memref<2048x128xf32, #tpu.memory_space<hbm>> -> memref<64x128xf32, #tpu.memory_space<hbm>>
    tpu.wait_dma2 semaphore(%arg16 : memref<!tpu.dma_semaphore, #tpu.memory_space<semaphore_mem>>) src(%dma_wait3A_385 : memref<64x128xf32, #tpu.memory_space<hbm>>) dst(%dma_wait3A_383 : memref<64x128xf32, #tpu.memory_space<vmem>>)
    %dma_wait3A_386 = arith.constant 1 : i32
    %dma_wait3A_387 = arith.constant 0 : i32
    %dma_wait3A_388 = arith.constant 0 : i32
    %dma_wait3A_389 = tpu.memref_slice %arg14[%dma_wait3A_386, %dma_wait3A_387, %dma_wait3A_388] : memref<6x64x128xf32, #tpu.memory_space<vmem>> -> memref<1x64x128xf32, #tpu.memory_space<vmem>>
    %dma_wait3A_390 = tpu.memref_squeeze %dma_wait3A_389 : memref<1x64x128xf32, #tpu.memory_space<vmem>> -> memref<64x128xf32, #tpu.memory_space<vmem>>
    %dma_wait3A_391 = arith.constant 0 : i32
    %dma_wait3A_392 = tpu.memref_slice %arg5[%mul3A_2, %dma_wait3A_391] : memref<2048x128xf32, #tpu.memory_space<hbm>> -> memref<64x128xf32, #tpu.memory_space<hbm>>
    %dma_wait3A_393 = arith.constant 0 : i32
    %dma_wait3A_394 = arith.constant 0 : i32
    %dma_wait3A_395 = tpu.memref_slice %arg14[%dma_wait3A_386, %dma_wait3A_393, %dma_wait3A_394] : memref<6x64x128xf32, #tpu.memory_space<vmem>> -> memref<1x64x128xf32, #tpu.memory_space<vmem>>
    %dma_wait3A_396 = tpu.memref_squeeze %dma_wait3A_395 : memref<1x64x128xf32, #tpu.memory_space<vmem>> -> memref<64x128xf32, #tpu.memory_space<vmem>>
    %dma_wait3A_397 = arith.constant 0 : i32
    %dma_wait3A_398 = tpu.memref_slice %arg5[%mul3A_2, %dma_wait3A_397] : memref<2048x128xf32, #tpu.memory_space<hbm>> -> memref<64x128xf32, #tpu.memory_space<hbm>>
    tpu.wait_dma2 semaphore(%arg16 : memref<!tpu.dma_semaphore, #tpu.memory_space<semaphore_mem>>) src(%dma_wait3A_398 : memref<64x128xf32, #tpu.memory_space<hbm>>) dst(%dma_wait3A_396 : memref<64x128xf32, #tpu.memory_space<vmem>>)
    %dma_wait3A_399 = arith.constant 2 : i32
    %dma_wait3A_400 = arith.constant 0 : i32
    %dma_wait3A_401 = arith.constant 0 : i32
    %dma_wait3A_402 = tpu.memref_slice %arg14[%dma_wait3A_399, %dma_wait3A_400, %dma_wait3A_401] : memref<6x64x128xf32, #tpu.memory_space<vmem>> -> memref<1x64x128xf32, #tpu.memory_space<vmem>>
    %dma_wait3A_403 = tpu.memref_squeeze %dma_wait3A_402 : memref<1x64x128xf32, #tpu.memory_space<vmem>> -> memref<64x128xf32, #tpu.memory_space<vmem>>
    %dma_wait3A_404 = arith.constant 0 : i32
    %dma_wait3A_405 = tpu.memref_slice %arg6[%mul3A_2, %dma_wait3A_404] : memref<2048x128xf32, #tpu.memory_space<hbm>> -> memref<64x128xf32, #tpu.memory_space<hbm>>
    %dma_wait3A_406 = arith.constant 0 : i32
    %dma_wait3A_407 = arith.constant 0 : i32
    %dma_wait3A_408 = tpu.memref_slice %arg14[%dma_wait3A_399, %dma_wait3A_406, %dma_wait3A_407] : memref<6x64x128xf32, #tpu.memory_space<vmem>> -> memref<1x64x128xf32, #tpu.memory_space<vmem>>
    %dma_wait3A_409 = tpu.memref_squeeze %dma_wait3A_408 : memref<1x64x128xf32, #tpu.memory_space<vmem>> -> memref<64x128xf32, #tpu.memory_space<vmem>>
    %dma_wait3A_410 = arith.constant 0 : i32
    %dma_wait3A_411 = tpu.memref_slice %arg6[%mul3A_2, %dma_wait3A_410] : memref<2048x128xf32, #tpu.memory_space<hbm>> -> memref<64x128xf32, #tpu.memory_space<hbm>>
    tpu.wait_dma2 semaphore(%arg16 : memref<!tpu.dma_semaphore, #tpu.memory_space<semaphore_mem>>) src(%dma_wait3A_411 : memref<64x128xf32, #tpu.memory_space<hbm>>) dst(%dma_wait3A_409 : memref<64x128xf32, #tpu.memory_space<vmem>>)
    %dma_wait3A_412 = arith.constant 3 : i32
    %dma_wait3A_413 = arith.constant 0 : i32
    %dma_wait3A_414 = arith.constant 0 : i32
    %dma_wait3A_415 = tpu.memref_slice %arg14[%dma_wait3A_412, %dma_wait3A_413, %dma_wait3A_414] : memref<6x64x128xf32, #tpu.memory_space<vmem>> -> memref<1x64x128xf32, #tpu.memory_space<vmem>>
    %dma_wait3A_416 = tpu.memref_squeeze %dma_wait3A_415 : memref<1x64x128xf32, #tpu.memory_space<vmem>> -> memref<64x128xf32, #tpu.memory_space<vmem>>
    %dma_wait3A_417 = arith.constant 0 : i32
    %dma_wait3A_418 = tpu.memref_slice %arg7[%mul3A_2, %dma_wait3A_417] : memref<2048x128xf32, #tpu.memory_space<hbm>> -> memref<64x128xf32, #tpu.memory_space<hbm>>
    %dma_wait3A_419 = arith.constant 0 : i32
    %dma_wait3A_420 = arith.constant 0 : i32
    %dma_wait3A_421 = tpu.memref_slice %arg14[%dma_wait3A_412, %dma_wait3A_419, %dma_wait3A_420] : memref<6x64x128xf32, #tpu.memory_space<vmem>> -> memref<1x64x128xf32, #tpu.memory_space<vmem>>
    %dma_wait3A_422 = tpu.memref_squeeze %dma_wait3A_421 : memref<1x64x128xf32, #tpu.memory_space<vmem>> -> memref<64x128xf32, #tpu.memory_space<vmem>>
    %dma_wait3A_423 = arith.constant 0 : i32
    %dma_wait3A_424 = tpu.memref_slice %arg7[%mul3A_2, %dma_wait3A_423] : memref<2048x128xf32, #tpu.memory_space<hbm>> -> memref<64x128xf32, #tpu.memory_space<hbm>>
    tpu.wait_dma2 semaphore(%arg16 : memref<!tpu.dma_semaphore, #tpu.memory_space<semaphore_mem>>) src(%dma_wait3A_424 : memref<64x128xf32, #tpu.memory_space<hbm>>) dst(%dma_wait3A_422 : memref<64x128xf32, #tpu.memory_space<vmem>>)
    %dma_wait3A_425 = arith.constant 4 : i32
    %dma_wait3A_426 = arith.constant 0 : i32
    %dma_wait3A_427 = arith.constant 0 : i32
    %dma_wait3A_428 = tpu.memref_slice %arg14[%dma_wait3A_425, %dma_wait3A_426, %dma_wait3A_427] : memref<6x64x128xf32, #tpu.memory_space<vmem>> -> memref<1x64x128xf32, #tpu.memory_space<vmem>>
    %dma_wait3A_429 = tpu.memref_squeeze %dma_wait3A_428 : memref<1x64x128xf32, #tpu.memory_space<vmem>> -> memref<64x128xf32, #tpu.memory_space<vmem>>
    %dma_wait3A_430 = arith.constant 0 : i32
    %dma_wait3A_431 = tpu.memref_slice %arg8[%mul3A_2, %dma_wait3A_430] : memref<2048x128xf32, #tpu.memory_space<hbm>> -> memref<64x128xf32, #tpu.memory_space<hbm>>
    %dma_wait3A_432 = arith.constant 0 : i32
    %dma_wait3A_433 = arith.constant 0 : i32
    %dma_wait3A_434 = tpu.memref_slice %arg14[%dma_wait3A_425, %dma_wait3A_432, %dma_wait3A_433] : memref<6x64x128xf32, #tpu.memory_space<vmem>> -> memref<1x64x128xf32, #tpu.memory_space<vmem>>
    %dma_wait3A_435 = tpu.memref_squeeze %dma_wait3A_434 : memref<1x64x128xf32, #tpu.memory_space<vmem>> -> memref<64x128xf32, #tpu.memory_space<vmem>>
    %dma_wait3A_436 = arith.constant 0 : i32
    %dma_wait3A_437 = tpu.memref_slice %arg8[%mul3A_2, %dma_wait3A_436] : memref<2048x128xf32, #tpu.memory_space<hbm>> -> memref<64x128xf32, #tpu.memory_space<hbm>>
    tpu.wait_dma2 semaphore(%arg16 : memref<!tpu.dma_semaphore, #tpu.memory_space<semaphore_mem>>) src(%dma_wait3A_437 : memref<64x128xf32, #tpu.memory_space<hbm>>) dst(%dma_wait3A_435 : memref<64x128xf32, #tpu.memory_space<vmem>>)
    %dma_wait3A_438 = arith.constant 5 : i32
    %dma_wait3A_439 = arith.constant 0 : i32
    %dma_wait3A_440 = arith.constant 0 : i32
    %dma_wait3A_441 = tpu.memref_slice %arg14[%dma_wait3A_438, %dma_wait3A_439, %dma_wait3A_440] : memref<6x64x128xf32, #tpu.memory_space<vmem>> -> memref<1x64x128xf32, #tpu.memory_space<vmem>>
    %dma_wait3A_442 = tpu.memref_squeeze %dma_wait3A_441 : memref<1x64x128xf32, #tpu.memory_space<vmem>> -> memref<64x128xf32, #tpu.memory_space<vmem>>
    %dma_wait3A_443 = arith.constant 0 : i32
    %dma_wait3A_444 = tpu.memref_slice %arg9[%mul3A_2, %dma_wait3A_443] : memref<2048x128xf32, #tpu.memory_space<hbm>> -> memref<64x128xf32, #tpu.memory_space<hbm>>
    %dma_wait3A_445 = arith.constant 0 : i32
    %dma_wait3A_446 = arith.constant 0 : i32
    %dma_wait3A_447 = tpu.memref_slice %arg14[%dma_wait3A_438, %dma_wait3A_445, %dma_wait3A_446] : memref<6x64x128xf32, #tpu.memory_space<vmem>> -> memref<1x64x128xf32, #tpu.memory_space<vmem>>
    %dma_wait3A_448 = tpu.memref_squeeze %dma_wait3A_447 : memref<1x64x128xf32, #tpu.memory_space<vmem>> -> memref<64x128xf32, #tpu.memory_space<vmem>>
    %dma_wait3A_449 = arith.constant 0 : i32
    %dma_wait3A_450 = tpu.memref_slice %arg9[%mul3A_2, %dma_wait3A_449] : memref<2048x128xf32, #tpu.memory_space<hbm>> -> memref<64x128xf32, #tpu.memory_space<hbm>>
    tpu.wait_dma2 semaphore(%arg16 : memref<!tpu.dma_semaphore, #tpu.memory_space<semaphore_mem>>) src(%dma_wait3A_450 : memref<64x128xf32, #tpu.memory_space<hbm>>) dst(%dma_wait3A_448 : memref<64x128xf32, #tpu.memory_space<vmem>>)
    %dma_start3A_451 = arith.constant 0 : i32
    %dma_start3A_452 = arith.constant 0 : i32
    %dma_start3A_453 = arith.constant 0 : i32
    %dma_start3A_454 = arith.constant 0 : i32
    %dma_start3A_455 = tpu.memref_slice %arg14[%dma_start3A_451, %dma_start3A_453, %dma_start3A_454] : memref<6x64x128xf32, #tpu.memory_space<vmem>> -> memref<1x64x128xf32, #tpu.memory_space<vmem>>
    %dma_start3A_456 = tpu.memref_squeeze %dma_start3A_455 : memref<1x64x128xf32, #tpu.memory_space<vmem>> -> memref<64x128xf32, #tpu.memory_space<vmem>>
    %dma_start3A_457 = arith.constant 0 : i32
    %dma_start3A_458 = tpu.memref_slice %arg15[%dma_start3A_452, %dma_start3A_457] : memref<6x64xi32, #tpu.memory_space<vmem>> -> memref<1x64xi32, #tpu.memory_space<vmem>>
    %dma_start3A_459 = tpu.memref_squeeze %dma_start3A_458 : memref<1x64xi32, #tpu.memory_space<vmem>> -> memref<64xi32, #tpu.memory_space<vmem>>
    %dma_start3A_460 = arith.constant 0 : i32
    %dma_start3A_461 = arith.constant 0 : i32
    %dma_start3A_462 = tpu.memref_slice %arg11[%dma_start3A_460, %dma_start3A_461] : memref<32768x128xf32, #tpu.memory_space<hbm>> -> memref<32768x128xf32, #tpu.memory_space<hbm>>
    tpu.enqueue_indirect_dma source(%dma_start3A_456 : memref<64x128xf32, #tpu.memory_space<vmem>>) target(%dma_start3A_462 : memref<32768x128xf32, #tpu.memory_space<hbm>>) offsets(%dma_start3A_459 : memref<64xi32, #tpu.memory_space<vmem>>) semaphore(%arg17 : memref<!tpu.dma_semaphore, #tpu.memory_space<semaphore_mem>>)
    %dma_start3A_463 = arith.constant 1 : i32
    %dma_start3A_464 = arith.constant 1 : i32
    %dma_start3A_465 = arith.constant 0 : i32
    %dma_start3A_466 = arith.constant 0 : i32
    %dma_start3A_467 = tpu.memref_slice %arg14[%dma_start3A_463, %dma_start3A_465, %dma_start3A_466] : memref<6x64x128xf32, #tpu.memory_space<vmem>> -> memref<1x64x128xf32, #tpu.memory_space<vmem>>
    %dma_start3A_468 = tpu.memref_squeeze %dma_start3A_467 : memref<1x64x128xf32, #tpu.memory_space<vmem>> -> memref<64x128xf32, #tpu.memory_space<vmem>>
    %dma_start3A_469 = arith.constant 0 : i32
    %dma_start3A_470 = tpu.memref_slice %arg15[%dma_start3A_464, %dma_start3A_469] : memref<6x64xi32, #tpu.memory_space<vmem>> -> memref<1x64xi32, #tpu.memory_space<vmem>>
    %dma_start3A_471 = tpu.memref_squeeze %dma_start3A_470 : memref<1x64xi32, #tpu.memory_space<vmem>> -> memref<64xi32, #tpu.memory_space<vmem>>
    %dma_start3A_472 = arith.constant 0 : i32
    %dma_start3A_473 = arith.constant 0 : i32
    %dma_start3A_474 = tpu.memref_slice %arg11[%dma_start3A_472, %dma_start3A_473] : memref<32768x128xf32, #tpu.memory_space<hbm>> -> memref<32768x128xf32, #tpu.memory_space<hbm>>
    tpu.enqueue_indirect_dma source(%dma_start3A_468 : memref<64x128xf32, #tpu.memory_space<vmem>>) target(%dma_start3A_474 : memref<32768x128xf32, #tpu.memory_space<hbm>>) offsets(%dma_start3A_471 : memref<64xi32, #tpu.memory_space<vmem>>) semaphore(%arg17 : memref<!tpu.dma_semaphore, #tpu.memory_space<semaphore_mem>>)
    %dma_start3A_475 = arith.constant 2 : i32
    %dma_start3A_476 = arith.constant 2 : i32
    %dma_start3A_477 = arith.constant 0 : i32
    %dma_start3A_478 = arith.constant 0 : i32
    %dma_start3A_479 = tpu.memref_slice %arg14[%dma_start3A_475, %dma_start3A_477, %dma_start3A_478] : memref<6x64x128xf32, #tpu.memory_space<vmem>> -> memref<1x64x128xf32, #tpu.memory_space<vmem>>
    %dma_start3A_480 = tpu.memref_squeeze %dma_start3A_479 : memref<1x64x128xf32, #tpu.memory_space<vmem>> -> memref<64x128xf32, #tpu.memory_space<vmem>>
    %dma_start3A_481 = arith.constant 0 : i32
    %dma_start3A_482 = tpu.memref_slice %arg15[%dma_start3A_476, %dma_start3A_481] : memref<6x64xi32, #tpu.memory_space<vmem>> -> memref<1x64xi32, #tpu.memory_space<vmem>>
    %dma_start3A_483 = tpu.memref_squeeze %dma_start3A_482 : memref<1x64xi32, #tpu.memory_space<vmem>> -> memref<64xi32, #tpu.memory_space<vmem>>
    %dma_start3A_484 = arith.constant 0 : i32
    %dma_start3A_485 = arith.constant 0 : i32
    %dma_start3A_486 = tpu.memref_slice %arg11[%dma_start3A_484, %dma_start3A_485] : memref<32768x128xf32, #tpu.memory_space<hbm>> -> memref<32768x128xf32, #tpu.memory_space<hbm>>
    tpu.enqueue_indirect_dma source(%dma_start3A_480 : memref<64x128xf32, #tpu.memory_space<vmem>>) target(%dma_start3A_486 : memref<32768x128xf32, #tpu.memory_space<hbm>>) offsets(%dma_start3A_483 : memref<64xi32, #tpu.memory_space<vmem>>) semaphore(%arg17 : memref<!tpu.dma_semaphore, #tpu.memory_space<semaphore_mem>>)
    %dma_start3A_487 = arith.constant 3 : i32
    %dma_start3A_488 = arith.constant 3 : i32
    %dma_start3A_489 = arith.constant 0 : i32
    %dma_start3A_490 = arith.constant 0 : i32
    %dma_start3A_491 = tpu.memref_slice %arg14[%dma_start3A_487, %dma_start3A_489, %dma_start3A_490] : memref<6x64x128xf32, #tpu.memory_space<vmem>> -> memref<1x64x128xf32, #tpu.memory_space<vmem>>
    %dma_start3A_492 = tpu.memref_squeeze %dma_start3A_491 : memref<1x64x128xf32, #tpu.memory_space<vmem>> -> memref<64x128xf32, #tpu.memory_space<vmem>>
    %dma_start3A_493 = arith.constant 0 : i32
    %dma_start3A_494 = tpu.memref_slice %arg15[%dma_start3A_488, %dma_start3A_493] : memref<6x64xi32, #tpu.memory_space<vmem>> -> memref<1x64xi32, #tpu.memory_space<vmem>>
    %dma_start3A_495 = tpu.memref_squeeze %dma_start3A_494 : memref<1x64xi32, #tpu.memory_space<vmem>> -> memref<64xi32, #tpu.memory_space<vmem>>
    %dma_start3A_496 = arith.constant 0 : i32
    %dma_start3A_497 = arith.constant 0 : i32
    %dma_start3A_498 = tpu.memref_slice %arg11[%dma_start3A_496, %dma_start3A_497] : memref<32768x128xf32, #tpu.memory_space<hbm>> -> memref<32768x128xf32, #tpu.memory_space<hbm>>
    tpu.enqueue_indirect_dma source(%dma_start3A_492 : memref<64x128xf32, #tpu.memory_space<vmem>>) target(%dma_start3A_498 : memref<32768x128xf32, #tpu.memory_space<hbm>>) offsets(%dma_start3A_495 : memref<64xi32, #tpu.memory_space<vmem>>) semaphore(%arg17 : memref<!tpu.dma_semaphore, #tpu.memory_space<semaphore_mem>>)
    %dma_start3A_499 = arith.constant 4 : i32
    %dma_start3A_500 = arith.constant 4 : i32
    %dma_start3A_501 = arith.constant 0 : i32
    %dma_start3A_502 = arith.constant 0 : i32
    %dma_start3A_503 = tpu.memref_slice %arg14[%dma_start3A_499, %dma_start3A_501, %dma_start3A_502] : memref<6x64x128xf32, #tpu.memory_space<vmem>> -> memref<1x64x128xf32, #tpu.memory_space<vmem>>
    %dma_start3A_504 = tpu.memref_squeeze %dma_start3A_503 : memref<1x64x128xf32, #tpu.memory_space<vmem>> -> memref<64x128xf32, #tpu.memory_space<vmem>>
    %dma_start3A_505 = arith.constant 0 : i32
    %dma_start3A_506 = tpu.memref_slice %arg15[%dma_start3A_500, %dma_start3A_505] : memref<6x64xi32, #tpu.memory_space<vmem>> -> memref<1x64xi32, #tpu.memory_space<vmem>>
    %dma_start3A_507 = tpu.memref_squeeze %dma_start3A_506 : memref<1x64xi32, #tpu.memory_space<vmem>> -> memref<64xi32, #tpu.memory_space<vmem>>
    %dma_start3A_508 = arith.constant 0 : i32
    %dma_start3A_509 = arith.constant 0 : i32
    %dma_start3A_510 = tpu.memref_slice %arg11[%dma_start3A_508, %dma_start3A_509] : memref<32768x128xf32, #tpu.memory_space<hbm>> -> memref<32768x128xf32, #tpu.memory_space<hbm>>
    tpu.enqueue_indirect_dma source(%dma_start3A_504 : memref<64x128xf32, #tpu.memory_space<vmem>>) target(%dma_start3A_510 : memref<32768x128xf32, #tpu.memory_space<hbm>>) offsets(%dma_start3A_507 : memref<64xi32, #tpu.memory_space<vmem>>) semaphore(%arg17 : memref<!tpu.dma_semaphore, #tpu.memory_space<semaphore_mem>>)
    %dma_start3A_511 = arith.constant 5 : i32
    %dma_start3A_512 = arith.constant 5 : i32
    %dma_start3A_513 = arith.constant 0 : i32
    %dma_start3A_514 = arith.constant 0 : i32
    %dma_start3A_515 = tpu.memref_slice %arg14[%dma_start3A_511, %dma_start3A_513, %dma_start3A_514] : memref<6x64x128xf32, #tpu.memory_space<vmem>> -> memref<1x64x128xf32, #tpu.memory_space<vmem>>
    %dma_start3A_516 = tpu.memref_squeeze %dma_start3A_515 : memref<1x64x128xf32, #tpu.memory_space<vmem>> -> memref<64x128xf32, #tpu.memory_space<vmem>>
    %dma_start3A_517 = arith.constant 0 : i32
    %dma_start3A_518 = tpu.memref_slice %arg15[%dma_start3A_512, %dma_start3A_517] : memref<6x64xi32, #tpu.memory_space<vmem>> -> memref<1x64xi32, #tpu.memory_space<vmem>>
    %dma_start3A_519 = tpu.memref_squeeze %dma_start3A_518 : memref<1x64xi32, #tpu.memory_space<vmem>> -> memref<64xi32, #tpu.memory_space<vmem>>
    %dma_start3A_520 = arith.constant 0 : i32
    %dma_start3A_521 = arith.constant 0 : i32
    %dma_start3A_522 = tpu.memref_slice %arg11[%dma_start3A_520, %dma_start3A_521] : memref<32768x128xf32, #tpu.memory_space<hbm>> -> memref<32768x128xf32, #tpu.memory_space<hbm>>
    tpu.enqueue_indirect_dma source(%dma_start3A_516 : memref<64x128xf32, #tpu.memory_space<vmem>>) target(%dma_start3A_522 : memref<32768x128xf32, #tpu.memory_space<hbm>>) offsets(%dma_start3A_519 : memref<64xi32, #tpu.memory_space<vmem>>) semaphore(%arg17 : memref<!tpu.dma_semaphore, #tpu.memory_space<semaphore_mem>>)
    %dma_wait3A_523 = arith.constant 0 : i32
    %dma_wait3A_524 = arith.constant 0 : i32
    %dma_wait3A_525 = tpu.memref_slice %arg15[%dma_wait3A_523, %dma_wait3A_524] : memref<6x64xi32, #tpu.memory_space<vmem>> -> memref<1x64xi32, #tpu.memory_space<vmem>>
    %dma_wait3A_526 = tpu.memref_squeeze %dma_wait3A_525 : memref<1x64xi32, #tpu.memory_space<vmem>> -> memref<64xi32, #tpu.memory_space<vmem>>
    %dma_wait3A_527 = arith.constant 0 : i32
    %dma_wait3A_528 = arith.constant 0 : i32
    %dma_wait3A_529 = tpu.memref_slice %arg10[%dma_wait3A_527, %dma_wait3A_528] : memref<32768x128xf32, #tpu.memory_space<hbm>> -> memref<32768x128xf32, #tpu.memory_space<hbm>>
    tpu.wait_indirect_dma semaphore(%arg17 : memref<!tpu.dma_semaphore, #tpu.memory_space<semaphore_mem>>) src(%arg13 : memref<64x128xf32, #tpu.memory_space<vmem>>) dst(%dma_wait3A_529 : memref<32768x128xf32, #tpu.memory_space<hbm>>)
    %dma_wait3A_530 = arith.constant 1 : i32
    %dma_wait3A_531 = arith.constant 0 : i32
    %dma_wait3A_532 = tpu.memref_slice %arg15[%dma_wait3A_530, %dma_wait3A_531] : memref<6x64xi32, #tpu.memory_space<vmem>> -> memref<1x64xi32, #tpu.memory_space<vmem>>
    %dma_wait3A_533 = tpu.memref_squeeze %dma_wait3A_532 : memref<1x64xi32, #tpu.memory_space<vmem>> -> memref<64xi32, #tpu.memory_space<vmem>>
    %dma_wait3A_534 = arith.constant 0 : i32
    %dma_wait3A_535 = arith.constant 0 : i32
    %dma_wait3A_536 = tpu.memref_slice %arg10[%dma_wait3A_534, %dma_wait3A_535] : memref<32768x128xf32, #tpu.memory_space<hbm>> -> memref<32768x128xf32, #tpu.memory_space<hbm>>
    tpu.wait_indirect_dma semaphore(%arg17 : memref<!tpu.dma_semaphore, #tpu.memory_space<semaphore_mem>>) src(%arg13 : memref<64x128xf32, #tpu.memory_space<vmem>>) dst(%dma_wait3A_536 : memref<32768x128xf32, #tpu.memory_space<hbm>>)
    %dma_wait3A_537 = arith.constant 2 : i32
    %dma_wait3A_538 = arith.constant 0 : i32
    %dma_wait3A_539 = tpu.memref_slice %arg15[%dma_wait3A_537, %dma_wait3A_538] : memref<6x64xi32, #tpu.memory_space<vmem>> -> memref<1x64xi32, #tpu.memory_space<vmem>>
    %dma_wait3A_540 = tpu.memref_squeeze %dma_wait3A_539 : memref<1x64xi32, #tpu.memory_space<vmem>> -> memref<64xi32, #tpu.memory_space<vmem>>
    %dma_wait3A_541 = arith.constant 0 : i32
    %dma_wait3A_542 = arith.constant 0 : i32
    %dma_wait3A_543 = tpu.memref_slice %arg10[%dma_wait3A_541, %dma_wait3A_542] : memref<32768x128xf32, #tpu.memory_space<hbm>> -> memref<32768x128xf32, #tpu.memory_space<hbm>>
    tpu.wait_indirect_dma semaphore(%arg17 : memref<!tpu.dma_semaphore, #tpu.memory_space<semaphore_mem>>) src(%arg13 : memref<64x128xf32, #tpu.memory_space<vmem>>) dst(%dma_wait3A_543 : memref<32768x128xf32, #tpu.memory_space<hbm>>)
    %dma_wait3A_544 = arith.constant 3 : i32
    %dma_wait3A_545 = arith.constant 0 : i32
    %dma_wait3A_546 = tpu.memref_slice %arg15[%dma_wait3A_544, %dma_wait3A_545] : memref<6x64xi32, #tpu.memory_space<vmem>> -> memref<1x64xi32, #tpu.memory_space<vmem>>
    %dma_wait3A_547 = tpu.memref_squeeze %dma_wait3A_546 : memref<1x64xi32, #tpu.memory_space<vmem>> -> memref<64xi32, #tpu.memory_space<vmem>>
    %dma_wait3A_548 = arith.constant 0 : i32
    %dma_wait3A_549 = arith.constant 0 : i32
    %dma_wait3A_550 = tpu.memref_slice %arg10[%dma_wait3A_548, %dma_wait3A_549] : memref<32768x128xf32, #tpu.memory_space<hbm>> -> memref<32768x128xf32, #tpu.memory_space<hbm>>
    tpu.wait_indirect_dma semaphore(%arg17 : memref<!tpu.dma_semaphore, #tpu.memory_space<semaphore_mem>>) src(%arg13 : memref<64x128xf32, #tpu.memory_space<vmem>>) dst(%dma_wait3A_550 : memref<32768x128xf32, #tpu.memory_space<hbm>>)
    %dma_wait3A_551 = arith.constant 4 : i32
    %dma_wait3A_552 = arith.constant 0 : i32
    %dma_wait3A_553 = tpu.memref_slice %arg15[%dma_wait3A_551, %dma_wait3A_552] : memref<6x64xi32, #tpu.memory_space<vmem>> -> memref<1x64xi32, #tpu.memory_space<vmem>>
    %dma_wait3A_554 = tpu.memref_squeeze %dma_wait3A_553 : memref<1x64xi32, #tpu.memory_space<vmem>> -> memref<64xi32, #tpu.memory_space<vmem>>
    %dma_wait3A_555 = arith.constant 0 : i32
    %dma_wait3A_556 = arith.constant 0 : i32
    %dma_wait3A_557 = tpu.memref_slice %arg10[%dma_wait3A_555, %dma_wait3A_556] : memref<32768x128xf32, #tpu.memory_space<hbm>> -> memref<32768x128xf32, #tpu.memory_space<hbm>>
    tpu.wait_indirect_dma semaphore(%arg17 : memref<!tpu.dma_semaphore, #tpu.memory_space<semaphore_mem>>) src(%arg13 : memref<64x128xf32, #tpu.memory_space<vmem>>) dst(%dma_wait3A_557 : memref<32768x128xf32, #tpu.memory_space<hbm>>)
    %dma_wait3A_558 = arith.constant 5 : i32
    %dma_wait3A_559 = arith.constant 0 : i32
    %dma_wait3A_560 = tpu.memref_slice %arg15[%dma_wait3A_558, %dma_wait3A_559] : memref<6x64xi32, #tpu.memory_space<vmem>> -> memref<1x64xi32, #tpu.memory_space<vmem>>
    %dma_wait3A_561 = tpu.memref_squeeze %dma_wait3A_560 : memref<1x64xi32, #tpu.memory_space<vmem>> -> memref<64xi32, #tpu.memory_space<vmem>>
    %dma_wait3A_562 = arith.constant 0 : i32
    %dma_wait3A_563 = arith.constant 0 : i32
    %dma_wait3A_564 = tpu.memref_slice %arg10[%dma_wait3A_562, %dma_wait3A_563] : memref<32768x128xf32, #tpu.memory_space<hbm>> -> memref<32768x128xf32, #tpu.memory_space<hbm>>
    tpu.wait_indirect_dma semaphore(%arg17 : memref<!tpu.dma_semaphore, #tpu.memory_space<semaphore_mem>>) src(%arg13 : memref<64x128xf32, #tpu.memory_space<vmem>>) dst(%dma_wait3A_564 : memref<32768x128xf32, #tpu.memory_space<hbm>>)
    %dma_wait3A_565 = arith.constant 0 : i32
    %dma_wait3A_566 = arith.constant 0 : i32
    %dma_wait3A_567 = arith.constant 0 : i32
    %dma_wait3A_568 = arith.constant 0 : i32
    %dma_wait3A_569 = tpu.memref_slice %arg14[%dma_wait3A_565, %dma_wait3A_567, %dma_wait3A_568] : memref<6x64x128xf32, #tpu.memory_space<vmem>> -> memref<1x64x128xf32, #tpu.memory_space<vmem>>
    %dma_wait3A_570 = tpu.memref_squeeze %dma_wait3A_569 : memref<1x64x128xf32, #tpu.memory_space<vmem>> -> memref<64x128xf32, #tpu.memory_space<vmem>>
    %dma_wait3A_571 = arith.constant 0 : i32
    %dma_wait3A_572 = tpu.memref_slice %arg15[%dma_wait3A_566, %dma_wait3A_571] : memref<6x64xi32, #tpu.memory_space<vmem>> -> memref<1x64xi32, #tpu.memory_space<vmem>>
    %dma_wait3A_573 = tpu.memref_squeeze %dma_wait3A_572 : memref<1x64xi32, #tpu.memory_space<vmem>> -> memref<64xi32, #tpu.memory_space<vmem>>
    %dma_wait3A_574 = arith.constant 0 : i32
    %dma_wait3A_575 = arith.constant 0 : i32
    %dma_wait3A_576 = tpu.memref_slice %arg11[%dma_wait3A_574, %dma_wait3A_575] : memref<32768x128xf32, #tpu.memory_space<hbm>> -> memref<32768x128xf32, #tpu.memory_space<hbm>>
    tpu.wait_indirect_dma semaphore(%arg17 : memref<!tpu.dma_semaphore, #tpu.memory_space<semaphore_mem>>) src(%dma_wait3A_570 : memref<64x128xf32, #tpu.memory_space<vmem>>) dst(%dma_wait3A_576 : memref<32768x128xf32, #tpu.memory_space<hbm>>)
    %dma_wait3A_577 = arith.constant 1 : i32
    %dma_wait3A_578 = arith.constant 1 : i32
    %dma_wait3A_579 = arith.constant 0 : i32
    %dma_wait3A_580 = arith.constant 0 : i32
    %dma_wait3A_581 = tpu.memref_slice %arg14[%dma_wait3A_577, %dma_wait3A_579, %dma_wait3A_580] : memref<6x64x128xf32, #tpu.memory_space<vmem>> -> memref<1x64x128xf32, #tpu.memory_space<vmem>>
    %dma_wait3A_582 = tpu.memref_squeeze %dma_wait3A_581 : memref<1x64x128xf32, #tpu.memory_space<vmem>> -> memref<64x128xf32, #tpu.memory_space<vmem>>
    %dma_wait3A_583 = arith.constant 0 : i32
    %dma_wait3A_584 = tpu.memref_slice %arg15[%dma_wait3A_578, %dma_wait3A_583] : memref<6x64xi32, #tpu.memory_space<vmem>> -> memref<1x64xi32, #tpu.memory_space<vmem>>
    %dma_wait3A_585 = tpu.memref_squeeze %dma_wait3A_584 : memref<1x64xi32, #tpu.memory_space<vmem>> -> memref<64xi32, #tpu.memory_space<vmem>>
    %dma_wait3A_586 = arith.constant 0 : i32
    %dma_wait3A_587 = arith.constant 0 : i32
    %dma_wait3A_588 = tpu.memref_slice %arg11[%dma_wait3A_586, %dma_wait3A_587] : memref<32768x128xf32, #tpu.memory_space<hbm>> -> memref<32768x128xf32, #tpu.memory_space<hbm>>
    tpu.wait_indirect_dma semaphore(%arg17 : memref<!tpu.dma_semaphore, #tpu.memory_space<semaphore_mem>>) src(%dma_wait3A_582 : memref<64x128xf32, #tpu.memory_space<vmem>>) dst(%dma_wait3A_588 : memref<32768x128xf32, #tpu.memory_space<hbm>>)
    %dma_wait3A_589 = arith.constant 2 : i32
    %dma_wait3A_590 = arith.constant 2 : i32
    %dma_wait3A_591 = arith.constant 0 : i32
    %dma_wait3A_592 = arith.constant 0 : i32
    %dma_wait3A_593 = tpu.memref_slice %arg14[%dma_wait3A_589, %dma_wait3A_591, %dma_wait3A_592] : memref<6x64x128xf32, #tpu.memory_space<vmem>> -> memref<1x64x128xf32, #tpu.memory_space<vmem>>
    %dma_wait3A_594 = tpu.memref_squeeze %dma_wait3A_593 : memref<1x64x128xf32, #tpu.memory_space<vmem>> -> memref<64x128xf32, #tpu.memory_space<vmem>>
    %dma_wait3A_595 = arith.constant 0 : i32
    %dma_wait3A_596 = tpu.memref_slice %arg15[%dma_wait3A_590, %dma_wait3A_595] : memref<6x64xi32, #tpu.memory_space<vmem>> -> memref<1x64xi32, #tpu.memory_space<vmem>>
    %dma_wait3A_597 = tpu.memref_squeeze %dma_wait3A_596 : memref<1x64xi32, #tpu.memory_space<vmem>> -> memref<64xi32, #tpu.memory_space<vmem>>
    %dma_wait3A_598 = arith.constant 0 : i32
    %dma_wait3A_599 = arith.constant 0 : i32
    %dma_wait3A_600 = tpu.memref_slice %arg11[%dma_wait3A_598, %dma_wait3A_599] : memref<32768x128xf32, #tpu.memory_space<hbm>> -> memref<32768x128xf32, #tpu.memory_space<hbm>>
    tpu.wait_indirect_dma semaphore(%arg17 : memref<!tpu.dma_semaphore, #tpu.memory_space<semaphore_mem>>) src(%dma_wait3A_594 : memref<64x128xf32, #tpu.memory_space<vmem>>) dst(%dma_wait3A_600 : memref<32768x128xf32, #tpu.memory_space<hbm>>)
    %dma_wait3A_601 = arith.constant 3 : i32
    %dma_wait3A_602 = arith.constant 3 : i32
    %dma_wait3A_603 = arith.constant 0 : i32
    %dma_wait3A_604 = arith.constant 0 : i32
    %dma_wait3A_605 = tpu.memref_slice %arg14[%dma_wait3A_601, %dma_wait3A_603, %dma_wait3A_604] : memref<6x64x128xf32, #tpu.memory_space<vmem>> -> memref<1x64x128xf32, #tpu.memory_space<vmem>>
    %dma_wait3A_606 = tpu.memref_squeeze %dma_wait3A_605 : memref<1x64x128xf32, #tpu.memory_space<vmem>> -> memref<64x128xf32, #tpu.memory_space<vmem>>
    %dma_wait3A_607 = arith.constant 0 : i32
    %dma_wait3A_608 = tpu.memref_slice %arg15[%dma_wait3A_602, %dma_wait3A_607] : memref<6x64xi32, #tpu.memory_space<vmem>> -> memref<1x64xi32, #tpu.memory_space<vmem>>
    %dma_wait3A_609 = tpu.memref_squeeze %dma_wait3A_608 : memref<1x64xi32, #tpu.memory_space<vmem>> -> memref<64xi32, #tpu.memory_space<vmem>>
    %dma_wait3A_610 = arith.constant 0 : i32
    %dma_wait3A_611 = arith.constant 0 : i32
    %dma_wait3A_612 = tpu.memref_slice %arg11[%dma_wait3A_610, %dma_wait3A_611] : memref<32768x128xf32, #tpu.memory_space<hbm>> -> memref<32768x128xf32, #tpu.memory_space<hbm>>
    tpu.wait_indirect_dma semaphore(%arg17 : memref<!tpu.dma_semaphore, #tpu.memory_space<semaphore_mem>>) src(%dma_wait3A_606 : memref<64x128xf32, #tpu.memory_space<vmem>>) dst(%dma_wait3A_612 : memref<32768x128xf32, #tpu.memory_space<hbm>>)
    %dma_wait3A_613 = arith.constant 4 : i32
    %dma_wait3A_614 = arith.constant 4 : i32
    %dma_wait3A_615 = arith.constant 0 : i32
    %dma_wait3A_616 = arith.constant 0 : i32
    %dma_wait3A_617 = tpu.memref_slice %arg14[%dma_wait3A_613, %dma_wait3A_615, %dma_wait3A_616] : memref<6x64x128xf32, #tpu.memory_space<vmem>> -> memref<1x64x128xf32, #tpu.memory_space<vmem>>
    %dma_wait3A_618 = tpu.memref_squeeze %dma_wait3A_617 : memref<1x64x128xf32, #tpu.memory_space<vmem>> -> memref<64x128xf32, #tpu.memory_space<vmem>>
    %dma_wait3A_619 = arith.constant 0 : i32
    %dma_wait3A_620 = tpu.memref_slice %arg15[%dma_wait3A_614, %dma_wait3A_619] : memref<6x64xi32, #tpu.memory_space<vmem>> -> memref<1x64xi32, #tpu.memory_space<vmem>>
    %dma_wait3A_621 = tpu.memref_squeeze %dma_wait3A_620 : memref<1x64xi32, #tpu.memory_space<vmem>> -> memref<64xi32, #tpu.memory_space<vmem>>
    %dma_wait3A_622 = arith.constant 0 : i32
    %dma_wait3A_623 = arith.constant 0 : i32
    %dma_wait3A_624 = tpu.memref_slice %arg11[%dma_wait3A_622, %dma_wait3A_623] : memref<32768x128xf32, #tpu.memory_space<hbm>> -> memref<32768x128xf32, #tpu.memory_space<hbm>>
    tpu.wait_indirect_dma semaphore(%arg17 : memref<!tpu.dma_semaphore, #tpu.memory_space<semaphore_mem>>) src(%dma_wait3A_618 : memref<64x128xf32, #tpu.memory_space<vmem>>) dst(%dma_wait3A_624 : memref<32768x128xf32, #tpu.memory_space<hbm>>)
    %dma_wait3A_625 = arith.constant 5 : i32
    %dma_wait3A_626 = arith.constant 5 : i32
    %dma_wait3A_627 = arith.constant 0 : i32
    %dma_wait3A_628 = arith.constant 0 : i32
    %dma_wait3A_629 = tpu.memref_slice %arg14[%dma_wait3A_625, %dma_wait3A_627, %dma_wait3A_628] : memref<6x64x128xf32, #tpu.memory_space<vmem>> -> memref<1x64x128xf32, #tpu.memory_space<vmem>>
    %dma_wait3A_630 = tpu.memref_squeeze %dma_wait3A_629 : memref<1x64x128xf32, #tpu.memory_space<vmem>> -> memref<64x128xf32, #tpu.memory_space<vmem>>
    %dma_wait3A_631 = arith.constant 0 : i32
    %dma_wait3A_632 = tpu.memref_slice %arg15[%dma_wait3A_626, %dma_wait3A_631] : memref<6x64xi32, #tpu.memory_space<vmem>> -> memref<1x64xi32, #tpu.memory_space<vmem>>
    %dma_wait3A_633 = tpu.memref_squeeze %dma_wait3A_632 : memref<1x64xi32, #tpu.memory_space<vmem>> -> memref<64xi32, #tpu.memory_space<vmem>>
    %dma_wait3A_634 = arith.constant 0 : i32
    %dma_wait3A_635 = arith.constant 0 : i32
    %dma_wait3A_636 = tpu.memref_slice %arg11[%dma_wait3A_634, %dma_wait3A_635] : memref<32768x128xf32, #tpu.memory_space<hbm>> -> memref<32768x128xf32, #tpu.memory_space<hbm>>
    tpu.wait_indirect_dma semaphore(%arg17 : memref<!tpu.dma_semaphore, #tpu.memory_space<semaphore_mem>>) src(%dma_wait3A_630 : memref<64x128xf32, #tpu.memory_space<vmem>>) dst(%dma_wait3A_636 : memref<32768x128xf32, #tpu.memory_space<hbm>>)
    return
  }
}

module attributes {stable_mosaic.version = 14 : i64} {
  func.func @_router_kernel(%arg0: i32, %arg1: memref<256x128xf32, #tpu.memory_space<vmem>>, %arg2: memref<256x128xf32, #tpu.memory_space<vmem>>, %arg3: memref<128x64xf32, #tpu.memory_space<vmem>>, %arg4: memref<256x256xf32, #tpu.memory_space<vmem>>, %arg5: memref<128x320xbf16, #tpu.memory_space<vmem>>, %arg6: memref<160x128xbf16, #tpu.memory_space<vmem>>, %arg7: memref<256x64xf32, #tpu.memory_space<vmem>>, %arg8: memref<256x128xf32, #tpu.memory_space<vmem>>, %arg9: memref<256x128xi32, #tpu.memory_space<vmem>>, %arg10: memref<256x128xf32, #tpu.memory_space<vmem>>, %arg11: memref<256x128xf32, #tpu.memory_space<vmem>>, %arg12: memref<256x128xf32, #tpu.memory_space<vmem>>, %arg13: memref<256x128xf32, #tpu.memory_space<vmem>>, %arg14: memref<256x128xf32, #tpu.memory_space<vmem>>, %arg15: memref<256x128xf32, #tpu.memory_space<vmem>>, %arg16: memref<1x1x128xi32, #tpu.memory_space<vmem>>, %arg17: memref<8x128xf32, #tpu.memory_space<vmem>>) attributes {dimension_semantics = [#tpu.dimension_semantics<arbitrary>], iteration_bounds = array<i64: 8>, scalar_prefetch = 0 : i64, scratch_operands = 1 : i64, tpu.core_type = #tpu.core_type<tc>, window_params = [{transform_indices = @transform_0, window_bounds = array<i64: 256, 128>}, {transform_indices = @transform_1, window_bounds = array<i64: 256, 128>}, {pipeline_mode = #tpu.pipeline_mode<synchronous>, transform_indices = @transform_2, window_bounds = array<i64: 128, 64>}, {pipeline_mode = #tpu.pipeline_mode<synchronous>, transform_indices = @transform_3, window_bounds = array<i64: 256, 256>}, {pipeline_mode = #tpu.pipeline_mode<synchronous>, transform_indices = @transform_4, window_bounds = array<i64: 128, 320>}, {pipeline_mode = #tpu.pipeline_mode<synchronous>, transform_indices = @transform_5, window_bounds = array<i64: 160, 128>}, {transform_indices = @transform_6, window_bounds = array<i64: 256, 64>}, {transform_indices = @transform_7, window_bounds = array<i64: 256, 128>}, {transform_indices = @transform_8, window_bounds = array<i64: 256, 128>}, {transform_indices = @transform_9, window_bounds = array<i64: 256, 128>}, {transform_indices = @transform_10, window_bounds = array<i64: 256, 128>}, {transform_indices = @transform_11, window_bounds = array<i64: 256, 128>}, {transform_indices = @transform_12, window_bounds = array<i64: 256, 128>}, {transform_indices = @transform_13, window_bounds = array<i64: 256, 128>}, {transform_indices = @transform_14, window_bounds = array<i64: 256, 128>}, {transform_indices = @transform_15, window_bounds = array<i64: 1, 1, 128>}]} {
    %get3A = arith.constant 0 : index
    %get3A_0 = arith.constant 0 : index
    %get3A_1 = vector.load %arg1[%get3A, %get3A_0] : memref<256x128xf32, #tpu.memory_space<vmem>>, vector<256x128xf32>
    %get3A_2 = arith.constant 0 : index
    %get3A_3 = arith.constant 0 : index
    %get3A_4 = vector.load %arg2[%get3A_2, %get3A_3] : memref<256x128xf32, #tpu.memory_space<vmem>>, vector<256x128xf32>
    %get3A_5 = arith.constant 0 : index
    %get3A_6 = arith.constant 0 : index
    %get3A_7 = vector.load %arg3[%get3A_5, %get3A_6] : memref<128x64xf32, #tpu.memory_space<vmem>>, vector<128x64xf32>
    %dot_general3A = arith.constant dense<0.000000e+00> : vector<256x64xf32>
    %dot_general3A_8 = tpu.matmul %get3A_4, %get3A_7, %dot_general3A {dimension_numbers = #tpu.dot_dimension_numbers<[1], [0], [0], [1], [0, 0, 1, 1], [], []>, transpose_lhs_hint = false} : vector<256x128xf32>, vector<128x64xf32>, vector<256x64xf32> -> vector<256x64xf32>
    %reduce_max3A = arith.constant dense<0xFF800000> : vector<256xf32>
    %reduce_max3A_9 = vector.multi_reduction <maximumf>, %dot_general3A_8, %reduce_max3A [1] : vector<256x64xf32> to vector<256xf32>
    %broadcast_in_dim3A = vector.shape_cast %reduce_max3A_9 : vector<256xf32> to vector<256x1xf32>
    %sub3A = vector.broadcast %broadcast_in_dim3A : vector<256x1xf32> to vector<256x64xf32>
    %sub3A_10 = arith.subf %dot_general3A_8, %sub3A : vector<256x64xf32>
    %exp3A = math.exp %sub3A_10 : vector<256x64xf32>
    %reduce_sum3A = arith.constant dense<0.000000e+00> : vector<256xf32>
    %reduce_sum3A_11 = vector.multi_reduction <add>, %exp3A, %reduce_sum3A [1] : vector<256x64xf32> to vector<256xf32>
    %broadcast_in_dim3A_12 = vector.shape_cast %reduce_sum3A_11 : vector<256xf32> to vector<256x1xf32>
    %div3A = vector.broadcast %broadcast_in_dim3A_12 : vector<256x1xf32> to vector<256x64xf32>
    %div3A_13 = arith.divf %exp3A, %div3A : vector<256x64xf32>
    %swap3A = arith.constant 0 : index
    %swap3A_14 = arith.constant 0 : index
    %swap3A_15 = vector.load %arg7[%swap3A, %swap3A_14] : memref<256x64xf32, #tpu.memory_space<vmem>>, vector<256x64xf32>
    tpu.vector_store %arg7[%swap3A, %swap3A_14], %div3A_13 {strides = array<i32>} : memref<256x64xf32, #tpu.memory_space<vmem>>, vector<256x64xf32>,
    %iota3A = tpu.iota {dimensions = array<i32: 1>} : vector<256x64xi32>
    %convert_element_type3A = arith.sitofp %iota3A : vector<256x64xi32> to vector<256x64xf32>
    %bitcast_convert_type3A = tpu.bitcast %div3A_13 : vector<256x64xf32> -> vector<256x64xi32>
    %not3A = arith.constant 63 : i32
    %not3A_16 = arith.constant -1 : i32
    %not3A_17 = arith.xori %not3A, %not3A_16 : i32
    %and3A = vector.broadcast %not3A_17 : i32 to vector<256x64xi32>
    %and3A_18 = arith.andi %bitcast_convert_type3A, %and3A : vector<256x64xi32>
    %sub3A_19 = arith.constant 63 : i32
    %sub3A_20 = vector.broadcast %sub3A_19 : i32 to vector<256x64xi32>
    %sub3A_21 = arith.subi %sub3A_20, %iota3A : vector<256x64xi32>
    %or3A = arith.ori %and3A_18, %sub3A_21 : vector<256x64xi32>
    %broadcast_in_dim3A_22 = arith.constant false
    %broadcast_in_dim3A_23 = vector.broadcast %broadcast_in_dim3A_22 : i1 to vector<256x64xi1>
    %reduce_max3A_24 = arith.constant dense<-2147483648> : vector<256xi32>
    %reduce_max3A_25 = vector.multi_reduction <maxsi>, %or3A, %reduce_max3A_24 [1] : vector<256x64xi32> to vector<256xi32>
    %broadcast_in_dim3A_26 = vector.shape_cast %reduce_max3A_25 : vector<256xi32> to vector<256x1xi32>
    %eq3A = vector.broadcast %broadcast_in_dim3A_26 : vector<256x1xi32> to vector<256x64xi32>
    %eq3A_27 = arith.cmpi eq, %or3A, %eq3A : vector<256x64xi32>
    %or3A_28 = arith.ori %broadcast_in_dim3A_23, %eq3A_27 : vector<256x64xi1>
    %jit3A = arith.constant -1 : i32
    %broadcast_in_dim3A_29 = vector.broadcast %jit3A : i32 to vector<256x64xi32>
    %select_n3A = arith.select %eq3A_27, %broadcast_in_dim3A_29, %or3A : vector<256x64xi1>, vector<256x64xi32>
    %reduce_max3A_30 = arith.constant dense<-2147483648> : vector<256xi32>
    %reduce_max3A_31 = vector.multi_reduction <maxsi>, %select_n3A, %reduce_max3A_30 [1] : vector<256x64xi32> to vector<256xi32>
    %broadcast_in_dim3A_32 = vector.shape_cast %reduce_max3A_31 : vector<256xi32> to vector<256x1xi32>
    %eq3A_33 = vector.broadcast %broadcast_in_dim3A_32 : vector<256x1xi32> to vector<256x64xi32>
    %eq3A_34 = arith.cmpi eq, %select_n3A, %eq3A_33 : vector<256x64xi32>
    %or3A_35 = arith.ori %or3A_28, %eq3A_34 : vector<256x64xi1>
    %jit3A_36 = arith.constant -1 : i32
    %broadcast_in_dim3A_37 = vector.broadcast %jit3A_36 : i32 to vector<256x64xi32>
    %select_n3A_38 = arith.select %eq3A_34, %broadcast_in_dim3A_37, %select_n3A : vector<256x64xi1>, vector<256x64xi32>
    %reduce_max3A_39 = arith.constant dense<-2147483648> : vector<256xi32>
    %reduce_max3A_40 = vector.multi_reduction <maxsi>, %select_n3A_38, %reduce_max3A_39 [1] : vector<256x64xi32> to vector<256xi32>
    %broadcast_in_dim3A_41 = vector.shape_cast %reduce_max3A_40 : vector<256xi32> to vector<256x1xi32>
    %eq3A_42 = vector.broadcast %broadcast_in_dim3A_41 : vector<256x1xi32> to vector<256x64xi32>
    %eq3A_43 = arith.cmpi eq, %select_n3A_38, %eq3A_42 : vector<256x64xi32>
    %or3A_44 = arith.ori %or3A_35, %eq3A_43 : vector<256x64xi1>
    %jit3A_45 = arith.constant -1 : i32
    %broadcast_in_dim3A_46 = vector.broadcast %jit3A_45 : i32 to vector<256x64xi32>
    %select_n3A_47 = arith.select %eq3A_43, %broadcast_in_dim3A_46, %select_n3A_38 : vector<256x64xi1>, vector<256x64xi32>
    %reduce_max3A_48 = arith.constant dense<-2147483648> : vector<256xi32>
    %reduce_max3A_49 = vector.multi_reduction <maxsi>, %select_n3A_47, %reduce_max3A_48 [1] : vector<256x64xi32> to vector<256xi32>
    %broadcast_in_dim3A_50 = vector.shape_cast %reduce_max3A_49 : vector<256xi32> to vector<256x1xi32>
    %eq3A_51 = vector.broadcast %broadcast_in_dim3A_50 : vector<256x1xi32> to vector<256x64xi32>
    %eq3A_52 = arith.cmpi eq, %select_n3A_47, %eq3A_51 : vector<256x64xi32>
    %or3A_53 = arith.ori %or3A_44, %eq3A_52 : vector<256x64xi1>
    %jit3A_54 = arith.constant -1 : i32
    %broadcast_in_dim3A_55 = vector.broadcast %jit3A_54 : i32 to vector<256x64xi32>
    %select_n3A_56 = arith.select %eq3A_52, %broadcast_in_dim3A_55, %select_n3A_47 : vector<256x64xi1>, vector<256x64xi32>
    %reduce_max3A_57 = arith.constant dense<-2147483648> : vector<256xi32>
    %reduce_max3A_58 = vector.multi_reduction <maxsi>, %select_n3A_56, %reduce_max3A_57 [1] : vector<256x64xi32> to vector<256xi32>
    %broadcast_in_dim3A_59 = vector.shape_cast %reduce_max3A_58 : vector<256xi32> to vector<256x1xi32>
    %eq3A_60 = vector.broadcast %broadcast_in_dim3A_59 : vector<256x1xi32> to vector<256x64xi32>
    %eq3A_61 = arith.cmpi eq, %select_n3A_56, %eq3A_60 : vector<256x64xi32>
    %or3A_62 = arith.ori %or3A_53, %eq3A_61 : vector<256x64xi1>
    %jit3A_63 = arith.constant -1 : i32
    %broadcast_in_dim3A_64 = vector.broadcast %jit3A_63 : i32 to vector<256x64xi32>
    %select_n3A_65 = arith.select %eq3A_61, %broadcast_in_dim3A_64, %select_n3A_56 : vector<256x64xi1>, vector<256x64xi32>
    %reduce_max3A_66 = arith.constant dense<-2147483648> : vector<256xi32>
    %reduce_max3A_67 = vector.multi_reduction <maxsi>, %select_n3A_65, %reduce_max3A_66 [1] : vector<256x64xi32> to vector<256xi32>
    %broadcast_in_dim3A_68 = vector.shape_cast %reduce_max3A_67 : vector<256xi32> to vector<256x1xi32>
    %eq3A_69 = vector.broadcast %broadcast_in_dim3A_68 : vector<256x1xi32> to vector<256x64xi32>
    %eq3A_70 = arith.cmpi eq, %select_n3A_65, %eq3A_69 : vector<256x64xi32>
    %or3A_71 = arith.ori %or3A_62, %eq3A_70 : vector<256x64xi1>
    %eq3A_72 = arith.constant 0 : i32
    %eq3A_73 = arith.cmpi eq, %arg0, %eq3A_72 : i32
    %convert_element_type3A_74 = arith.extui %eq3A_73 : i1 to i32
    %cond3A = arith.constant 0 : i32
    %cond3A_75 = arith.cmpi ne, %convert_element_type3A_74, %cond3A : i32
    scf.if %cond3A_75 {
      %broadcast_in_dim3A_365 = arith.constant 0.000000e+00 : f32
      %broadcast_in_dim3A_366 = vector.broadcast %broadcast_in_dim3A_365 : f32 to vector<8x128xf32>
      %swap3A_367 = arith.constant 0 : index
      %swap3A_368 = arith.constant 0 : index
      %swap3A_369 = vector.load %arg17[%swap3A_367, %swap3A_368] : memref<8x128xf32, #tpu.memory_space<vmem>>, vector<8x128xf32>
      tpu.vector_store %arg17[%swap3A_367, %swap3A_368], %broadcast_in_dim3A_366 {strides = array<i32>} : memref<8x128xf32, #tpu.memory_space<vmem>>, vector<8x128xf32>,
    } else {
    }
    %get3A_76 = arith.constant 0 : index
    %get3A_77 = arith.constant 0 : index
    %get3A_78 = vector.load %arg17[%get3A_76, %get3A_77] : memref<8x128xf32, #tpu.memory_space<vmem>>, vector<1x64xf32>
    %convert_element_type3A_79 = arith.extui %or3A_71 : vector<256x64xi1> to vector<256x64xi32>
    %convert_element_type3A_80 = arith.sitofp %convert_element_type3A_79 : vector<256x64xi32> to vector<256x64xf32>
    %get3A_81 = arith.constant 0 : index
    %get3A_82 = arith.constant 0 : index
    %get3A_83 = vector.load %arg4[%get3A_81, %get3A_82] : memref<256x256xf32, #tpu.memory_space<vmem>>, vector<256x256xf32>
    %dot_general3A_84 = arith.constant dense<0.000000e+00> : vector<256x64xf32>
    %dot_general3A_85 = tpu.matmul %get3A_83, %convert_element_type3A_80, %dot_general3A_84 {dimension_numbers = #tpu.dot_dimension_numbers<[1], [0], [0], [1], [0, 0, 1, 1], [], []>, transpose_lhs_hint = false} : vector<256x256xf32>, vector<256x64xf32>, vector<256x64xf32> -> vector<256x64xf32>
    %add3A = vector.broadcast %get3A_78 : vector<1x64xf32> to vector<256x64xf32>
    %add3A_86 = arith.addf %dot_general3A_85, %add3A : vector<256x64xf32>
    %reduce_sum3A_87 = arith.constant dense<0.000000e+00> : vector<64xf32>
    %reduce_sum3A_88 = vector.multi_reduction <add>, %convert_element_type3A_80, %reduce_sum3A_87 [0] : vector<256x64xf32> to vector<64xf32>
    %broadcast_in_dim3A_89 = vector.shape_cast %reduce_sum3A_88 : vector<64xf32> to vector<1x64xf32>
    %add3A_90 = arith.addf %get3A_78, %broadcast_in_dim3A_89 : vector<1x64xf32>
    %swap3A_91 = arith.constant 0 : index
    %swap3A_92 = arith.constant 0 : index
    %swap3A_93 = vector.load %arg17[%swap3A_91, %swap3A_92] : memref<8x128xf32, #tpu.memory_space<vmem>>, vector<1x64xf32>
    tpu.vector_store %arg17[%swap3A_91, %swap3A_92], %add3A_90 {strides = array<i32>} : memref<8x128xf32, #tpu.memory_space<vmem>>, vector<1x64xf32>,
    %broadcast_in_dim3A_94 = arith.constant 0.000000e+00 : f32
    %broadcast_in_dim3A_95 = vector.broadcast %broadcast_in_dim3A_94 : f32 to vector<1x64xf32>
    %concatenate3A = tpu.concatenate %add3A_90, %broadcast_in_dim3A_95 in 1 : vector<1x64xf32>, vector<1x64xf32> -> vector<1x128xf32>
    %broadcast_in_dim3A_96 = vector.shape_cast %concatenate3A : vector<1x128xf32> to vector<1x1x128xf32>
    %convert_element_type3A_97 = arith.fptosi %broadcast_in_dim3A_96 : vector<1x1x128xf32> to vector<1x1x128xi32>
    %swap3A_98 = arith.constant 0 : index
    %swap3A_99 = arith.constant 0 : index
    %swap3A_100 = arith.constant 0 : index
    %swap3A_101 = vector.load %arg16[%swap3A_98, %swap3A_99, %swap3A_100] : memref<1x1x128xi32, #tpu.memory_space<vmem>>, vector<1x1x128xi32>
    tpu.vector_store %arg16[%swap3A_98, %swap3A_99, %swap3A_100], %convert_element_type3A_97 {strides = array<i32>} : memref<1x1x128xi32, #tpu.memory_space<vmem>>, vector<1x1x128xi32>,
    %iota3A_102 = tpu.iota {dimensions = array<i32: 1>} : vector<256x128xi32>
    %broadcast_in_dim3A_103 = arith.constant 0.000000e+00 : f32
    %broadcast_in_dim3A_104 = vector.broadcast %broadcast_in_dim3A_103 : f32 to vector<256x128xf32>
    %broadcast_in_dim3A_105 = arith.constant 0.000000e+00 : f32
    %broadcast_in_dim3A_106 = vector.broadcast %broadcast_in_dim3A_105 : f32 to vector<256x1xf32>
    %convert_element_type3A_107 = arith.extui %eq3A_27 : vector<256x64xi1> to vector<256x64xi32>
    %convert_element_type3A_108 = arith.sitofp %convert_element_type3A_107 : vector<256x64xi32> to vector<256x64xf32>
    %mul3A = arith.mulf %convert_element_type3A_108, %convert_element_type3A : vector<256x64xf32>
    %reduce_sum3A_109 = arith.constant dense<0.000000e+00> : vector<256xf32>
    %reduce_sum3A_110 = vector.multi_reduction <add>, %mul3A, %reduce_sum3A_109 [1] : vector<256x64xf32> to vector<256xf32>
    %broadcast_in_dim3A_111 = vector.shape_cast %reduce_sum3A_110 : vector<256xf32> to vector<256x1xf32>
    %mul3A_112 = arith.mulf %convert_element_type3A_108, %add3A_86 : vector<256x64xf32>
    %reduce_sum3A_113 = arith.constant dense<0.000000e+00> : vector<256xf32>
    %reduce_sum3A_114 = vector.multi_reduction <add>, %mul3A_112, %reduce_sum3A_113 [1] : vector<256x64xf32> to vector<256xf32>
    %broadcast_in_dim3A_115 = vector.shape_cast %reduce_sum3A_114 : vector<256xf32> to vector<256x1xf32>
    %min3A = arith.constant 5.110000e+02 : f32
    %min3A_116 = vector.broadcast %min3A : f32 to vector<256x1xf32>
    %min3A_117 = arith.minimumf %broadcast_in_dim3A_115, %min3A_116 : vector<256x1xf32>
    %mul3A_118 = arith.mulf %convert_element_type3A_108, %div3A_13 : vector<256x64xf32>
    %reduce_sum3A_119 = arith.constant dense<0.000000e+00> : vector<256xf32>
    %reduce_sum3A_120 = vector.multi_reduction <add>, %mul3A_118, %reduce_sum3A_119 [1] : vector<256x64xf32> to vector<256xf32>
    %broadcast_in_dim3A_121 = vector.shape_cast %reduce_sum3A_120 : vector<256xf32> to vector<256x1xf32>
    %mul3A_122 = arith.constant 5.120000e+02 : f32
    %mul3A_123 = vector.broadcast %mul3A_122 : f32 to vector<256x1xf32>
    %mul3A_124 = arith.mulf %broadcast_in_dim3A_111, %mul3A_123 : vector<256x1xf32>
    %add3A_125 = arith.addf %mul3A_124, %min3A_117 : vector<256x1xf32>
    %eq3A_126 = arith.constant 0 : i32
    %eq3A_127 = vector.broadcast %eq3A_126 : i32 to vector<256x128xi32>
    %eq3A_128 = arith.cmpi eq, %iota3A_102, %eq3A_127 : vector<256x128xi32>
    %jit3A_129 = arith.constant 0.000000e+00 : f32
    %broadcast_in_dim3A_130 = vector.shape_cast %add3A_125 : vector<256x1xf32> to vector<256x1xf32>
    %broadcast_in_dim3A_131 = vector.broadcast %broadcast_in_dim3A_130 : vector<256x1xf32> to vector<256x128xf32>
    %broadcast_in_dim3A_132 = vector.broadcast %jit3A_129 : f32 to vector<256x128xf32>
    %select_n3A_133 = arith.select %eq3A_128, %broadcast_in_dim3A_131, %broadcast_in_dim3A_132 : vector<256x128xi1>, vector<256x128xf32>
    %add3A_134 = arith.addf %broadcast_in_dim3A_104, %select_n3A_133 : vector<256x128xf32>
    %add3A_135 = arith.addf %broadcast_in_dim3A_106, %broadcast_in_dim3A_121 : vector<256x1xf32>
    %convert_element_type3A_136 = arith.extui %eq3A_34 : vector<256x64xi1> to vector<256x64xi32>
    %convert_element_type3A_137 = arith.sitofp %convert_element_type3A_136 : vector<256x64xi32> to vector<256x64xf32>
    %mul3A_138 = arith.mulf %convert_element_type3A_137, %convert_element_type3A : vector<256x64xf32>
    %reduce_sum3A_139 = arith.constant dense<0.000000e+00> : vector<256xf32>
    %reduce_sum3A_140 = vector.multi_reduction <add>, %mul3A_138, %reduce_sum3A_139 [1] : vector<256x64xf32> to vector<256xf32>
    %broadcast_in_dim3A_141 = vector.shape_cast %reduce_sum3A_140 : vector<256xf32> to vector<256x1xf32>
    %mul3A_142 = arith.mulf %convert_element_type3A_137, %add3A_86 : vector<256x64xf32>
    %reduce_sum3A_143 = arith.constant dense<0.000000e+00> : vector<256xf32>
    %reduce_sum3A_144 = vector.multi_reduction <add>, %mul3A_142, %reduce_sum3A_143 [1] : vector<256x64xf32> to vector<256xf32>
    %broadcast_in_dim3A_145 = vector.shape_cast %reduce_sum3A_144 : vector<256xf32> to vector<256x1xf32>
    %min3A_146 = arith.constant 5.110000e+02 : f32
    %min3A_147 = vector.broadcast %min3A_146 : f32 to vector<256x1xf32>
    %min3A_148 = arith.minimumf %broadcast_in_dim3A_145, %min3A_147 : vector<256x1xf32>
    %mul3A_149 = arith.mulf %convert_element_type3A_137, %div3A_13 : vector<256x64xf32>
    %reduce_sum3A_150 = arith.constant dense<0.000000e+00> : vector<256xf32>
    %reduce_sum3A_151 = vector.multi_reduction <add>, %mul3A_149, %reduce_sum3A_150 [1] : vector<256x64xf32> to vector<256xf32>
    %broadcast_in_dim3A_152 = vector.shape_cast %reduce_sum3A_151 : vector<256xf32> to vector<256x1xf32>
    %mul3A_153 = arith.constant 5.120000e+02 : f32
    %mul3A_154 = vector.broadcast %mul3A_153 : f32 to vector<256x1xf32>
    %mul3A_155 = arith.mulf %broadcast_in_dim3A_141, %mul3A_154 : vector<256x1xf32>
    %add3A_156 = arith.addf %mul3A_155, %min3A_148 : vector<256x1xf32>
    %eq3A_157 = arith.constant 1 : i32
    %eq3A_158 = vector.broadcast %eq3A_157 : i32 to vector<256x128xi32>
    %eq3A_159 = arith.cmpi eq, %iota3A_102, %eq3A_158 : vector<256x128xi32>
    %jit3A_160 = arith.constant 0.000000e+00 : f32
    %broadcast_in_dim3A_161 = vector.shape_cast %add3A_156 : vector<256x1xf32> to vector<256x1xf32>
    %broadcast_in_dim3A_162 = vector.broadcast %broadcast_in_dim3A_161 : vector<256x1xf32> to vector<256x128xf32>
    %broadcast_in_dim3A_163 = vector.broadcast %jit3A_160 : f32 to vector<256x128xf32>
    %select_n3A_164 = arith.select %eq3A_159, %broadcast_in_dim3A_162, %broadcast_in_dim3A_163 : vector<256x128xi1>, vector<256x128xf32>
    %add3A_165 = arith.addf %add3A_134, %select_n3A_164 : vector<256x128xf32>
    %add3A_166 = arith.addf %add3A_135, %broadcast_in_dim3A_152 : vector<256x1xf32>
    %convert_element_type3A_167 = arith.extui %eq3A_43 : vector<256x64xi1> to vector<256x64xi32>
    %convert_element_type3A_168 = arith.sitofp %convert_element_type3A_167 : vector<256x64xi32> to vector<256x64xf32>
    %mul3A_169 = arith.mulf %convert_element_type3A_168, %convert_element_type3A : vector<256x64xf32>
    %reduce_sum3A_170 = arith.constant dense<0.000000e+00> : vector<256xf32>
    %reduce_sum3A_171 = vector.multi_reduction <add>, %mul3A_169, %reduce_sum3A_170 [1] : vector<256x64xf32> to vector<256xf32>
    %broadcast_in_dim3A_172 = vector.shape_cast %reduce_sum3A_171 : vector<256xf32> to vector<256x1xf32>
    %mul3A_173 = arith.mulf %convert_element_type3A_168, %add3A_86 : vector<256x64xf32>
    %reduce_sum3A_174 = arith.constant dense<0.000000e+00> : vector<256xf32>
    %reduce_sum3A_175 = vector.multi_reduction <add>, %mul3A_173, %reduce_sum3A_174 [1] : vector<256x64xf32> to vector<256xf32>
    %broadcast_in_dim3A_176 = vector.shape_cast %reduce_sum3A_175 : vector<256xf32> to vector<256x1xf32>
    %min3A_177 = arith.constant 5.110000e+02 : f32
    %min3A_178 = vector.broadcast %min3A_177 : f32 to vector<256x1xf32>
    %min3A_179 = arith.minimumf %broadcast_in_dim3A_176, %min3A_178 : vector<256x1xf32>
    %mul3A_180 = arith.mulf %convert_element_type3A_168, %div3A_13 : vector<256x64xf32>
    %reduce_sum3A_181 = arith.constant dense<0.000000e+00> : vector<256xf32>
    %reduce_sum3A_182 = vector.multi_reduction <add>, %mul3A_180, %reduce_sum3A_181 [1] : vector<256x64xf32> to vector<256xf32>
    %broadcast_in_dim3A_183 = vector.shape_cast %reduce_sum3A_182 : vector<256xf32> to vector<256x1xf32>
    %mul3A_184 = arith.constant 5.120000e+02 : f32
    %mul3A_185 = vector.broadcast %mul3A_184 : f32 to vector<256x1xf32>
    %mul3A_186 = arith.mulf %broadcast_in_dim3A_172, %mul3A_185 : vector<256x1xf32>
    %add3A_187 = arith.addf %mul3A_186, %min3A_179 : vector<256x1xf32>
    %eq3A_188 = arith.constant 2 : i32
    %eq3A_189 = vector.broadcast %eq3A_188 : i32 to vector<256x128xi32>
    %eq3A_190 = arith.cmpi eq, %iota3A_102, %eq3A_189 : vector<256x128xi32>
    %jit3A_191 = arith.constant 0.000000e+00 : f32
    %broadcast_in_dim3A_192 = vector.shape_cast %add3A_187 : vector<256x1xf32> to vector<256x1xf32>
    %broadcast_in_dim3A_193 = vector.broadcast %broadcast_in_dim3A_192 : vector<256x1xf32> to vector<256x128xf32>
    %broadcast_in_dim3A_194 = vector.broadcast %jit3A_191 : f32 to vector<256x128xf32>
    %select_n3A_195 = arith.select %eq3A_190, %broadcast_in_dim3A_193, %broadcast_in_dim3A_194 : vector<256x128xi1>, vector<256x128xf32>
    %add3A_196 = arith.addf %add3A_165, %select_n3A_195 : vector<256x128xf32>
    %add3A_197 = arith.addf %add3A_166, %broadcast_in_dim3A_183 : vector<256x1xf32>
    %convert_element_type3A_198 = arith.extui %eq3A_52 : vector<256x64xi1> to vector<256x64xi32>
    %convert_element_type3A_199 = arith.sitofp %convert_element_type3A_198 : vector<256x64xi32> to vector<256x64xf32>
    %mul3A_200 = arith.mulf %convert_element_type3A_199, %convert_element_type3A : vector<256x64xf32>
    %reduce_sum3A_201 = arith.constant dense<0.000000e+00> : vector<256xf32>
    %reduce_sum3A_202 = vector.multi_reduction <add>, %mul3A_200, %reduce_sum3A_201 [1] : vector<256x64xf32> to vector<256xf32>
    %broadcast_in_dim3A_203 = vector.shape_cast %reduce_sum3A_202 : vector<256xf32> to vector<256x1xf32>
    %mul3A_204 = arith.mulf %convert_element_type3A_199, %add3A_86 : vector<256x64xf32>
    %reduce_sum3A_205 = arith.constant dense<0.000000e+00> : vector<256xf32>
    %reduce_sum3A_206 = vector.multi_reduction <add>, %mul3A_204, %reduce_sum3A_205 [1] : vector<256x64xf32> to vector<256xf32>
    %broadcast_in_dim3A_207 = vector.shape_cast %reduce_sum3A_206 : vector<256xf32> to vector<256x1xf32>
    %min3A_208 = arith.constant 5.110000e+02 : f32
    %min3A_209 = vector.broadcast %min3A_208 : f32 to vector<256x1xf32>
    %min3A_210 = arith.minimumf %broadcast_in_dim3A_207, %min3A_209 : vector<256x1xf32>
    %mul3A_211 = arith.mulf %convert_element_type3A_199, %div3A_13 : vector<256x64xf32>
    %reduce_sum3A_212 = arith.constant dense<0.000000e+00> : vector<256xf32>
    %reduce_sum3A_213 = vector.multi_reduction <add>, %mul3A_211, %reduce_sum3A_212 [1] : vector<256x64xf32> to vector<256xf32>
    %broadcast_in_dim3A_214 = vector.shape_cast %reduce_sum3A_213 : vector<256xf32> to vector<256x1xf32>
    %mul3A_215 = arith.constant 5.120000e+02 : f32
    %mul3A_216 = vector.broadcast %mul3A_215 : f32 to vector<256x1xf32>
    %mul3A_217 = arith.mulf %broadcast_in_dim3A_203, %mul3A_216 : vector<256x1xf32>
    %add3A_218 = arith.addf %mul3A_217, %min3A_210 : vector<256x1xf32>
    %eq3A_219 = arith.constant 3 : i32
    %eq3A_220 = vector.broadcast %eq3A_219 : i32 to vector<256x128xi32>
    %eq3A_221 = arith.cmpi eq, %iota3A_102, %eq3A_220 : vector<256x128xi32>
    %jit3A_222 = arith.constant 0.000000e+00 : f32
    %broadcast_in_dim3A_223 = vector.shape_cast %add3A_218 : vector<256x1xf32> to vector<256x1xf32>
    %broadcast_in_dim3A_224 = vector.broadcast %broadcast_in_dim3A_223 : vector<256x1xf32> to vector<256x128xf32>
    %broadcast_in_dim3A_225 = vector.broadcast %jit3A_222 : f32 to vector<256x128xf32>
    %select_n3A_226 = arith.select %eq3A_221, %broadcast_in_dim3A_224, %broadcast_in_dim3A_225 : vector<256x128xi1>, vector<256x128xf32>
    %add3A_227 = arith.addf %add3A_196, %select_n3A_226 : vector<256x128xf32>
    %add3A_228 = arith.addf %add3A_197, %broadcast_in_dim3A_214 : vector<256x1xf32>
    %convert_element_type3A_229 = arith.extui %eq3A_61 : vector<256x64xi1> to vector<256x64xi32>
    %convert_element_type3A_230 = arith.sitofp %convert_element_type3A_229 : vector<256x64xi32> to vector<256x64xf32>
    %mul3A_231 = arith.mulf %convert_element_type3A_230, %convert_element_type3A : vector<256x64xf32>
    %reduce_sum3A_232 = arith.constant dense<0.000000e+00> : vector<256xf32>
    %reduce_sum3A_233 = vector.multi_reduction <add>, %mul3A_231, %reduce_sum3A_232 [1] : vector<256x64xf32> to vector<256xf32>
    %broadcast_in_dim3A_234 = vector.shape_cast %reduce_sum3A_233 : vector<256xf32> to vector<256x1xf32>
    %mul3A_235 = arith.mulf %convert_element_type3A_230, %add3A_86 : vector<256x64xf32>
    %reduce_sum3A_236 = arith.constant dense<0.000000e+00> : vector<256xf32>
    %reduce_sum3A_237 = vector.multi_reduction <add>, %mul3A_235, %reduce_sum3A_236 [1] : vector<256x64xf32> to vector<256xf32>
    %broadcast_in_dim3A_238 = vector.shape_cast %reduce_sum3A_237 : vector<256xf32> to vector<256x1xf32>
    %min3A_239 = arith.constant 5.110000e+02 : f32
    %min3A_240 = vector.broadcast %min3A_239 : f32 to vector<256x1xf32>
    %min3A_241 = arith.minimumf %broadcast_in_dim3A_238, %min3A_240 : vector<256x1xf32>
    %mul3A_242 = arith.mulf %convert_element_type3A_230, %div3A_13 : vector<256x64xf32>
    %reduce_sum3A_243 = arith.constant dense<0.000000e+00> : vector<256xf32>
    %reduce_sum3A_244 = vector.multi_reduction <add>, %mul3A_242, %reduce_sum3A_243 [1] : vector<256x64xf32> to vector<256xf32>
    %broadcast_in_dim3A_245 = vector.shape_cast %reduce_sum3A_244 : vector<256xf32> to vector<256x1xf32>
    %mul3A_246 = arith.constant 5.120000e+02 : f32
    %mul3A_247 = vector.broadcast %mul3A_246 : f32 to vector<256x1xf32>
    %mul3A_248 = arith.mulf %broadcast_in_dim3A_234, %mul3A_247 : vector<256x1xf32>
    %add3A_249 = arith.addf %mul3A_248, %min3A_241 : vector<256x1xf32>
    %eq3A_250 = arith.constant 4 : i32
    %eq3A_251 = vector.broadcast %eq3A_250 : i32 to vector<256x128xi32>
    %eq3A_252 = arith.cmpi eq, %iota3A_102, %eq3A_251 : vector<256x128xi32>
    %jit3A_253 = arith.constant 0.000000e+00 : f32
    %broadcast_in_dim3A_254 = vector.shape_cast %add3A_249 : vector<256x1xf32> to vector<256x1xf32>
    %broadcast_in_dim3A_255 = vector.broadcast %broadcast_in_dim3A_254 : vector<256x1xf32> to vector<256x128xf32>
    %broadcast_in_dim3A_256 = vector.broadcast %jit3A_253 : f32 to vector<256x128xf32>
    %select_n3A_257 = arith.select %eq3A_252, %broadcast_in_dim3A_255, %broadcast_in_dim3A_256 : vector<256x128xi1>, vector<256x128xf32>
    %add3A_258 = arith.addf %add3A_227, %select_n3A_257 : vector<256x128xf32>
    %add3A_259 = arith.addf %add3A_228, %broadcast_in_dim3A_245 : vector<256x1xf32>
    %convert_element_type3A_260 = arith.extui %eq3A_70 : vector<256x64xi1> to vector<256x64xi32>
    %convert_element_type3A_261 = arith.sitofp %convert_element_type3A_260 : vector<256x64xi32> to vector<256x64xf32>
    %mul3A_262 = arith.mulf %convert_element_type3A_261, %convert_element_type3A : vector<256x64xf32>
    %reduce_sum3A_263 = arith.constant dense<0.000000e+00> : vector<256xf32>
    %reduce_sum3A_264 = vector.multi_reduction <add>, %mul3A_262, %reduce_sum3A_263 [1] : vector<256x64xf32> to vector<256xf32>
    %broadcast_in_dim3A_265 = vector.shape_cast %reduce_sum3A_264 : vector<256xf32> to vector<256x1xf32>
    %mul3A_266 = arith.mulf %convert_element_type3A_261, %add3A_86 : vector<256x64xf32>
    %reduce_sum3A_267 = arith.constant dense<0.000000e+00> : vector<256xf32>
    %reduce_sum3A_268 = vector.multi_reduction <add>, %mul3A_266, %reduce_sum3A_267 [1] : vector<256x64xf32> to vector<256xf32>
    %broadcast_in_dim3A_269 = vector.shape_cast %reduce_sum3A_268 : vector<256xf32> to vector<256x1xf32>
    %min3A_270 = arith.constant 5.110000e+02 : f32
    %min3A_271 = vector.broadcast %min3A_270 : f32 to vector<256x1xf32>
    %min3A_272 = arith.minimumf %broadcast_in_dim3A_269, %min3A_271 : vector<256x1xf32>
    %mul3A_273 = arith.mulf %convert_element_type3A_261, %div3A_13 : vector<256x64xf32>
    %reduce_sum3A_274 = arith.constant dense<0.000000e+00> : vector<256xf32>
    %reduce_sum3A_275 = vector.multi_reduction <add>, %mul3A_273, %reduce_sum3A_274 [1] : vector<256x64xf32> to vector<256xf32>
    %broadcast_in_dim3A_276 = vector.shape_cast %reduce_sum3A_275 : vector<256xf32> to vector<256x1xf32>
    %mul3A_277 = arith.constant 5.120000e+02 : f32
    %mul3A_278 = vector.broadcast %mul3A_277 : f32 to vector<256x1xf32>
    %mul3A_279 = arith.mulf %broadcast_in_dim3A_265, %mul3A_278 : vector<256x1xf32>
    %add3A_280 = arith.addf %mul3A_279, %min3A_272 : vector<256x1xf32>
    %eq3A_281 = arith.constant 5 : i32
    %eq3A_282 = vector.broadcast %eq3A_281 : i32 to vector<256x128xi32>
    %eq3A_283 = arith.cmpi eq, %iota3A_102, %eq3A_282 : vector<256x128xi32>
    %jit3A_284 = arith.constant 0.000000e+00 : f32
    %broadcast_in_dim3A_285 = vector.shape_cast %add3A_280 : vector<256x1xf32> to vector<256x1xf32>
    %broadcast_in_dim3A_286 = vector.broadcast %broadcast_in_dim3A_285 : vector<256x1xf32> to vector<256x128xf32>
    %broadcast_in_dim3A_287 = vector.broadcast %jit3A_284 : f32 to vector<256x128xf32>
    %select_n3A_288 = arith.select %eq3A_283, %broadcast_in_dim3A_286, %broadcast_in_dim3A_287 : vector<256x128xi1>, vector<256x128xf32>
    %add3A_289 = arith.addf %add3A_258, %select_n3A_288 : vector<256x128xf32>
    %add3A_290 = arith.addf %add3A_259, %broadcast_in_dim3A_276 : vector<256x1xf32>
    %convert_element_type3A_291 = arith.fptosi %add3A_289 : vector<256x128xf32> to vector<256x128xi32>
    %swap3A_292 = arith.constant 0 : index
    %swap3A_293 = arith.constant 0 : index
    %swap3A_294 = vector.load %arg9[%swap3A_292, %swap3A_293] : memref<256x128xi32, #tpu.memory_space<vmem>>, vector<256x128xi32>
    tpu.vector_store %arg9[%swap3A_292, %swap3A_293], %convert_element_type3A_291 {strides = array<i32>} : memref<256x128xi32, #tpu.memory_space<vmem>>, vector<256x128xi32>,
    %add3A_295 = arith.constant 9.99999968E-21 : f32
    %add3A_296 = vector.broadcast %add3A_295 : f32 to vector<256x1xf32>
    %add3A_297 = arith.addf %add3A_290, %add3A_296 : vector<256x1xf32>
    %div3A_298 = arith.constant 1.000000e+00 : f32
    %div3A_299 = vector.broadcast %div3A_298 : f32 to vector<256x1xf32>
    %div3A_300 = arith.divf %div3A_299, %add3A_297 : vector<256x1xf32>
    %broadcast_in_dim3A_301 = arith.constant 1.000000e+00 : f32
    %broadcast_in_dim3A_302 = vector.broadcast %broadcast_in_dim3A_301 : f32 to vector<1x128xf32>
    %mul3A_303 = arith.mulf %broadcast_in_dim3A_121, %div3A_300 : vector<256x1xf32>
    %mul3A_304 = vector.broadcast %mul3A_303 : vector<256x1xf32> to vector<256x128xf32>
    %mul3A_305 = vector.broadcast %broadcast_in_dim3A_302 : vector<1x128xf32> to vector<256x128xf32>
    %mul3A_306 = arith.mulf %mul3A_304, %mul3A_305 : vector<256x128xf32>
    %swap3A_307 = arith.constant 0 : index
    %swap3A_308 = arith.constant 0 : index
    %swap3A_309 = vector.load %arg10[%swap3A_307, %swap3A_308] : memref<256x128xf32, #tpu.memory_space<vmem>>, vector<256x128xf32>
    tpu.vector_store %arg10[%swap3A_307, %swap3A_308], %mul3A_306 {strides = array<i32>} : memref<256x128xf32, #tpu.memory_space<vmem>>, vector<256x128xf32>,
    %mul3A_310 = arith.mulf %broadcast_in_dim3A_152, %div3A_300 : vector<256x1xf32>
    %mul3A_311 = vector.broadcast %mul3A_310 : vector<256x1xf32> to vector<256x128xf32>
    %mul3A_312 = vector.broadcast %broadcast_in_dim3A_302 : vector<1x128xf32> to vector<256x128xf32>
    %mul3A_313 = arith.mulf %mul3A_311, %mul3A_312 : vector<256x128xf32>
    %swap3A_314 = arith.constant 0 : index
    %swap3A_315 = arith.constant 0 : index
    %swap3A_316 = vector.load %arg11[%swap3A_314, %swap3A_315] : memref<256x128xf32, #tpu.memory_space<vmem>>, vector<256x128xf32>
    tpu.vector_store %arg11[%swap3A_314, %swap3A_315], %mul3A_313 {strides = array<i32>} : memref<256x128xf32, #tpu.memory_space<vmem>>, vector<256x128xf32>,
    %mul3A_317 = arith.mulf %broadcast_in_dim3A_183, %div3A_300 : vector<256x1xf32>
    %mul3A_318 = vector.broadcast %mul3A_317 : vector<256x1xf32> to vector<256x128xf32>
    %mul3A_319 = vector.broadcast %broadcast_in_dim3A_302 : vector<1x128xf32> to vector<256x128xf32>
    %mul3A_320 = arith.mulf %mul3A_318, %mul3A_319 : vector<256x128xf32>
    %swap3A_321 = arith.constant 0 : index
    %swap3A_322 = arith.constant 0 : index
    %swap3A_323 = vector.load %arg12[%swap3A_321, %swap3A_322] : memref<256x128xf32, #tpu.memory_space<vmem>>, vector<256x128xf32>
    tpu.vector_store %arg12[%swap3A_321, %swap3A_322], %mul3A_320 {strides = array<i32>} : memref<256x128xf32, #tpu.memory_space<vmem>>, vector<256x128xf32>,
    %mul3A_324 = arith.mulf %broadcast_in_dim3A_214, %div3A_300 : vector<256x1xf32>
    %mul3A_325 = vector.broadcast %mul3A_324 : vector<256x1xf32> to vector<256x128xf32>
    %mul3A_326 = vector.broadcast %broadcast_in_dim3A_302 : vector<1x128xf32> to vector<256x128xf32>
    %mul3A_327 = arith.mulf %mul3A_325, %mul3A_326 : vector<256x128xf32>
    %swap3A_328 = arith.constant 0 : index
    %swap3A_329 = arith.constant 0 : index
    %swap3A_330 = vector.load %arg13[%swap3A_328, %swap3A_329] : memref<256x128xf32, #tpu.memory_space<vmem>>, vector<256x128xf32>
    tpu.vector_store %arg13[%swap3A_328, %swap3A_329], %mul3A_327 {strides = array<i32>} : memref<256x128xf32, #tpu.memory_space<vmem>>, vector<256x128xf32>,
    %mul3A_331 = arith.mulf %broadcast_in_dim3A_245, %div3A_300 : vector<256x1xf32>
    %mul3A_332 = vector.broadcast %mul3A_331 : vector<256x1xf32> to vector<256x128xf32>
    %mul3A_333 = vector.broadcast %broadcast_in_dim3A_302 : vector<1x128xf32> to vector<256x128xf32>
    %mul3A_334 = arith.mulf %mul3A_332, %mul3A_333 : vector<256x128xf32>
    %swap3A_335 = arith.constant 0 : index
    %swap3A_336 = arith.constant 0 : index
    %swap3A_337 = vector.load %arg14[%swap3A_335, %swap3A_336] : memref<256x128xf32, #tpu.memory_space<vmem>>, vector<256x128xf32>
    tpu.vector_store %arg14[%swap3A_335, %swap3A_336], %mul3A_334 {strides = array<i32>} : memref<256x128xf32, #tpu.memory_space<vmem>>, vector<256x128xf32>,
    %mul3A_338 = arith.mulf %broadcast_in_dim3A_276, %div3A_300 : vector<256x1xf32>
    %mul3A_339 = vector.broadcast %mul3A_338 : vector<256x1xf32> to vector<256x128xf32>
    %mul3A_340 = vector.broadcast %broadcast_in_dim3A_302 : vector<1x128xf32> to vector<256x128xf32>
    %mul3A_341 = arith.mulf %mul3A_339, %mul3A_340 : vector<256x128xf32>
    %swap3A_342 = arith.constant 0 : index
    %swap3A_343 = arith.constant 0 : index
    %swap3A_344 = vector.load %arg15[%swap3A_342, %swap3A_343] : memref<256x128xf32, #tpu.memory_space<vmem>>, vector<256x128xf32>
    tpu.vector_store %arg15[%swap3A_342, %swap3A_343], %mul3A_341 {strides = array<i32>} : memref<256x128xf32, #tpu.memory_space<vmem>>, vector<256x128xf32>,
    %convert_element_type3A_345 = arith.truncf %get3A_1 : vector<256x128xf32> to vector<256x128xbf16>
    %get3A_346 = arith.constant 0 : index
    %get3A_347 = arith.constant 0 : index
    %get3A_348 = vector.load %arg5[%get3A_346, %get3A_347] : memref<128x320xbf16, #tpu.memory_space<vmem>>, vector<128x320xbf16>
    %dot_general3A_349 = arith.constant dense<0.000000e+00> : vector<256x320xf32>
    %dot_general3A_350 = tpu.matmul %convert_element_type3A_345, %get3A_348, %dot_general3A_349 {dimension_numbers = #tpu.dot_dimension_numbers<[1], [0], [0], [1], [0, 0, 1, 1], [], []>, transpose_lhs_hint = false} : vector<256x128xbf16>, vector<128x320xbf16>, vector<256x320xf32> -> vector<256x320xf32>
    %convert_element_type3A_351 = arith.truncf %dot_general3A_350 : vector<256x320xf32> to vector<256x320xbf16>
    %slice3A = vector.extract_strided_slice %convert_element_type3A_351 {offsets = [0, 0], sizes = [256, 160], strides = [1, 1]} : vector<256x320xbf16> to vector<256x160xbf16>
    %slice3A_352 = vector.extract_strided_slice %convert_element_type3A_351 {offsets = [0, 160], sizes = [256, 160], strides = [1, 1]} : vector<256x320xbf16> to vector<256x160xbf16>
    %tanh3A = math.tanh %slice3A : vector<256x160xbf16>
    %mul3A_353 = arith.mulf %slice3A, %tanh3A : vector<256x160xbf16>
    %add3A_354 = arith.addf %slice3A, %mul3A_353 : vector<256x160xbf16>
    %mul3A_355 = arith.mulf %add3A_354, %slice3A_352 : vector<256x160xbf16>
    %get3A_356 = arith.constant 0 : index
    %get3A_357 = arith.constant 0 : index
    %get3A_358 = vector.load %arg6[%get3A_356, %get3A_357] : memref<160x128xbf16, #tpu.memory_space<vmem>>, vector<160x128xbf16>
    %dot_general3A_359 = arith.constant dense<0.000000e+00> : vector<256x128xf32>
    %dot_general3A_360 = tpu.matmul %mul3A_355, %get3A_358, %dot_general3A_359 {dimension_numbers = #tpu.dot_dimension_numbers<[1], [0], [0], [1], [0, 0, 1, 1], [], []>, transpose_lhs_hint = false} : vector<256x160xbf16>, vector<160x128xbf16>, vector<256x128xf32> -> vector<256x128xf32>
    %add3A_361 = arith.addf %get3A_1, %dot_general3A_360 : vector<256x128xf32>
    %swap3A_362 = arith.constant 0 : index
    %swap3A_363 = arith.constant 0 : index
    %swap3A_364 = vector.load %arg8[%swap3A_362, %swap3A_363] : memref<256x128xf32, #tpu.memory_space<vmem>>, vector<256x128xf32>
    tpu.vector_store %arg8[%swap3A_362, %swap3A_363], %add3A_361 {strides = array<i32>} : memref<256x128xf32, #tpu.memory_space<vmem>>, vector<256x128xf32>,
    return
  }
  func.func @transform_0(%arg0: i32) -> (i32, i32) {
    %c0_i32 = arith.constant 0 : i32
    %c0_i32_0 = arith.constant 0 : i32
    return %arg0, %c0_i32 : i32, i32
  }
  func.func @transform_1(%arg0: i32) -> (i32, i32) {
    %c0_i32 = arith.constant 0 : i32
    %c0_i32_0 = arith.constant 0 : i32
    return %arg0, %c0_i32 : i32, i32
  }
  func.func @transform_2(%arg0: i32) -> (i32, i32) {
    %c0_i32 = arith.constant 0 : i32
    %c0_i32_0 = arith.constant 0 : i32
    %c0_i32_1 = arith.constant 0 : i32
    return %c0_i32, %c0_i32_0 : i32, i32
  }
  func.func @transform_3(%arg0: i32) -> (i32, i32) {
    %c0_i32 = arith.constant 0 : i32
    %c0_i32_0 = arith.constant 0 : i32
    %c0_i32_1 = arith.constant 0 : i32
    return %c0_i32, %c0_i32_0 : i32, i32
  }
  func.func @transform_4(%arg0: i32) -> (i32, i32) {
    %c0_i32 = arith.constant 0 : i32
    %c0_i32_0 = arith.constant 0 : i32
    %c0_i32_1 = arith.constant 0 : i32
    return %c0_i32, %c0_i32_0 : i32, i32
  }
  func.func @transform_5(%arg0: i32) -> (i32, i32) {
    %c0_i32 = arith.constant 0 : i32
    %c0_i32_0 = arith.constant 0 : i32
    %c0_i32_1 = arith.constant 0 : i32
    return %c0_i32, %c0_i32_0 : i32, i32
  }
  func.func @transform_6(%arg0: i32) -> (i32, i32) {
    %c0_i32 = arith.constant 0 : i32
    %c0_i32_0 = arith.constant 0 : i32
    return %arg0, %c0_i32 : i32, i32
  }
  func.func @transform_7(%arg0: i32) -> (i32, i32) {
    %c0_i32 = arith.constant 0 : i32
    %c0_i32_0 = arith.constant 0 : i32
    return %arg0, %c0_i32 : i32, i32
  }
  func.func @transform_8(%arg0: i32) -> (i32, i32) {
    %c0_i32 = arith.constant 0 : i32
    %c0_i32_0 = arith.constant 0 : i32
    return %arg0, %c0_i32 : i32, i32
  }
  func.func @transform_9(%arg0: i32) -> (i32, i32) {
    %c0_i32 = arith.constant 0 : i32
    %c0_i32_0 = arith.constant 0 : i32
    return %arg0, %c0_i32 : i32, i32
  }
  func.func @transform_10(%arg0: i32) -> (i32, i32) {
    %c0_i32 = arith.constant 0 : i32
    %c0_i32_0 = arith.constant 0 : i32
    return %arg0, %c0_i32 : i32, i32
  }
  func.func @transform_11(%arg0: i32) -> (i32, i32) {
    %c0_i32 = arith.constant 0 : i32
    %c0_i32_0 = arith.constant 0 : i32
    return %arg0, %c0_i32 : i32, i32
  }
  func.func @transform_12(%arg0: i32) -> (i32, i32) {
    %c0_i32 = arith.constant 0 : i32
    %c0_i32_0 = arith.constant 0 : i32
    return %arg0, %c0_i32 : i32, i32
  }
  func.func @transform_13(%arg0: i32) -> (i32, i32) {
    %c0_i32 = arith.constant 0 : i32
    %c0_i32_0 = arith.constant 0 : i32
    return %arg0, %c0_i32 : i32, i32
  }
  func.func @transform_14(%arg0: i32) -> (i32, i32) {
    %c0_i32 = arith.constant 0 : i32
    %c0_i32_0 = arith.constant 0 : i32
    return %arg0, %c0_i32 : i32, i32
  }
  func.func @transform_15(%arg0: i32) -> (i32, i32, i32) {
    %c0_i32 = arith.constant 0 : i32
    %c0_i32_0 = arith.constant 0 : i32
    %c0_i32_1 = arith.constant 0 : i32
    return %arg0, %c0_i32, %c0_i32_0 : i32, i32, i32
  }
}

module attributes {stable_mosaic.version = 14 : i64} {
  func.func @_grouped_ffn_kernel(%arg0: i32, %arg1: memref<64xi32, #tpu.memory_space<smem>>, %arg2: memref<512x128xf32, #tpu.memory_space<vmem>>, %arg3: memref<512x128xf32, #tpu.memory_space<vmem>>, %arg4: memref<1x128x160xbf16, #tpu.memory_space<vmem>>, %arg5: memref<1x80x128xbf16, #tpu.memory_space<vmem>>, %arg6: memref<512x128xf32, #tpu.memory_space<vmem>>) attributes {dimension_semantics = [#tpu.dimension_semantics<arbitrary>], iteration_bounds = array<i64: 64>, scalar_prefetch = 1 : i64, scratch_operands = 0 : i64, tpu.core_type = #tpu.core_type<tc>, window_params = [{transform_indices = @transform_0, window_bounds = array<i64: 512, 128>}, {transform_indices = @transform_1, window_bounds = array<i64: 512, 128>}, {transform_indices = @transform_2, window_bounds = array<i64: 1, 128, 160>}, {transform_indices = @transform_3, window_bounds = array<i64: 1, 80, 128>}, {transform_indices = @transform_4, window_bounds = array<i64: 512, 128>}]} {
    %jit3A = arith.constant 1 : i32
    %div3A = arith.divsi %arg0, %jit3A : i32
    %sign3A = arith.constant 0 : i32
    %sign3A_0 = arith.cmpi sgt, %arg0, %sign3A : i32
    %sign3A_1 = arith.extui %sign3A_0 : i1 to i32
    %sign3A_2 = arith.constant 0 : i32
    %sign3A_3 = arith.cmpi slt, %arg0, %sign3A_2 : i32
    %sign3A_4 = arith.extui %sign3A_3 : i1 to i32
    %sign3A_5 = arith.subi %sign3A_1, %sign3A_4 : i32
    %sign3A_6 = arith.constant 0 : i32
    %sign3A_7 = arith.cmpi sgt, %jit3A, %sign3A_6 : i32
    %sign3A_8 = arith.extui %sign3A_7 : i1 to i32
    %sign3A_9 = arith.constant 0 : i32
    %sign3A_10 = arith.cmpi slt, %jit3A, %sign3A_9 : i32
    %sign3A_11 = arith.extui %sign3A_10 : i1 to i32
    %sign3A_12 = arith.subi %sign3A_8, %sign3A_11 : i32
    %ne3A = arith.cmpi ne, %sign3A_5, %sign3A_12 : i32
    %rem3A = arith.remsi %arg0, %jit3A : i32
    %ne3A_13 = arith.constant 0 : i32
    %ne3A_14 = arith.cmpi ne, %rem3A, %ne3A_13 : i32
    %and3A = arith.andi %ne3A, %ne3A_14 : i1
    %sub3A = arith.constant 1 : i32
    %sub3A_15 = arith.subi %div3A, %sub3A : i32
    %select_n3A = arith.select %and3A, %sub3A_15, %div3A : i32
    %jit3A_16 = arith.constant 1 : i32
    %eq3A = arith.constant 0 : i32
    %eq3A_17 = arith.cmpi eq, %jit3A_16, %eq3A : i32
    %jit3A_18 = arith.constant 1 : i32
    %select_n3A_19 = arith.select %eq3A_17, %jit3A_18, %jit3A_16 : i32
    %rem3A_20 = arith.remsi %arg0, %select_n3A_19 : i32
    %ne3A_21 = arith.constant 0 : i32
    %ne3A_22 = arith.cmpi ne, %rem3A_20, %ne3A_21 : i32
    %lt3A = arith.constant 0 : i32
    %lt3A_23 = arith.cmpi slt, %rem3A_20, %lt3A : i32
    %lt3A_24 = arith.constant 0 : i32
    %lt3A_25 = arith.cmpi slt, %select_n3A_19, %lt3A_24 : i32
    %ne3A_26 = arith.xori %lt3A_23, %lt3A_25 : i1
    %and3A_27 = arith.andi %ne3A_26, %ne3A_22 : i1
    %add3A = arith.addi %rem3A_20, %select_n3A_19 : i32
    %select_n3A_28 = arith.select %and3A_27, %add3A, %rem3A_20 : i32
    %get3A = arith.index_cast %select_n3A : i32 to index
    %get3A_29 = memref.load %arg1[%get3A] : memref<64xi32, #tpu.memory_space<smem>>
    %min3A = arith.constant 512 : i32
    %min3A_30 = arith.minsi %get3A_29, %min3A : i32
    %mul3A = arith.constant 512 : i32
    %mul3A_31 = arith.muli %select_n3A_28, %mul3A : i32
    %sub3A_32 = arith.subi %min3A_30, %mul3A_31 : i32
    %gt3A = arith.constant 0 : i32
    %gt3A_33 = arith.cmpi sgt, %sub3A_32, %gt3A : i32
    %convert_element_type3A = arith.extui %gt3A_33 : i1 to i32
    %cond3A = arith.constant 0 : i32
    %cond3A_34 = arith.cmpi ne, %convert_element_type3A, %cond3A : i32
    scf.if %cond3A_34 {
      %iota3A = tpu.iota {dimensions = array<i32: 0>} : vector<512x1xi32>
      %lt3A_35 = vector.broadcast %sub3A_32 : i32 to vector<512x1xi32>
      %lt3A_36 = arith.cmpi slt, %iota3A, %lt3A_35 : vector<512x1xi32>
      %get3A_37 = arith.constant 0 : index
      %get3A_38 = arith.constant 0 : index
      %get3A_39 = vector.load %arg2[%get3A_37, %get3A_38] : memref<512x128xf32, #tpu.memory_space<vmem>>, vector<512x128xf32>
      %jit3A_40 = arith.constant 0.000000e+00 : f32
      %broadcast_in_dim3A = vector.shape_cast %lt3A_36 : vector<512x1xi1> to vector<512x1xi1>
      %broadcast_in_dim3A_41 = vector.broadcast %broadcast_in_dim3A : vector<512x1xi1> to vector<512x128xi1>
      %broadcast_in_dim3A_42 = vector.broadcast %jit3A_40 : f32 to vector<512x128xf32>
      %select_n3A_43 = arith.select %broadcast_in_dim3A_41, %get3A_39, %broadcast_in_dim3A_42 : vector<512x128xi1>, vector<512x128xf32>
      %convert_element_type3A_44 = arith.truncf %select_n3A_43 : vector<512x128xf32> to vector<512x128xbf16>
      %get3A_45 = arith.constant 0 : index
      %get3A_46 = arith.constant 0 : index
      %get3A_47 = arith.constant 0 : index
      %get3A_48 = vector.load %arg4[%get3A_45, %get3A_46, %get3A_47] : memref<1x128x160xbf16, #tpu.memory_space<vmem>>, vector<1x128x160xbf16>
      %get3A_49 = vector.shape_cast %get3A_48 : vector<1x128x160xbf16> to vector<128x160xbf16>
      %dot_general3A = arith.constant dense<0.000000e+00> : vector<512x160xf32>
      %dot_general3A_50 = tpu.matmul %convert_element_type3A_44, %get3A_49, %dot_general3A {dimension_numbers = #tpu.dot_dimension_numbers<[1], [0], [0], [1], [0, 0, 1, 1], [], []>, transpose_lhs_hint = false} : vector<512x128xbf16>, vector<128x160xbf16>, vector<512x160xf32> -> vector<512x160xf32>
      %convert_element_type3A_51 = arith.truncf %dot_general3A_50 : vector<512x160xf32> to vector<512x160xbf16>
      %slice3A = vector.extract_strided_slice %convert_element_type3A_51 {offsets = [0, 0], sizes = [512, 80], strides = [1, 1]} : vector<512x160xbf16> to vector<512x80xbf16>
      %slice3A_52 = vector.extract_strided_slice %convert_element_type3A_51 {offsets = [0, 80], sizes = [512, 80], strides = [1, 1]} : vector<512x160xbf16> to vector<512x80xbf16>
      %tanh3A = math.tanh %slice3A : vector<512x80xbf16>
      %mul3A_53 = arith.mulf %slice3A, %tanh3A : vector<512x80xbf16>
      %add3A_54 = arith.addf %slice3A, %mul3A_53 : vector<512x80xbf16>
      %mul3A_55 = arith.mulf %add3A_54, %slice3A_52 : vector<512x80xbf16>
      %get3A_56 = arith.constant 0 : index
      %get3A_57 = arith.constant 0 : index
      %get3A_58 = arith.constant 0 : index
      %get3A_59 = vector.load %arg5[%get3A_56, %get3A_57, %get3A_58] : memref<1x80x128xbf16, #tpu.memory_space<vmem>>, vector<1x80x128xbf16>
      %get3A_60 = vector.shape_cast %get3A_59 : vector<1x80x128xbf16> to vector<80x128xbf16>
      %dot_general3A_61 = arith.constant dense<0.000000e+00> : vector<512x128xf32>
      %dot_general3A_62 = tpu.matmul %mul3A_55, %get3A_60, %dot_general3A_61 {dimension_numbers = #tpu.dot_dimension_numbers<[1], [0], [0], [1], [0, 0, 1, 1], [], []>, transpose_lhs_hint = false} : vector<512x80xbf16>, vector<80x128xbf16>, vector<512x128xf32> -> vector<512x128xf32>
      %get3A_63 = arith.constant 0 : index
      %get3A_64 = arith.constant 0 : index
      %get3A_65 = vector.load %arg3[%get3A_63, %get3A_64] : memref<512x128xf32, #tpu.memory_space<vmem>>, vector<512x128xf32>
      %mul3A_66 = arith.mulf %dot_general3A_62, %get3A_65 : vector<512x128xf32>
      %swap3A = arith.constant 0 : index
      %swap3A_67 = arith.constant 0 : index
      %swap3A_68 = vector.load %arg6[%swap3A, %swap3A_67] : memref<512x128xf32, #tpu.memory_space<vmem>>, vector<512x128xf32>
      tpu.vector_store %arg6[%swap3A, %swap3A_67], %mul3A_66 {strides = array<i32>} : memref<512x128xf32, #tpu.memory_space<vmem>>, vector<512x128xf32>,
    } else {
    }
    return
  }
  func.func @transform_0(%arg0: i32, %arg1: memref<64xi32, #tpu.memory_space<smem>>) -> (i32, i32) {
    %jit3A = arith.constant 1 : i32
    %div3A = arith.divsi %arg0, %jit3A : i32
    %sign3A = arith.constant 0 : i32
    %sign3A_0 = arith.cmpi sgt, %arg0, %sign3A : i32
    %sign3A_1 = arith.extui %sign3A_0 : i1 to i32
    %sign3A_2 = arith.constant 0 : i32
    %sign3A_3 = arith.cmpi slt, %arg0, %sign3A_2 : i32
    %sign3A_4 = arith.extui %sign3A_3 : i1 to i32
    %sign3A_5 = arith.subi %sign3A_1, %sign3A_4 : i32
    %sign3A_6 = arith.constant 0 : i32
    %sign3A_7 = arith.cmpi sgt, %jit3A, %sign3A_6 : i32
    %sign3A_8 = arith.extui %sign3A_7 : i1 to i32
    %sign3A_9 = arith.constant 0 : i32
    %sign3A_10 = arith.cmpi slt, %jit3A, %sign3A_9 : i32
    %sign3A_11 = arith.extui %sign3A_10 : i1 to i32
    %sign3A_12 = arith.subi %sign3A_8, %sign3A_11 : i32
    %ne3A = arith.cmpi ne, %sign3A_5, %sign3A_12 : i32
    %rem3A = arith.remsi %arg0, %jit3A : i32
    %ne3A_13 = arith.constant 0 : i32
    %ne3A_14 = arith.cmpi ne, %rem3A, %ne3A_13 : i32
    %and3A = arith.andi %ne3A, %ne3A_14 : i1
    %sub3A = arith.constant 1 : i32
    %sub3A_15 = arith.subi %div3A, %sub3A : i32
    %select_n3A = arith.select %and3A, %sub3A_15, %div3A : i32
    %get3A = arith.index_cast %select_n3A : i32 to index
    %get3A_16 = memref.load %arg1[%get3A] : memref<64xi32, #tpu.memory_space<smem>>
    %min3A = arith.constant 512 : i32
    %min3A_17 = arith.minsi %get3A_16, %min3A : i32
    %jit3A_18 = arith.constant 1 : i32
    %eq3A = arith.constant 0 : i32
    %eq3A_19 = arith.cmpi eq, %jit3A_18, %eq3A : i32
    %jit3A_20 = arith.constant 1 : i32
    %select_n3A_21 = arith.select %eq3A_19, %jit3A_20, %jit3A_18 : i32
    %rem3A_22 = arith.remsi %arg0, %select_n3A_21 : i32
    %ne3A_23 = arith.constant 0 : i32
    %ne3A_24 = arith.cmpi ne, %rem3A_22, %ne3A_23 : i32
    %lt3A = arith.constant 0 : i32
    %lt3A_25 = arith.cmpi slt, %rem3A_22, %lt3A : i32
    %lt3A_26 = arith.constant 0 : i32
    %lt3A_27 = arith.cmpi slt, %select_n3A_21, %lt3A_26 : i32
    %ne3A_28 = arith.xori %lt3A_25, %lt3A_27 : i1
    %and3A_29 = arith.andi %ne3A_28, %ne3A_24 : i1
    %add3A = arith.addi %rem3A_22, %select_n3A_21 : i32
    %select_n3A_30 = arith.select %and3A_29, %add3A, %rem3A_22 : i32
    %mul3A = arith.constant 512 : i32
    %mul3A_31 = arith.muli %select_n3A_30, %mul3A : i32
    %gt3A = arith.cmpi sgt, %min3A_17, %mul3A_31 : i32
    %jit3A_32 = arith.constant 0 : i32
    %select_n3A_33 = arith.select %gt3A, %arg0, %jit3A_32 : i32
    %c0_i32 = arith.constant 0 : i32
    %c0_i32_34 = arith.constant 0 : i32
    return %select_n3A_33, %c0_i32 : i32, i32
  }
  func.func @transform_1(%arg0: i32, %arg1: memref<64xi32, #tpu.memory_space<smem>>) -> (i32, i32) {
    %jit3A = arith.constant 1 : i32
    %div3A = arith.divsi %arg0, %jit3A : i32
    %sign3A = arith.constant 0 : i32
    %sign3A_0 = arith.cmpi sgt, %arg0, %sign3A : i32
    %sign3A_1 = arith.extui %sign3A_0 : i1 to i32
    %sign3A_2 = arith.constant 0 : i32
    %sign3A_3 = arith.cmpi slt, %arg0, %sign3A_2 : i32
    %sign3A_4 = arith.extui %sign3A_3 : i1 to i32
    %sign3A_5 = arith.subi %sign3A_1, %sign3A_4 : i32
    %sign3A_6 = arith.constant 0 : i32
    %sign3A_7 = arith.cmpi sgt, %jit3A, %sign3A_6 : i32
    %sign3A_8 = arith.extui %sign3A_7 : i1 to i32
    %sign3A_9 = arith.constant 0 : i32
    %sign3A_10 = arith.cmpi slt, %jit3A, %sign3A_9 : i32
    %sign3A_11 = arith.extui %sign3A_10 : i1 to i32
    %sign3A_12 = arith.subi %sign3A_8, %sign3A_11 : i32
    %ne3A = arith.cmpi ne, %sign3A_5, %sign3A_12 : i32
    %rem3A = arith.remsi %arg0, %jit3A : i32
    %ne3A_13 = arith.constant 0 : i32
    %ne3A_14 = arith.cmpi ne, %rem3A, %ne3A_13 : i32
    %and3A = arith.andi %ne3A, %ne3A_14 : i1
    %sub3A = arith.constant 1 : i32
    %sub3A_15 = arith.subi %div3A, %sub3A : i32
    %select_n3A = arith.select %and3A, %sub3A_15, %div3A : i32
    %get3A = arith.index_cast %select_n3A : i32 to index
    %get3A_16 = memref.load %arg1[%get3A] : memref<64xi32, #tpu.memory_space<smem>>
    %min3A = arith.constant 512 : i32
    %min3A_17 = arith.minsi %get3A_16, %min3A : i32
    %jit3A_18 = arith.constant 1 : i32
    %eq3A = arith.constant 0 : i32
    %eq3A_19 = arith.cmpi eq, %jit3A_18, %eq3A : i32
    %jit3A_20 = arith.constant 1 : i32
    %select_n3A_21 = arith.select %eq3A_19, %jit3A_20, %jit3A_18 : i32
    %rem3A_22 = arith.remsi %arg0, %select_n3A_21 : i32
    %ne3A_23 = arith.constant 0 : i32
    %ne3A_24 = arith.cmpi ne, %rem3A_22, %ne3A_23 : i32
    %lt3A = arith.constant 0 : i32
    %lt3A_25 = arith.cmpi slt, %rem3A_22, %lt3A : i32
    %lt3A_26 = arith.constant 0 : i32
    %lt3A_27 = arith.cmpi slt, %select_n3A_21, %lt3A_26 : i32
    %ne3A_28 = arith.xori %lt3A_25, %lt3A_27 : i1
    %and3A_29 = arith.andi %ne3A_28, %ne3A_24 : i1
    %add3A = arith.addi %rem3A_22, %select_n3A_21 : i32
    %select_n3A_30 = arith.select %and3A_29, %add3A, %rem3A_22 : i32
    %mul3A = arith.constant 512 : i32
    %mul3A_31 = arith.muli %select_n3A_30, %mul3A : i32
    %gt3A = arith.cmpi sgt, %min3A_17, %mul3A_31 : i32
    %jit3A_32 = arith.constant 0 : i32
    %select_n3A_33 = arith.select %gt3A, %arg0, %jit3A_32 : i32
    %c0_i32 = arith.constant 0 : i32
    %c0_i32_34 = arith.constant 0 : i32
    return %select_n3A_33, %c0_i32 : i32, i32
  }
  func.func @transform_2(%arg0: i32, %arg1: memref<64xi32, #tpu.memory_space<smem>>) -> (i32, i32, i32) {
    %jit3A = arith.constant 1 : i32
    %div3A = arith.divsi %arg0, %jit3A : i32
    %sign3A = arith.constant 0 : i32
    %sign3A_0 = arith.cmpi sgt, %arg0, %sign3A : i32
    %sign3A_1 = arith.extui %sign3A_0 : i1 to i32
    %sign3A_2 = arith.constant 0 : i32
    %sign3A_3 = arith.cmpi slt, %arg0, %sign3A_2 : i32
    %sign3A_4 = arith.extui %sign3A_3 : i1 to i32
    %sign3A_5 = arith.subi %sign3A_1, %sign3A_4 : i32
    %sign3A_6 = arith.constant 0 : i32
    %sign3A_7 = arith.cmpi sgt, %jit3A, %sign3A_6 : i32
    %sign3A_8 = arith.extui %sign3A_7 : i1 to i32
    %sign3A_9 = arith.constant 0 : i32
    %sign3A_10 = arith.cmpi slt, %jit3A, %sign3A_9 : i32
    %sign3A_11 = arith.extui %sign3A_10 : i1 to i32
    %sign3A_12 = arith.subi %sign3A_8, %sign3A_11 : i32
    %ne3A = arith.cmpi ne, %sign3A_5, %sign3A_12 : i32
    %rem3A = arith.remsi %arg0, %jit3A : i32
    %ne3A_13 = arith.constant 0 : i32
    %ne3A_14 = arith.cmpi ne, %rem3A, %ne3A_13 : i32
    %and3A = arith.andi %ne3A, %ne3A_14 : i1
    %sub3A = arith.constant 1 : i32
    %sub3A_15 = arith.subi %div3A, %sub3A : i32
    %select_n3A = arith.select %and3A, %sub3A_15, %div3A : i32
    %c0_i32 = arith.constant 0 : i32
    %c0_i32_16 = arith.constant 0 : i32
    %c0_i32_17 = arith.constant 0 : i32
    return %select_n3A, %c0_i32, %c0_i32_16 : i32, i32, i32
  }
  func.func @transform_3(%arg0: i32, %arg1: memref<64xi32, #tpu.memory_space<smem>>) -> (i32, i32, i32) {
    %jit3A = arith.constant 1 : i32
    %div3A = arith.divsi %arg0, %jit3A : i32
    %sign3A = arith.constant 0 : i32
    %sign3A_0 = arith.cmpi sgt, %arg0, %sign3A : i32
    %sign3A_1 = arith.extui %sign3A_0 : i1 to i32
    %sign3A_2 = arith.constant 0 : i32
    %sign3A_3 = arith.cmpi slt, %arg0, %sign3A_2 : i32
    %sign3A_4 = arith.extui %sign3A_3 : i1 to i32
    %sign3A_5 = arith.subi %sign3A_1, %sign3A_4 : i32
    %sign3A_6 = arith.constant 0 : i32
    %sign3A_7 = arith.cmpi sgt, %jit3A, %sign3A_6 : i32
    %sign3A_8 = arith.extui %sign3A_7 : i1 to i32
    %sign3A_9 = arith.constant 0 : i32
    %sign3A_10 = arith.cmpi slt, %jit3A, %sign3A_9 : i32
    %sign3A_11 = arith.extui %sign3A_10 : i1 to i32
    %sign3A_12 = arith.subi %sign3A_8, %sign3A_11 : i32
    %ne3A = arith.cmpi ne, %sign3A_5, %sign3A_12 : i32
    %rem3A = arith.remsi %arg0, %jit3A : i32
    %ne3A_13 = arith.constant 0 : i32
    %ne3A_14 = arith.cmpi ne, %rem3A, %ne3A_13 : i32
    %and3A = arith.andi %ne3A, %ne3A_14 : i1
    %sub3A = arith.constant 1 : i32
    %sub3A_15 = arith.subi %div3A, %sub3A : i32
    %select_n3A = arith.select %and3A, %sub3A_15, %div3A : i32
    %c0_i32 = arith.constant 0 : i32
    %c0_i32_16 = arith.constant 0 : i32
    %c0_i32_17 = arith.constant 0 : i32
    return %select_n3A, %c0_i32, %c0_i32_16 : i32, i32, i32
  }
  func.func @transform_4(%arg0: i32, %arg1: memref<64xi32, #tpu.memory_space<smem>>) -> (i32, i32) {
    %c0_i32 = arith.constant 0 : i32
    %c0_i32_0 = arith.constant 0 : i32
    return %arg0, %c0_i32 : i32, i32
  }
}

</mosaic_0001>

<sc_bundles>
// kernel: kernel.6.cloned.1.call-start
scs
__scs_entry_jumppad:
0x0: {  	(pc) =	sbr.rel $0x88, $3  }
0x1: {  	(tag) =	ssettag $0x0;
	lr =	simm.s32 $0x1  }
0x2: {  	[smem:$0x3F98] =	sst lr;
	_ =	strace $0xD0000000  }
0x3: {  	_ = 	snop  }
0x4: {  	_ = 	snop  }
0x5: {  	_ = 	snop  }
0x6: {  	_ = 	snop  }
0x7: {  	_ = 	snop  }
__scs_overlays_trampoline_lowered:
0x8: {  	[smem:$0x3FA7] =	sst s0  }
0x9: {  	[smem:$0x3FA8] =	sst s1  }
0xa: {  	[smem:$0x3FA9] =	sst s2  }
0xb: {  	[smem:$0x3FAA] =	sst s3  }
0xc: {  	[smem:$0x3FAB] =	sst s4  }
0xd: {  	[smem:$0x3FAC] =	sst s5  }
0xe: {  	[smem:$0x3FAD] =	sst s6  }
0xf: {  	[smem:$0x3FAE] =	sst s7  }
0x10: {  	[smem:$0x3FAF] =	sst s8  }
0x11: {  	[smem:$0x3FB0] =	sst s9;
	s0 =	simm.s32 @!p0 $0x0  }
0x12: {  	s1 =	sld [smem:$0x3F96];
	s0 =	simm.s32 @p0 $0x1  }
0x13: {  	[smem:$0x3FB1] =	sst s0;
	s0 =	simm.s32 @!p1 $0x0  }
0x14: {  	s2 =	sld [smem:$0x3F95];
	s0 =	simm.s32 @p1 $0x1  }
0x15: {  	[smem:$0x3FB2] =	sst s0;
	s0 =	simm.s32 @!p2 $0x0  }
0x16: {  	s3 =	sld [smem:$0x3FDB];
	s0 =	simm.s32 @p2 $0x1  }
0x17: {  	s4 =	simm.s32 $0x1BF5;
	[smem:$0x3FB4] =	sst s0  }
0x18: {  	s0 =	sld [smem:$0x3F97];
	_ =	swait.ge [sflag:s4], $0x0  }
0x19: {  	s7 =	sld [smem:$0x3F98]  }
0x1a: {  	s8 =	sadd.s32 $0xFFFFE003, lr  }
0x1b: {  	s9 =	sadd.s32 $0xFFFFFEF7, lr;
	s5 =	simm.s32 $0xFFFFFFFF;
	p2 =	slt.u32 s8, $0xFFFFF086  }
0x1c: {  	p1 =	slt.u32 s9, $0xF7A;
	s5 =	simm.s32 @!p2 $0x0  }
0x1d: {  	s5 =	simm.s32 @p1 $0x1;
	p0 =	seq.s32 s7, s2  }
0x1e: {  	s7 =	smul.u32 @!p0 $0xF7A, s2;
	p2 =	seq.s32 @!p0 s5, $0x0  }
0x1f: {  	s9 =	smul.u32 $0xF7A, s1;
	s8 =	simm.s32 @!p0 $0x1BF5;
	p2 =	por !p2, p0  }
0x20: {  	[sflag:s8] =	ssyncset.s32 @!p0 $0xFFFFF086;
	s6 =	sadd.s32 @!p0 s3, s7;
	s7 =	simm.s32 @!p0 $0x108  }
0x21: {  	s3 =	sadd.s32 s3, s9;
	s6 =	sadd.s32 @!p0 $0x88, s6;
	s7 =	simm.s32 @p2 $0x1082  }
0x22: {  	[simem:s7], [sflag:s8] =	dma.local @!p0 [hbm:s6], $0xF7A  }
0x23: {  	s9 =	sor.u32 $0xD0000000, s2;
	s6 =	simm.s32 $0x108;
	_ =	swait.ge @!p0 [sflag:s8], $0x0  }
0x24: {  	s3 =	sadd.s32 $0x88, s3;
	s6 =	simm.s32 @!p1 $0x1082;
	[sflag:s4] =	ssyncset.s32 $0xFFFFF086  }
0x25: {  	[simem:s6], [sflag:s4] =	dma.local [hbm:s3], $0xF7A  }
0x26: {  	[smem:$0x3F98] =	sst s1;
	(tag) =	ssettag s2;
	_ =	strace s9  }
0x27: {  	s1 =	sld [smem:$0x3FA8]  }
0x28: {  	s2 =	sld [smem:$0x3FA9]  }
0x29: {  	s4 =	sld [smem:$0x3FAB]  }
0x2a: {  	p0 =	seq.s32 s5, $0x0;
	s5 =	sld [smem:$0x3FAC]  }
0x2b: {  	s6 =	sld [smem:$0x3FAD]  }
0x2c: {  	s7 =	sld [smem:$0x3FAE]  }
0x2d: {  	s3 =	simm.s32 $0x108;
	s8 =	sld [smem:$0x3FAF]  }
0x2e: {  	s3 =	simm.s32 @!p0 $0x1082;
	s9 =	sld [smem:$0x3FB0]  }
0x2f: {  	lr =	sadd.s32 s0, s3;
	s0 =	sld [smem:$0x3FA7]  }
0x30: {  	s3 =	sld [smem:$0x3FAA]  }
0x31: {  	[smem:$0x3FB3] =	sst s10  }
0x32: {  	s10 =	sld [smem:$0x3FB1];
	_ =	sdelay $0x3  }
0x33: {  	p0 =	seq.s32 s10, $0x1;
	s10 =	sld [smem:$0x3FB3];
	_ =	sdelay $0x3  }
0x34: {  	[smem:$0x3FB3] =	sst s10  }
0x35: {  	s10 =	sld [smem:$0x3FB2];
	_ =	sdelay $0x3  }
0x36: {  	p1 =	seq.s32 s10, $0x1;
	s10 =	sld [smem:$0x3FB3];
	_ =	sdelay $0x3  }
0x37: {  	[smem:$0x3FB3] =	sst s10  }
0x38: {  	s10 =	sld [smem:$0x3FB4]  }
0x39: {  	_ = 	snop;
	(pc) =	sbr.ind lr, $3  }
0x3a: {  	_ = 	snop  }
0x3b: {  	_ = 	snop  }
0x3c: {  	p2 =	seq.s32 s10, $0x1;
	s10 =	sld [smem:$0x3FB3]  }
0x3d: {  	_ =	shalt  }
0x3e: {  	_ =	shalt  }
0x3f: {  	_ =	shalt  }
0x40: {  	_ =	shalt  }
0x41: {  	_ =	shalt  }
0x42: {  	_ =	shalt  }
0x43: {  	_ =	shalt  }
0x44: {  	_ =	shalt  }
0x45: {  	_ =	shalt  }
0x46: {  	_ =	shalt  }
0x47: {  	_ =	shalt  }
0x48: {  	_ =	shalt  }
0x49: {  	_ =	shalt  }
0x4a: {  	_ =	shalt  }
0x4b: {  	_ =	shalt  }
0x4c: {  	_ =	shalt  }
0x4d: {  	_ =	shalt  }
0x4e: {  	_ =	shalt  }
0x4f: {  	_ =	shalt  }
0x50: {  	_ =	shalt  }
0x51: {  	_ =	shalt  }
0x52: {  	_ =	shalt  }
0x53: {  	_ =	shalt  }
0x54: {  	_ =	shalt  }
0x55: {  	_ =	shalt  }
0x56: {  	_ =	shalt  }
0x57: {  	_ =	shalt  }
0x58: {  	_ =	shalt  }
0x59: {  	_ =	shalt  }
0x5a: {  	_ =	shalt  }
0x5b: {  	_ =	shalt  }
0x5c: {  	_ =	shalt  }
0x5d: {  	_ =	shalt  }
0x5e: {  	_ =	shalt  }
0x5f: {  	_ =	shalt  }
0x60: {  	_ =	shalt  }
0x61: {  	_ =	shalt  }
0x62: {  	_ =	shalt  }
0x63: {  	_ =	shalt  }
0x64: {  	_ =	shalt  }
0x65: {  	_ =	shalt  }
0x66: {  	_ =	shalt  }
0x67: {  	_ =	shalt  }
0x68: {  	_ =	shalt  }
0x69: {  	_ =	shalt  }
0x6a: {  	_ =	shalt  }
0x6b: {  	_ =	shalt  }
0x6c: {  	_ =	shalt  }
0x6d: {  	_ =	shalt  }
0x6e: {  	_ =	shalt  }
0x6f: {  	_ =	shalt  }
0x70: {  	_ =	shalt  }
0x71: {  	_ =	shalt  }
0x72: {  	_ =	shalt  }
0x73: {  	_ =	shalt  }
0x74: {  	_ =	shalt  }
0x75: {  	_ =	shalt  }
0x76: {  	_ =	shalt  }
0x77: {  	_ =	shalt  }
0x78: {  	_ =	shalt  }
0x79: {  	_ =	shalt  }
0x7a: {  	_ =	shalt  }
0x7b: {  	_ =	shalt  }
0x7c: {  	_ =	shalt  }
0x7d: {  	_ =	shalt  }
0x7e: {  	_ =	shalt  }
0x7f: {  	_ =	shalt  }
0x80: {  	_ =	shalt  }
0x81: {  	_ =	shalt  }
0x82: {  	_ =	shalt  }
0x83: {  	_ =	shalt  }
0x84: {  	_ =	shalt  }
0x85: {  	_ =	shalt  }
0x86: {  	_ =	shalt  }
0x87: {  	_ =	shalt  }
.Lfunc_end0:
.L_simem_size_0:
called_computation_lowered:
.L_overlay_start_0:
0x88: {  	s2 =	sld [smem:$0x3FD9]  }
0x89: {  	s3 =	sld [smem:$0x3FFE];
	_ =	sdelay $0x1  }
0x8a: {  	s1 =	srdreg.scid  }
0x8b: {  	s0 =	sand.u32 $0x1, s1  }
0x8c: {  	s14 =	sshll.u32 s0, $0xA;
	s2 =	sadd.s32 s3, s2  }
0x8d: {  	s2 =	sadd.s32 s2, s14  }
0x8e: {  	[smem:$0x3FBF] =	sst s2  }
0x8f: {  	_ = 	snop  }
0x90: {  	s2 =	sld [smem:$0x3FD0];
	_ =	sdelay $0x2  }
0x91: {  	s4 =	simm.s32 $0xA;
	s5 =	simm.s32 $0x10;
	s15 =	sld [smem:$0x3FC9]  }
0x92: {  	[smem:s5], [sflag:s4] =	dma.local [hbm:s2], $0x1  }
0x93: {  	_ =	swait.eq [sflag:s4], $0x1  }
0x94: {  	[sflag:s4] =	ssyncset.done $0x0  }
0x95: {  	[sflag:s4] =	ssyncadd.s32 $0xFFFFFFFF  }
0x96: {  	s16 =	sld [smem:$0x10];
	(tm) =	ssettm $0x1  }
0x97: {  	s17 =	sld [smem:$0x3FFB];
	_ =	sdelay $0x3  }
0x98: {  	_ =	strace s17  }
0x99: {  	s4 =	sld [smem:$0x3FFC];
	_ =	sdelay $0x3  }
0x9a: {  	_ =	strace s4  }
0x9b: {  	s4 =	sld [smem:$0x3FFD];
	_ =	sdelay $0x3  }
0x9c: {  	_ =	strace s4  }
0x9d: {  	_ =	strace $0x8FFFFFFF  }
0x9e: {  	s18 =	sld [smem:$0x3FDB];
	_ =	sdelay $0x1  }
0x9f: {  	s19 =	simm.s32 $_scs_section_size  }
0xa0: {  	s6 =	simm.s32 $_size__tile_overlayer_lowered;
	s7 =	simm.s32 $_tile_overlayer_lowered  }
0xa1: {  	s22 =	simm.s32 $0x1BFF;
	s21 =	sshll.u32 s7, $0x1;
	s4 =	sadd.s32 s19, s18  }
0xa2: {  	s8 =	simm.s32 $0x0;
	s20 =	sshll.u32 s6, $0x1;
	s6 =	sadd.s32 s21, s4  }
0xa3: {  	[timem:s8], [sflag:s22] =	dma.local [hbm:s6], s20  }
0xa4: {  	_ =	swait.ge [sflag:s22], s20  }
0xa5: {  	s5 =	ssub.s32 $0x0, s20;
	[sflag:s22] =	ssyncset.done $0x0  }
0xa6: {  	[sflag:s22] =	ssyncadd.s32 s5;
	_ =	sdelay $0x1  }
0xa7: {  	s23 =	simm.s32 $0x1B8B  }
0xa8: {  	_ =	swait.ge [sflag:s23], $0x1  }
0xa9: {  	[sflag:s23] =	ssyncset.done $0x0  }
0xaa: {  	s25 =	simm.s32 $0x1B8E;
	s24 =	sld [smem:$0x3FFE];
	[sflag:s23] =	ssyncadd.s32 $0xFFFFFFFF  }
0xab: {  	s26 =	simm.s32 $execute0_lowered;
	[smem:$0x3FD2] =	sst s25  }
0xac: {  	s6 =	sshll.u32 s26, $0x1;
	_ =	strace $0x80000046;
	[dreg:$0x1] =	wrdreg $0xFFFFFFFF  }
0xad: {  	s28 =	simm.s32 $_size_execute0_lowered;
	s4 =	sadd.s32 s4, s6;
	[dreg:$0x0] =	wrdreg $0x0  }
0xae: {  	s6 =	sshll.u32 s28, $0x1;
	[dreg:$0x2] =	wrdreg s4  }
0xaf: {  	[dreg:$0x3] =	wrdreg s6  }
0xb0: {  	[dreg:$0x4] =	wrdreg $0xC0  }
0xb1: {  	_ =	task [dreg:s8], $0x5FFFF  }
0xb2: {  	[dreg:$0x1] =	wrdreg $0xFFFFFFFF  }
0xb3: {  	[dreg:$0x0] =	wrdreg $0x60  }
0xb4: {  	[dreg:$0x2] =	wrdreg s24  }
0xb5: {  	[dreg:$0x3] =	wrdreg s15  }
0xb6: {  	[dreg:$0x4] =	wrdreg s16  }
0xb7: {  	[dreg:$0x5] =	wrdreg $0x9  }
0xb8: {  	_ =	task.clear_ibuf [dreg:s8], $0x6FFFF;
	_ =	strace $0x90000046  }
0xb9: {  	s29 =	simm.s32 $0x9;
	_ =	strace $0x80000048  }
0xba: {  	_ =	swait.ge [sflag:s29], $0x1  }
0xbb: {  	[sflag:s29] =	ssyncadd.s32 $0xFFFFFFFF  }
0xbc: {  	_ =	strace $0x90000048  }
0xbd: {  	_ =	sfence  }
0xbe: {  	s30 =	sld [smem:$0x0];
	_ =	sdelay $0x2  }
0xbf: {  	s31 =	sshll.u32 s1, $0xD;
	s1 =	sshrl.u32 s1, $0x2  }
0xc0: {  	s3 =	sand.u32 $0x4000, s31;
	s1 =	sadd.s32 s1, s30  }
0xc1: {  	s0 =	sor.u32 s3, s0;
	s1 =	sshll.u32 s1, $0x11  }
0xc2: {  	s0 =	sor.u32 s1, s0  }
0xc3: {  	s0 =	sadd.s32 $0x8F2B, s0  }
0xc4: {  	[sflag:s0] =	ssyncadd.remote.s32 $0x1  }
0xc5: {  	_ =	sfence.sel $0xFFFF  }
0xc6: {  	[dreg:$0x0] =	wrdreg $0xFFFFFFFF;
	(pc) =	sbr.abs _section_cstart, $3  }
0xc7: {  	[dreg:$0x1] =	wrdreg $0xFFFFFFFF  }
0xc8: {  	_ =	task.clear_ibuf [dreg:s8], $0x2FFFF;
	_ =	strace $0x9FFFFFFF  }
0xc9: {  	(tm) =	ssettm $0x7FFFFFFF  }
tec
execute0_lowered:
.L_overlay_start_1:
0x0: {  	(tag) =	ssettag $0x1  }
0x1: {  	s29 =	rddreg [dreg:$0x0]  }
0x2: {  	s17 =	rddreg [dreg:$0x1];
	s4 =	srdreg.scid  }
0x3: {  	s3 =	rddreg [dreg:$0x2];
	s1 =	stileid.u32;
	s31 =	sand.u32 $0x1, s4  }
0x4: {  	s2 =	simm.s32 $0x0;
	s26 =	sshll.u32 s1, $0xB;
	s5 =	sshll.u32 s31, $0xA  }
0x5: {  	[smem:$0x7FF] =	sst s2;
	s4 =	simm.s32 $0x4000;
	s18 =	sor.u32 s5, s26  }
0x6: {  	_ =	strace $0x80000047;
	s15 =	sadd.s32 s18, s29;
	s3 =	sadd.s32 s3, s18  }
0x7: {  	[tilespmem:s4], [sflag:$0x1] =	stream.linear.gather [hbm4b:s3+s2], $0x2000, $0x38;
	[tilespmem:$0x10400] =	vst v63  }
0x8: {  	s6 =	simm.s32 $0x6000;
	s5 =	sadd.s32 $0xAA00, s15  }
0x9: {  	[tilespmem:s6], [sflag:$0x1] =	stream.linear.gather [hbm4b:s5+s2], $0x2000, $0x38;
	[tilespmem:$0x10400] =	vst v63  }
0xa: {  	s8 =	simm.s32 $0x8000;
	s7 =	sadd.s32 $0x12A00, s15  }
0xb: {  	[tilespmem:s8], [sflag:$0x1] =	stream.linear.gather [hbm4b:s7+s2], $0x2000, $0x38;
	[tilespmem:$0x10400] =	vst v63  }
0xc: {  	s10 =	simm.s32 $0xA000;
	s9 =	sadd.s32 $0x1AA00, s15  }
0xd: {  	[tilespmem:s10], [sflag:$0x1] =	stream.linear.gather [hbm4b:s9+s2], $0x2000, $0x38;
	[tilespmem:$0x10400] =	vst v63  }
0xe: {  	s12 =	simm.s32 $0xC000;
	s11 =	sadd.s32 $0x22A00, s15  }
0xf: {  	[tilespmem:s12], [sflag:$0x1] =	stream.linear.gather [hbm4b:s11+s2], $0x2000, $0x38;
	[tilespmem:$0x10400] =	vst v63  }
0x10: {  	s14 =	simm.s32 $0xE000;
	s13 =	sadd.s32 $0x2AA00, s15  }
0x11: {  	[tilespmem:s14], [sflag:$0x1] =	stream.linear.gather [hbm4b:s13+s2], $0x2000, $0x38;
	[tilespmem:$0x10400] =	vst v63  }
0x12: {  	s16 =	simm.s32 $0x3;
	s15 =	sadd.s32 $0x2A00, s15  }
0x13: {  	[tilespmem:s2], [sflag:$0x3] =	stream.linear.gather [hbm4b:s15+s2], $0x2000, $0x38;
	[tilespmem:$0x10400] =	vst v63  }
0x14: {  	v0 =	vlaneseq.u32;
	_ =	swait.ge [sflag:s16], $0x2000  }
0x15: {  	v0 =	vmul.u32 $0x80, v0;
	[sflag:s16] =	ssyncset.done $0x0  }
0x16: {  	s17 =	sadd.s32 s17, s18;
	s18 =	simm.s32 $0x2000;
	[sflag:s16] =	ssyncadd.s32 $0xFFFFE000  }
0x17: {  	[tilespmem:s18], [sflag:$0x3] =	stream.linear.gather [hbm4b:s17+s2], $0x2000, $0x38;
	[tilespmem:$0x10400] =	vst v63  }
0x18: {  	_ =	swait.ge [sflag:s16], $0x2000  }
0x19: {  	[sflag:s16] =	ssyncset.done $0x0  }
0x1a: {  	[sflag:s16] =	ssyncadd.s32 $0xFFFFE000  }
0x1b: {  	v2 =	vld.idx.msk [tilespmem:v0+s2+$0x0], $0xffff  }
0x1c: {  	v1 =	vor.u32 $0x1, v0;
	_ =	sdelay $0x3  }
0x1d: {  	[tilespmem:$0x10000] =	vst v2  }
0x1e: {  	v3 =	vld.idx.msk [tilespmem:v1+s2+$0x0], $0xffff  }
0x1f: {  	v2 =	vor.u32 $0x2, v0;
	_ =	sdelay $0x3  }
0x20: {  	[tilespmem:$0x10080] =	vst v3  }
0x21: {  	v4 =	vld.idx.msk [tilespmem:v2+s2+$0x0], $0xffff  }
0x22: {  	v3 =	vor.u32 $0x3, v0;
	_ =	sdelay $0x3  }
0x23: {  	[tilespmem:$0x10100] =	vst v4  }
0x24: {  	v5 =	vld.idx.msk [tilespmem:v3+s2+$0x0], $0xffff  }
0x25: {  	v4 =	vor.u32 $0x4, v0;
	_ =	sdelay $0x3  }
0x26: {  	[tilespmem:$0x10180] =	vst v5  }
0x27: {  	v6 =	vld.idx.msk [tilespmem:v4+s2+$0x0], $0xffff  }
0x28: {  	v5 =	vor.u32 $0x5, v0;
	_ =	sdelay $0x3  }
0x29: {  	[tilespmem:$0x10200] =	vst v6  }
0x2a: {  	v7 =	vld.idx.msk [tilespmem:v5+s2+$0x0], $0xffff  }
0x2b: {  	v6 =	vor.u32 $0x800, v0;
	_ =	sdelay $0x3  }
0x2c: {  	[tilespmem:$0x10280] =	vst v7  }
0x2d: {  	v8 =	vld.idx.msk [tilespmem:v6+s2+$0x0], $0xffff  }
0x2e: {  	v7 =	vor.u32 $0x801, v0;
	_ =	sdelay $0x3  }
0x2f: {  	[tilespmem:$0x10010] =	vst v8  }
0x30: {  	v9 =	vld.idx.msk [tilespmem:v7+s2+$0x0], $0xffff  }
0x31: {  	v8 =	vor.u32 $0x802, v0;
	_ =	sdelay $0x3  }
0x32: {  	[tilespmem:$0x10090] =	vst v9  }
0x33: {  	v10 =	vld.idx.msk [tilespmem:v8+s2+$0x0], $0xffff  }
0x34: {  	v9 =	vor.u32 $0x803, v0;
	_ =	sdelay $0x3  }
0x35: {  	[tilespmem:$0x10110] =	vst v10  }
0x36: {  	v11 =	vld.idx.msk [tilespmem:v9+s2+$0x0], $0xffff  }
0x37: {  	v10 =	vor.u32 $0x804, v0;
	_ =	sdelay $0x3  }
0x38: {  	[tilespmem:$0x10190] =	vst v11  }
0x39: {  	v12 =	vld.idx.msk [tilespmem:v10+s2+$0x0], $0xffff  }
0x3a: {  	v11 =	vor.u32 $0x805, v0;
	_ =	sdelay $0x3  }
0x3b: {  	[tilespmem:$0x10210] =	vst v12  }
0x3c: {  	v13 =	vld.idx.msk [tilespmem:v11+s2+$0x0], $0xffff  }
0x3d: {  	v12 =	vor.u32 $0x1000, v0;
	_ =	sdelay $0x3  }
0x3e: {  	[tilespmem:$0x10290] =	vst v13  }
0x3f: {  	v14 =	vld.idx.msk [tilespmem:v12+s2+$0x0], $0xffff  }
0x40: {  	v13 =	vor.u32 $0x1001, v0;
	_ =	sdelay $0x3  }
0x41: {  	[tilespmem:$0x10020] =	vst v14  }
0x42: {  	v15 =	vld.idx.msk [tilespmem:v13+s2+$0x0], $0xffff  }
0x43: {  	v14 =	vor.u32 $0x1002, v0;
	_ =	sdelay $0x3  }
0x44: {  	[tilespmem:$0x100A0] =	vst v15  }
0x45: {  	v16 =	vld.idx.msk [tilespmem:v14+s2+$0x0], $0xffff  }
0x46: {  	v15 =	vor.u32 $0x1003, v0;
	_ =	sdelay $0x3  }
0x47: {  	[tilespmem:$0x10120] =	vst v16  }
0x48: {  	v17 =	vld.idx.msk [tilespmem:v15+s2+$0x0], $0xffff  }
0x49: {  	v16 =	vor.u32 $0x1004, v0;
	_ =	sdelay $0x3  }
0x4a: {  	[tilespmem:$0x101A0] =	vst v17  }
0x4b: {  	v18 =	vld.idx.msk [tilespmem:v16+s2+$0x0], $0xffff  }
0x4c: {  	v17 =	vor.u32 $0x1005, v0;
	_ =	sdelay $0x3  }
0x4d: {  	[tilespmem:$0x10220] =	vst v18  }
0x4e: {  	v19 =	vld.idx.msk [tilespmem:v17+s2+$0x0], $0xffff  }
0x4f: {  	v18 =	vor.u32 $0x1800, v0;
	_ =	sdelay $0x3  }
0x50: {  	[tilespmem:$0x102A0] =	vst v19  }
0x51: {  	v20 =	vld.idx.msk [tilespmem:v18+s2+$0x0], $0xffff  }
0x52: {  	v19 =	vor.u32 $0x1801, v0;
	_ =	sdelay $0x3  }
0x53: {  	[tilespmem:$0x10030] =	vst v20  }
0x54: {  	v21 =	vld.idx.msk [tilespmem:v19+s2+$0x0], $0xffff  }
0x55: {  	v20 =	vor.u32 $0x1802, v0;
	_ =	sdelay $0x3  }
0x56: {  	[tilespmem:$0x100B0] =	vst v21  }
0x57: {  	v22 =	vld.idx.msk [tilespmem:v20+s2+$0x0], $0xffff  }
0x58: {  	v21 =	vor.u32 $0x1803, v0;
	_ =	sdelay $0x3  }
0x59: {  	[tilespmem:$0x10130] =	vst v22  }
0x5a: {  	v23 =	vld.idx.msk [tilespmem:v21+s2+$0x0], $0xffff  }
0x5b: {  	v22 =	vor.u32 $0x1804, v0;
	_ =	sdelay $0x3  }
0x5c: {  	[tilespmem:$0x101B0] =	vst v23  }
0x5d: {  	v24 =	vld.idx.msk [tilespmem:v22+s2+$0x0], $0xffff  }
0x5e: {  	v23 =	vor.u32 $0x1805, v0;
	_ =	sdelay $0x3  }
0x5f: {  	[tilespmem:$0x10230] =	vst v24  }
0x60: {  	v24 =	vld.idx.msk [tilespmem:v23+s2+$0x0], $0xffff;
	_ =	sdelay $0x4  }
0x61: {  	s20 =	simm.s32 $0x40;
	s21 =	simm.s32 $0x10000;
	s19 =	sadd.s32 $0x3AA00, s29;
	[tilespmem:$0x102B0] =	vst v24  }
0x62: {  	[hbm4b:s19+s20] =	stream.indirect.scatter [tilespmem:s18], [sflag:$0x2], $0x80, s21, s20, $0xb8;
	[tilespmem:$0x10400] =	vst v63  }
0x63: {  	s22 =	simm.s32 $0x10080  }
0x64: {  	[hbm4b:s19+s20] =	stream.indirect.scatter [tilespmem:s18], [sflag:$0x2], $0x80, s22, s20, $0xb8;
	[tilespmem:$0x10400] =	vst v63  }
0x65: {  	s23 =	simm.s32 $0x10100  }
0x66: {  	[hbm4b:s19+s20] =	stream.indirect.scatter [tilespmem:s18], [sflag:$0x2], $0x80, s23, s20, $0xb8;
	[tilespmem:$0x10400] =	vst v63  }
0x67: {  	s24 =	simm.s32 $0x10180  }
0x68: {  	[hbm4b:s19+s20] =	stream.indirect.scatter [tilespmem:s18], [sflag:$0x2], $0x80, s24, s20, $0xb8;
	[tilespmem:$0x10400] =	vst v63  }
0x69: {  	s25 =	simm.s32 $0x10200  }
0x6a: {  	[hbm4b:s19+s20] =	stream.indirect.scatter [tilespmem:s18], [sflag:$0x2], $0x80, s25, s20, $0xb8;
	[tilespmem:$0x10400] =	vst v63  }
0x6b: {  	s28 =	simm.s32 $0x1;
	s26 =	simm.s32 $0x10280  }
0x6c: {  	[hbm4b:s19+s20] =	stream.indirect.scatter [tilespmem:s18], [sflag:$0x2], $0x80, s26, s20, $0xb8;
	[tilespmem:$0x10400] =	vst v63  }
0x6d: {  	_ =	swait.ge [sflag:s28], $0x2000  }
0x6e: {  	[sflag:s28] =	ssyncset.done $0x0  }
0x6f: {  	[sflag:s28] =	ssyncadd.s32 $0xFFFFE000  }
0x70: {  	_ =	swait.ge [sflag:s28], $0x2000  }
0x71: {  	[sflag:s28] =	ssyncset.done $0x0  }
0x72: {  	[sflag:s28] =	ssyncadd.s32 $0xFFFFE000  }
0x73: {  	_ =	swait.ge [sflag:s28], $0x2000  }
0x74: {  	[sflag:s28] =	ssyncset.done $0x0  }
0x75: {  	[sflag:s28] =	ssyncadd.s32 $0xFFFFE000  }
0x76: {  	_ =	swait.ge [sflag:s28], $0x2000  }
0x77: {  	[sflag:s28] =	ssyncset.done $0x0  }
0x78: {  	[sflag:s28] =	ssyncadd.s32 $0xFFFFE000  }
0x79: {  	_ =	swait.ge [sflag:s28], $0x2000  }
0x7a: {  	[sflag:s28] =	ssyncset.done $0x0  }
0x7b: {  	[sflag:s28] =	ssyncadd.s32 $0xFFFFE000  }
0x7c: {  	_ =	swait.ge [sflag:s28], $0x2000  }
0x7d: {  	[sflag:s28] =	ssyncset.done $0x0  }
0x7e: {  	s29 =	sadd.s32 $0xBAA00, s29;
	[sflag:s28] =	ssyncadd.s32 $0xFFFFE000  }
0x7f: {  	[hbm4b:s29+s20] =	stream.indirect.scatter [tilespmem:s4], [sflag:$0x2], $0x80, s21, s20, $0xb8;
	[tilespmem:$0x10400] =	vst v63  }
0x80: {  	_ = 	snop  }
0x81: {  	[hbm4b:s29+s20] =	stream.indirect.scatter [tilespmem:s6], [sflag:$0x2], $0x80, s22, s20, $0xb8;
	[tilespmem:$0x10400] =	vst v63  }
0x82: {  	_ = 	snop  }
0x83: {  	[hbm4b:s29+s20] =	stream.indirect.scatter [tilespmem:s8], [sflag:$0x2], $0x80, s23, s20, $0xb8;
	[tilespmem:$0x10400] =	vst v63  }
0x84: {  	_ = 	snop  }
0x85: {  	[hbm4b:s29+s20] =	stream.indirect.scatter [tilespmem:s10], [sflag:$0x2], $0x80, s24, s20, $0xb8;
	[tilespmem:$0x10400] =	vst v63  }
0x86: {  	_ = 	snop  }
0x87: {  	[hbm4b:s29+s20] =	stream.indirect.scatter [tilespmem:s12], [sflag:$0x2], $0x80, s25, s20, $0xb8;
	[tilespmem:$0x10400] =	vst v63  }
0x88: {  	s30 =	simm.s32 $0x2  }
0x89: {  	[hbm4b:s29+s20] =	stream.indirect.scatter [tilespmem:s14], [sflag:$0x2], $0x80, s26, s20, $0xb8;
	[tilespmem:$0x10400] =	vst v63  }
0x8a: {  	_ =	swait.ge [sflag:s30], $0x2000  }
0x8b: {  	[sflag:s30] =	ssyncset.done $0x0  }
0x8c: {  	[sflag:s30] =	ssyncadd.s32 $0xFFFFE000  }
0x8d: {  	_ =	swait.ge [sflag:s30], $0x2000  }
0x8e: {  	[sflag:s30] =	ssyncset.done $0x0  }
0x8f: {  	[sflag:s30] =	ssyncadd.s32 $0xFFFFE000  }
0x90: {  	_ =	swait.ge [sflag:s30], $0x2000  }
0x91: {  	[sflag:s30] =	ssyncset.done $0x0  }
0x92: {  	[sflag:s30] =	ssyncadd.s32 $0xFFFFE000  }
0x93: {  	_ =	swait.ge [sflag:s30], $0x2000  }
0x94: {  	[sflag:s30] =	ssyncset.done $0x0  }
0x95: {  	[sflag:s30] =	ssyncadd.s32 $0xFFFFE000  }
0x96: {  	_ =	swait.ge [sflag:s30], $0x2000  }
0x97: {  	[sflag:s30] =	ssyncset.done $0x0  }
0x98: {  	[sflag:s30] =	ssyncadd.s32 $0xFFFFE000  }
0x99: {  	_ =	swait.ge [sflag:s30], $0x2000  }
0x9a: {  	[sflag:s30] =	ssyncset.done $0x0  }
0x9b: {  	[sflag:s30] =	ssyncadd.s32 $0xFFFFE000  }
0x9c: {  	_ =	swait.ge [sflag:s30], $0x2000  }
0x9d: {  	[sflag:s30] =	ssyncset.done $0x0  }
0x9e: {  	[sflag:s30] =	ssyncadd.s32 $0xFFFFE000  }
0x9f: {  	_ =	swait.ge [sflag:s30], $0x2000  }
0xa0: {  	[sflag:s30] =	ssyncset.done $0x0  }
0xa1: {  	[sflag:s30] =	ssyncadd.s32 $0xFFFFE000  }
0xa2: {  	_ =	swait.ge [sflag:s30], $0x2000  }
0xa3: {  	s31 =	ssub.s32 $0x2, s31;
	[sflag:s30] =	ssyncset.done $0x0  }
0xa4: {  	s0 =	sshrl.u32 s31, $0x1;
	[sflag:s30] =	ssyncadd.s32 $0xFFFFE000  }
0xa5: {  	s0 =	ssub.s32 s31, s0;
	_ =	swait.ge [sflag:s30], $0x2000  }
0xa6: {  	s0 =	smax.u32 s0, $0x1;
	[sflag:s30] =	ssyncset.done $0x0  }
0xa7: {  	p0 =	sne.s32 s0, $0x1;
	[sflag:s30] =	ssyncadd.s32 $0xFFFFE000  }
.Ltmp0:
0xa8: {  	_ =	swait.ge [sflag:s30], $0x2000;
	(pc) =	sbr.rel @!p0 .LBB2_2-.Ltmp0, $4  }
0xa9: {  	[sflag:s30] =	ssyncset.done $0x0  }
0xaa: {  	[sflag:s30] =	ssyncadd.s32 $0xFFFFE000  }
0xab: {  	_ =	swait.ge [sflag:s30], $0x2000  }
0xac: {  	s31 =	sadd.s32 $0xFFFFFFFF, s0;
	[sflag:s30] =	ssyncset.done $0x0  }
.LBB2_1:
0xad: {  	p0 =	sne.s32 s31, $0x1;
	s31 =	sadd.s32 $0xFFFFFFFF, s31;
	[sflag:s30] =	ssyncadd.s32 $0xFFFFE000  }
0xae: {  	[tilespmem:s4], [sflag:$0x1] =	stream.linear.gather [hbm4b:s3+s2], $0x2000, $0x38;
	[tilespmem:$0x10400] =	vst v63  }
0xaf: {  	_ = 	snop  }
0xb0: {  	[tilespmem:s6], [sflag:$0x1] =	stream.linear.gather [hbm4b:s5+s2], $0x2000, $0x38;
	[tilespmem:$0x10400] =	vst v63  }
0xb1: {  	_ = 	snop  }
0xb2: {  	[tilespmem:s8], [sflag:$0x1] =	stream.linear.gather [hbm4b:s7+s2], $0x2000, $0x38;
	[tilespmem:$0x10400] =	vst v63  }
0xb3: {  	_ = 	snop  }
0xb4: {  	[tilespmem:s10], [sflag:$0x1] =	stream.linear.gather [hbm4b:s9+s2], $0x2000, $0x38;
	[tilespmem:$0x10400] =	vst v63  }
0xb5: {  	_ = 	snop  }
0xb6: {  	[tilespmem:s12], [sflag:$0x1] =	stream.linear.gather [hbm4b:s11+s2], $0x2000, $0x38;
	[tilespmem:$0x10400] =	vst v63  }
0xb7: {  	_ = 	snop  }
0xb8: {  	[tilespmem:s14], [sflag:$0x1] =	stream.linear.gather [hbm4b:s13+s2], $0x2000, $0x38;
	[tilespmem:$0x10400] =	vst v63  }
0xb9: {  	_ = 	snop  }
0xba: {  	[tilespmem:s2], [sflag:$0x3] =	stream.linear.gather [hbm4b:s15+s2], $0x2000, $0x38;
	[tilespmem:$0x10400] =	vst v63  }
0xbb: {  	_ =	swait.ge [sflag:s16], $0x2000  }
0xbc: {  	[sflag:s16] =	ssyncset.done $0x0  }
0xbd: {  	[sflag:s16] =	ssyncadd.s32 $0xFFFFE000  }
0xbe: {  	[tilespmem:s18], [sflag:$0x3] =	stream.linear.gather [hbm4b:s17+s2], $0x2000, $0x38;
	[tilespmem:$0x10400] =	vst v63  }
0xbf: {  	_ =	swait.ge [sflag:s16], $0x2000  }
0xc0: {  	[sflag:s16] =	ssyncset.done $0x0  }
0xc1: {  	[sflag:s16] =	ssyncadd.s32 $0xFFFFE000  }
0xc2: {  	v24 =	vld.idx.msk [tilespmem:v0+s2+$0x0], $0xffff;
	_ =	sdelay $0x5  }
0xc3: {  	[tilespmem:$0x10000] =	vst v24  }
0xc4: {  	v24 =	vld.idx.msk [tilespmem:v1+s2+$0x0], $0xffff;
	_ =	sdelay $0x5  }
0xc5: {  	[tilespmem:$0x10080] =	vst v24  }
0xc6: {  	v24 =	vld.idx.msk [tilespmem:v2+s2+$0x0], $0xffff;
	_ =	sdelay $0x5  }
0xc7: {  	[tilespmem:$0x10100] =	vst v24  }
0xc8: {  	v24 =	vld.idx.msk [tilespmem:v3+s2+$0x0], $0xffff;
	_ =	sdelay $0x5  }
0xc9: {  	[tilespmem:$0x10180] =	vst v24  }
0xca: {  	v24 =	vld.idx.msk [tilespmem:v4+s2+$0x0], $0xffff;
	_ =	sdelay $0x5  }
0xcb: {  	[tilespmem:$0x10200] =	vst v24  }
0xcc: {  	v24 =	vld.idx.msk [tilespmem:v5+s2+$0x0], $0xffff;
	_ =	sdelay $0x5  }
0xcd: {  	[tilespmem:$0x10280] =	vst v24  }
0xce: {  	v24 =	vld.idx.msk [tilespmem:v6+s2+$0x0], $0xffff;
	_ =	sdelay $0x5  }
0xcf: {  	[tilespmem:$0x10010] =	vst v24  }
0xd0: {  	v24 =	vld.idx.msk [tilespmem:v7+s2+$0x0], $0xffff;
	_ =	sdelay $0x5  }
0xd1: {  	[tilespmem:$0x10090] =	vst v24  }
0xd2: {  	v24 =	vld.idx.msk [tilespmem:v8+s2+$0x0], $0xffff;
	_ =	sdelay $0x5  }
0xd3: {  	[tilespmem:$0x10110] =	vst v24  }
0xd4: {  	v24 =	vld.idx.msk [tilespmem:v9+s2+$0x0], $0xffff;
	_ =	sdelay $0x5  }
0xd5: {  	[tilespmem:$0x10190] =	vst v24  }
0xd6: {  	v24 =	vld.idx.msk [tilespmem:v10+s2+$0x0], $0xffff;
	_ =	sdelay $0x5  }
0xd7: {  	[tilespmem:$0x10210] =	vst v24  }
0xd8: {  	v24 =	vld.idx.msk [tilespmem:v11+s2+$0x0], $0xffff;
	_ =	sdelay $0x5  }
0xd9: {  	[tilespmem:$0x10290] =	vst v24  }
0xda: {  	v24 =	vld.idx.msk [tilespmem:v12+s2+$0x0], $0xffff;
	_ =	sdelay $0x5  }
0xdb: {  	[tilespmem:$0x10020] =	vst v24  }
0xdc: {  	v24 =	vld.idx.msk [tilespmem:v13+s2+$0x0], $0xffff;
	_ =	sdelay $0x5  }
0xdd: {  	[tilespmem:$0x100A0] =	vst v24  }
0xde: {  	v24 =	vld.idx.msk [tilespmem:v14+s2+$0x0], $0xffff;
	_ =	sdelay $0x5  }
0xdf: {  	[tilespmem:$0x10120] =	vst v24  }
0xe0: {  	v24 =	vld.idx.msk [tilespmem:v15+s2+$0x0], $0xffff;
	_ =	sdelay $0x5  }
0xe1: {  	[tilespmem:$0x101A0] =	vst v24  }
0xe2: {  	v24 =	vld.idx.msk [tilespmem:v16+s2+$0x0], $0xffff;
	_ =	sdelay $0x5  }
0xe3: {  	[tilespmem:$0x10220] =	vst v24  }
0xe4: {  	v24 =	vld.idx.msk [tilespmem:v17+s2+$0x0], $0xffff;
	_ =	sdelay $0x5  }
0xe5: {  	[tilespmem:$0x102A0] =	vst v24  }
0xe6: {  	v24 =	vld.idx.msk [tilespmem:v18+s2+$0x0], $0xffff;
	_ =	sdelay $0x5  }
0xe7: {  	[tilespmem:$0x10030] =	vst v24  }
0xe8: {  	v24 =	vld.idx.msk [tilespmem:v19+s2+$0x0], $0xffff;
	_ =	sdelay $0x5  }
0xe9: {  	[tilespmem:$0x100B0] =	vst v24  }
0xea: {  	v24 =	vld.idx.msk [tilespmem:v20+s2+$0x0], $0xffff;
	_ =	sdelay $0x5  }
0xeb: {  	[tilespmem:$0x10130] =	vst v24  }
0xec: {  	v24 =	vld.idx.msk [tilespmem:v21+s2+$0x0], $0xffff;
	_ =	sdelay $0x5  }
0xed: {  	[tilespmem:$0x101B0] =	vst v24  }
0xee: {  	v24 =	vld.idx.msk [tilespmem:v22+s2+$0x0], $0xffff;
	_ =	sdelay $0x5  }
0xef: {  	[tilespmem:$0x10230] =	vst v24  }
0xf0: {  	v24 =	vld.idx.msk [tilespmem:v23+s2+$0x0], $0xffff;
	_ =	sdelay $0x5  }
0xf1: {  	[tilespmem:$0x102B0] =	vst v24  }
0xf2: {  	[hbm4b:s19+s20] =	stream.indirect.scatter [tilespmem:s18], [sflag:$0x2], $0x80, s21, s20, $0xb8;
	[tilespmem:$0x10400] =	vst v63  }
0xf3: {  	_ = 	snop  }
0xf4: {  	[hbm4b:s19+s20] =	stream.indirect.scatter [tilespmem:s18], [sflag:$0x2], $0x80, s22, s20, $0xb8;
	[tilespmem:$0x10400] =	vst v63  }
0xf5: {  	_ = 	snop  }
0xf6: {  	[hbm4b:s19+s20] =	stream.indirect.scatter [tilespmem:s18], [sflag:$0x2], $0x80, s23, s20, $0xb8;
	[tilespmem:$0x10400] =	vst v63  }
0xf7: {  	_ = 	snop  }
0xf8: {  	[hbm4b:s19+s20] =	stream.indirect.scatter [tilespmem:s18], [sflag:$0x2], $0x80, s24, s20, $0xb8;
	[tilespmem:$0x10400] =	vst v63  }
0xf9: {  	_ = 	snop  }
0xfa: {  	[hbm4b:s19+s20] =	stream.indirect.scatter [tilespmem:s18], [sflag:$0x2], $0x80, s25, s20, $0xb8;
	[tilespmem:$0x10400] =	vst v63  }
0xfb: {  	_ = 	snop  }
0xfc: {  	[hbm4b:s19+s20] =	stream.indirect.scatter [tilespmem:s18], [sflag:$0x2], $0x80, s26, s20, $0xb8;
	[tilespmem:$0x10400] =	vst v63  }
0xfd: {  	_ =	swait.ge [sflag:s28], $0x2000  }
0xfe: {  	[sflag:s28] =	ssyncset.done $0x0  }
0xff: {  	[sflag:s28] =	ssyncadd.s32 $0xFFFFE000  }
0x100: {  	_ =	swait.ge [sflag:s28], $0x2000  }
0x101: {  	[sflag:s28] =	ssyncset.done $0x0  }
0x102: {  	[sflag:s28] =	ssyncadd.s32 $0xFFFFE000  }
0x103: {  	_ =	swait.ge [sflag:s28], $0x2000  }
0x104: {  	[sflag:s28] =	ssyncset.done $0x0  }
0x105: {  	[sflag:s28] =	ssyncadd.s32 $0xFFFFE000  }
0x106: {  	_ =	swait.ge [sflag:s28], $0x2000  }
0x107: {  	[sflag:s28] =	ssyncset.done $0x0  }
0x108: {  	[sflag:s28] =	ssyncadd.s32 $0xFFFFE000  }
0x109: {  	_ =	swait.ge [sflag:s28], $0x2000  }
0x10a: {  	[sflag:s28] =	ssyncset.done $0x0  }
0x10b: {  	[sflag:s28] =	ssyncadd.s32 $0xFFFFE000  }
0x10c: {  	_ =	swait.ge [sflag:s28], $0x2000  }
0x10d: {  	[sflag:s28] =	ssyncset.done $0x0  }
0x10e: {  	[sflag:s28] =	ssyncadd.s32 $0xFFFFE000  }
0x10f: {  	[hbm4b:s29+s20] =	stream.indirect.scatter [tilespmem:s4], [sflag:$0x2], $0x80, s21, s20, $0xb8;
	[tilespmem:$0x10400] =	vst v63  }
0x110: {  	_ = 	snop  }
0x111: {  	[hbm4b:s29+s20] =	stream.indirect.scatter [tilespmem:s6], [sflag:$0x2], $0x80, s22, s20, $0xb8;
	[tilespmem:$0x10400] =	vst v63  }
0x112: {  	_ = 	snop  }
0x113: {  	[hbm4b:s29+s20] =	stream.indirect.scatter [tilespmem:s8], [sflag:$0x2], $0x80, s23, s20, $0xb8;
	[tilespmem:$0x10400] =	vst v63  }
0x114: {  	_ = 	snop  }
0x115: {  	[hbm4b:s29+s20] =	stream.indirect.scatter [tilespmem:s10], [sflag:$0x2], $0x80, s24, s20, $0xb8;
	[tilespmem:$0x10400] =	vst v63  }
0x116: {  	_ = 	snop  }
0x117: {  	[hbm4b:s29+s20] =	stream.indirect.scatter [tilespmem:s12], [sflag:$0x2], $0x80, s25, s20, $0xb8;
	[tilespmem:$0x10400] =	vst v63  }
0x118: {  	_ = 	snop  }
0x119: {  	[hbm4b:s29+s20] =	stream.indirect.scatter [tilespmem:s14], [sflag:$0x2], $0x80, s26, s20, $0xb8;
	[tilespmem:$0x10400] =	vst v63  }
0x11a: {  	_ =	swait.ge [sflag:s30], $0x2000  }
0x11b: {  	[sflag:s30] =	ssyncset.done $0x0  }
0x11c: {  	[sflag:s30] =	ssyncadd.s32 $0xFFFFE000  }
0x11d: {  	_ =	swait.ge [sflag:s30], $0x2000  }
0x11e: {  	[sflag:s30] =	ssyncset.done $0x0  }
0x11f: {  	[sflag:s30] =	ssyncadd.s32 $0xFFFFE000  }
0x120: {  	_ =	swait.ge [sflag:s30], $0x2000  }
0x121: {  	[sflag:s30] =	ssyncset.done $0x0  }
0x122: {  	[sflag:s30] =	ssyncadd.s32 $0xFFFFE000  }
0x123: {  	_ =	swait.ge [sflag:s30], $0x2000  }
0x124: {  	[sflag:s30] =	ssyncset.done $0x0  }
0x125: {  	[sflag:s30] =	ssyncadd.s32 $0xFFFFE000  }
0x126: {  	_ =	swait.ge [sflag:s30], $0x2000  }
0x127: {  	[sflag:s30] =	ssyncset.done $0x0  }
0x128: {  	[sflag:s30] =	ssyncadd.s32 $0xFFFFE000  }
0x129: {  	_ =	swait.ge [sflag:s30], $0x2000  }
0x12a: {  	[sflag:s30] =	ssyncset.done $0x0  }
0x12b: {  	[sflag:s30] =	ssyncadd.s32 $0xFFFFE000  }
0x12c: {  	_ =	swait.ge [sflag:s30], $0x2000  }
0x12d: {  	[sflag:s30] =	ssyncset.done $0x0  }
0x12e: {  	[sflag:s30] =	ssyncadd.s32 $0xFFFFE000  }
0x12f: {  	_ =	swait.ge [sflag:s30], $0x2000  }
0x130: {  	[sflag:s30] =	ssyncset.done $0x0  }
0x131: {  	[sflag:s30] =	ssyncadd.s32 $0xFFFFE000  }
0x132: {  	_ =	swait.ge [sflag:s30], $0x2000  }
0x133: {  	[sflag:s30] =	ssyncset.done $0x0  }
0x134: {  	[sflag:s30] =	ssyncadd.s32 $0xFFFFE000  }
0x135: {  	_ =	swait.ge [sflag:s30], $0x2000  }
0x136: {  	[sflag:s30] =	ssyncset.done $0x0  }
0x137: {  	[sflag:s30] =	ssyncadd.s32 $0xFFFFE000  }
.Ltmp1:
0x138: {  	_ =	swait.ge [sflag:s30], $0x2000;
	(pc) =	sbr.rel @p0 .LBB2_1-.Ltmp1, $4  }
0x139: {  	[sflag:s30] =	ssyncset.done $0x0  }
0x13a: {  	[sflag:s30] =	ssyncadd.s32 $0xFFFFE000  }
0x13b: {  	_ =	swait.ge [sflag:s30], $0x2000  }
0x13c: {  	[sflag:s30] =	ssyncset.done $0x0  }
.LBB2_2:
0x13d: {  	[sflag:s30] =	ssyncadd.s32 $0xFFFFE000  }
0x13e: {  	_ =	sfence.sel $0x180000  }
0x13f: {  	[bflag:$0x0] =	sbarrier.arrive $0xFFFF  }
0x140: {  	_ =	strace $0x90000047  }
0x141: {  	[bflag:$0x2] =	sbarrier.arrive $0xFFFF  }
0x142: {  	p0 =	sne.s32 s1, $0x0;
	s0 =	rddreg [dreg:$0x3]  }
0x143: {  	s0 =	sadd.s32 @!p0 $0x100000, s0  }
0x144: {  	[sflag:s0] =	ssyncadd.tile.s32 @!p0 $0x1;
	_ =	shalt  }
.Lfunc_end2:
_tile_overlayer_lowered:
.L_overlay_start_2:
0x145: {  	(tag) =	ssettag $0x2  }
0x146: {  	s0 =	rddreg [dreg:$0x0];
	s2 =	stileid.u32  }
0x147: {  	s1 =	rddreg [dreg:$0x1];
	p0 =	sne.s32 s2, $0x0  }
0x148: {  	s3 =	rddreg [dreg:$0x2];
	[bflag:$0x3] =	sbarrier.arrive $0xFFFF;
	s2 =	simm.s32 @!p0 $0x1C03  }
0x149: {  	[timem:s3], [sflag:s2] =	dma.local @!p0 [hbm:s0], s1  }
0x14a: {  	s0 =	simm.s32 @!p0 $0x3  }
0x14b: {  	_ =	swait.ge @!p0 [sflag:s0], s1  }
0x14c: {  	s1 =	ssub.s32 @!p0 $0x0, s1;
	[sflag:s0] =	ssyncset.done @!p0 $0x0  }
0x14d: {  	[sflag:s0] =	ssyncadd.s32 @!p0 s1  }
0x14e: {  	[bflag:$0x3] =	sbarrier.arrive $0xFFFF  }
0x14f: {  	_ =	shalt  }

// kernel: kernel.9.cloned.1.call-start
scs
__scs_entry_jumppad:
0x0: {  	(pc) =	sbr.rel $0x88, $3  }
0x1: {  	(tag) =	ssettag $0x0;
	lr =	simm.s32 $0x1  }
0x2: {  	[smem:$0x3F98] =	sst lr;
	_ =	strace $0xD0000000  }
0x3: {  	_ = 	snop  }
0x4: {  	_ = 	snop  }
0x5: {  	_ = 	snop  }
0x6: {  	_ = 	snop  }
0x7: {  	_ = 	snop  }
__scs_overlays_trampoline_lowered:
0x8: {  	[smem:$0x3FA7] =	sst s0  }
0x9: {  	[smem:$0x3FA8] =	sst s1  }
0xa: {  	[smem:$0x3FA9] =	sst s2  }
0xb: {  	[smem:$0x3FAA] =	sst s3  }
0xc: {  	[smem:$0x3FAB] =	sst s4  }
0xd: {  	[smem:$0x3FAC] =	sst s5  }
0xe: {  	[smem:$0x3FAD] =	sst s6  }
0xf: {  	[smem:$0x3FAE] =	sst s7  }
0x10: {  	[smem:$0x3FAF] =	sst s8  }
0x11: {  	[smem:$0x3FB0] =	sst s9;
	s0 =	simm.s32 @!p0 $0x0  }
0x12: {  	s1 =	sld [smem:$0x3F96];
	s0 =	simm.s32 @p0 $0x1  }
0x13: {  	[smem:$0x3FB1] =	sst s0;
	s0 =	simm.s32 @!p1 $0x0  }
0x14: {  	s2 =	sld [smem:$0x3F95];
	s0 =	simm.s32 @p1 $0x1  }
0x15: {  	[smem:$0x3FB2] =	sst s0;
	s0 =	simm.s32 @!p2 $0x0  }
0x16: {  	s3 =	sld [smem:$0x3FDB];
	s0 =	simm.s32 @p2 $0x1  }
0x17: {  	s4 =	simm.s32 $0x1BF5;
	[smem:$0x3FB4] =	sst s0  }
0x18: {  	s0 =	sld [smem:$0x3F97];
	_ =	swait.ge [sflag:s4], $0x0  }
0x19: {  	s7 =	sld [smem:$0x3F98]  }
0x1a: {  	s8 =	sadd.s32 $0xFFFFE003, lr  }
0x1b: {  	s9 =	sadd.s32 $0xFFFFFEF7, lr;
	s5 =	simm.s32 $0xFFFFFFFF;
	p2 =	slt.u32 s8, $0xFFFFF086  }
0x1c: {  	p1 =	slt.u32 s9, $0xF7A;
	s5 =	simm.s32 @!p2 $0x0  }
0x1d: {  	s5 =	simm.s32 @p1 $0x1;
	p0 =	seq.s32 s7, s2  }
0x1e: {  	s7 =	smul.u32 @!p0 $0xF7A, s2;
	p2 =	seq.s32 @!p0 s5, $0x0  }
0x1f: {  	s9 =	smul.u32 $0xF7A, s1;
	s8 =	simm.s32 @!p0 $0x1BF5;
	p2 =	por !p2, p0  }
0x20: {  	[sflag:s8] =	ssyncset.s32 @!p0 $0xFFFFF086;
	s6 =	sadd.s32 @!p0 s3, s7;
	s7 =	simm.s32 @!p0 $0x108  }
0x21: {  	s3 =	sadd.s32 s3, s9;
	s6 =	sadd.s32 @!p0 $0x88, s6;
	s7 =	simm.s32 @p2 $0x1082  }
0x22: {  	[simem:s7], [sflag:s8] =	dma.local @!p0 [hbm:s6], $0xF7A  }
0x23: {  	s9 =	sor.u32 $0xD0000000, s2;
	s6 =	simm.s32 $0x108;
	_ =	swait.ge @!p0 [sflag:s8], $0x0  }
0x24: {  	s3 =	sadd.s32 $0x88, s3;
	s6 =	simm.s32 @!p1 $0x1082;
	[sflag:s4] =	ssyncset.s32 $0xFFFFF086  }
0x25: {  	[simem:s6], [sflag:s4] =	dma.local [hbm:s3], $0xF7A  }
0x26: {  	[smem:$0x3F98] =	sst s1;
	(tag) =	ssettag s2;
	_ =	strace s9  }
0x27: {  	s1 =	sld [smem:$0x3FA8]  }
0x28: {  	s2 =	sld [smem:$0x3FA9]  }
0x29: {  	s4 =	sld [smem:$0x3FAB]  }
0x2a: {  	p0 =	seq.s32 s5, $0x0;
	s5 =	sld [smem:$0x3FAC]  }
0x2b: {  	s6 =	sld [smem:$0x3FAD]  }
0x2c: {  	s7 =	sld [smem:$0x3FAE]  }
0x2d: {  	s3 =	simm.s32 $0x108;
	s8 =	sld [smem:$0x3FAF]  }
0x2e: {  	s3 =	simm.s32 @!p0 $0x1082;
	s9 =	sld [smem:$0x3FB0]  }
0x2f: {  	lr =	sadd.s32 s0, s3;
	s0 =	sld [smem:$0x3FA7]  }
0x30: {  	s3 =	sld [smem:$0x3FAA]  }
0x31: {  	[smem:$0x3FB3] =	sst s10  }
0x32: {  	s10 =	sld [smem:$0x3FB1];
	_ =	sdelay $0x3  }
0x33: {  	p0 =	seq.s32 s10, $0x1;
	s10 =	sld [smem:$0x3FB3];
	_ =	sdelay $0x3  }
0x34: {  	[smem:$0x3FB3] =	sst s10  }
0x35: {  	s10 =	sld [smem:$0x3FB2];
	_ =	sdelay $0x3  }
0x36: {  	p1 =	seq.s32 s10, $0x1;
	s10 =	sld [smem:$0x3FB3];
	_ =	sdelay $0x3  }
0x37: {  	[smem:$0x3FB3] =	sst s10  }
0x38: {  	s10 =	sld [smem:$0x3FB4]  }
0x39: {  	_ = 	snop;
	(pc) =	sbr.ind lr, $3  }
0x3a: {  	_ = 	snop  }
0x3b: {  	_ = 	snop  }
0x3c: {  	p2 =	seq.s32 s10, $0x1;
	s10 =	sld [smem:$0x3FB3]  }
0x3d: {  	_ =	shalt  }
0x3e: {  	_ =	shalt  }
0x3f: {  	_ =	shalt  }
0x40: {  	_ =	shalt  }
0x41: {  	_ =	shalt  }
0x42: {  	_ =	shalt  }
0x43: {  	_ =	shalt  }
0x44: {  	_ =	shalt  }
0x45: {  	_ =	shalt  }
0x46: {  	_ =	shalt  }
0x47: {  	_ =	shalt  }
0x48: {  	_ =	shalt  }
0x49: {  	_ =	shalt  }
0x4a: {  	_ =	shalt  }
0x4b: {  	_ =	shalt  }
0x4c: {  	_ =	shalt  }
0x4d: {  	_ =	shalt  }
0x4e: {  	_ =	shalt  }
0x4f: {  	_ =	shalt  }
0x50: {  	_ =	shalt  }
0x51: {  	_ =	shalt  }
0x52: {  	_ =	shalt  }
0x53: {  	_ =	shalt  }
0x54: {  	_ =	shalt  }
0x55: {  	_ =	shalt  }
0x56: {  	_ =	shalt  }
0x57: {  	_ =	shalt  }
0x58: {  	_ =	shalt  }
0x59: {  	_ =	shalt  }
0x5a: {  	_ =	shalt  }
0x5b: {  	_ =	shalt  }
0x5c: {  	_ =	shalt  }
0x5d: {  	_ =	shalt  }
0x5e: {  	_ =	shalt  }
0x5f: {  	_ =	shalt  }
0x60: {  	_ =	shalt  }
0x61: {  	_ =	shalt  }
0x62: {  	_ =	shalt  }
0x63: {  	_ =	shalt  }
0x64: {  	_ =	shalt  }
0x65: {  	_ =	shalt  }
0x66: {  	_ =	shalt  }
0x67: {  	_ =	shalt  }
0x68: {  	_ =	shalt  }
0x69: {  	_ =	shalt  }
0x6a: {  	_ =	shalt  }
0x6b: {  	_ =	shalt  }
0x6c: {  	_ =	shalt  }
0x6d: {  	_ =	shalt  }
0x6e: {  	_ =	shalt  }
0x6f: {  	_ =	shalt  }
0x70: {  	_ =	shalt  }
0x71: {  	_ =	shalt  }
0x72: {  	_ =	shalt  }
0x73: {  	_ =	shalt  }
0x74: {  	_ =	shalt  }
0x75: {  	_ =	shalt  }
0x76: {  	_ =	shalt  }
0x77: {  	_ =	shalt  }
0x78: {  	_ =	shalt  }
0x79: {  	_ =	shalt  }
0x7a: {  	_ =	shalt  }
0x7b: {  	_ =	shalt  }
0x7c: {  	_ =	shalt  }
0x7d: {  	_ =	shalt  }
0x7e: {  	_ =	shalt  }
0x7f: {  	_ =	shalt  }
0x80: {  	_ =	shalt  }
0x81: {  	_ =	shalt  }
0x82: {  	_ =	shalt  }
0x83: {  	_ =	shalt  }
0x84: {  	_ =	shalt  }
0x85: {  	_ =	shalt  }
0x86: {  	_ =	shalt  }
0x87: {  	_ =	shalt  }
.Lfunc_end0:
.L_simem_size_0:
called_computation.1_lowered:
.L_overlay_start_0:
0x88: {  	s2 =	sld [smem:$0x3FD9]  }
0x89: {  	s3 =	sld [smem:$0x3FFE];
	_ =	sdelay $0x1  }
0x8a: {  	s1 =	srdreg.scid  }
0x8b: {  	s0 =	sand.u32 $0x1, s1  }
0x8c: {  	s14 =	sshll.u32 s0, $0xA;
	s2 =	sadd.s32 s3, s2  }
0x8d: {  	s2 =	sadd.s32 s2, s14  }
0x8e: {  	[smem:$0x3FBF] =	sst s2  }
0x8f: {  	_ = 	snop  }
0x90: {  	s2 =	sld [smem:$0x3FD0];
	_ =	sdelay $0x2  }
0x91: {  	s15 =	simm.s32 $0xA;
	s4 =	simm.s32 $0x10  }
0x92: {  	[smem:s4], [sflag:s15] =	dma.local [hbm:s2], $0x1  }
0x93: {  	_ =	swait.eq [sflag:s15], $0x1  }
0x94: {  	[sflag:s15] =	ssyncset.done $0x0  }
0x95: {  	[sflag:s15] =	ssyncadd.s32 $0xFFFFFFFF  }
0x96: {  	s16 =	sld [smem:$0x10];
	(tm) =	ssettm $0x1  }
0x97: {  	s17 =	sld [smem:$0x3FFB];
	_ =	sdelay $0x3  }
0x98: {  	_ =	strace s17  }
0x99: {  	s3 =	sld [smem:$0x3FFC];
	_ =	sdelay $0x3  }
0x9a: {  	_ =	strace s3  }
0x9b: {  	s3 =	sld [smem:$0x3FFD];
	_ =	sdelay $0x3  }
0x9c: {  	_ =	strace s3  }
0x9d: {  	_ =	strace $0x8FFFFFFF  }
0x9e: {  	s18 =	sld [smem:$0x3FDB];
	_ =	sdelay $0x1  }
0x9f: {  	s19 =	simm.s32 $_scs_section_size  }
0xa0: {  	s5 =	simm.s32 $_size__tile_overlayer_lowered;
	s6 =	simm.s32 $_tile_overlayer_lowered  }
0xa1: {  	s22 =	simm.s32 $0x1BFF;
	s21 =	sshll.u32 s6, $0x1;
	s3 =	sadd.s32 s19, s18  }
0xa2: {  	s7 =	simm.s32 $0x0;
	s20 =	sshll.u32 s5, $0x1;
	s5 =	sadd.s32 s21, s3  }
0xa3: {  	[timem:s7], [sflag:s22] =	dma.local [hbm:s5], s20  }
0xa4: {  	_ =	swait.ge [sflag:s22], s20  }
0xa5: {  	s4 =	ssub.s32 $0x0, s20;
	[sflag:s22] =	ssyncset.done $0x0  }
0xa6: {  	[sflag:s22] =	ssyncadd.s32 s4;
	_ =	sdelay $0x1  }
0xa7: {  	s23 =	simm.s32 $0x1B8B  }
0xa8: {  	_ =	swait.ge [sflag:s23], $0x1  }
0xa9: {  	[sflag:s23] =	ssyncset.done $0x0  }
0xaa: {  	s25 =	simm.s32 $0x1B8E;
	s24 =	sld [smem:$0x3FFE];
	[sflag:s23] =	ssyncadd.s32 $0xFFFFFFFF  }
0xab: {  	s26 =	simm.s32 $execute0_lowered;
	[smem:$0x3FD2] =	sst s25  }
0xac: {  	s5 =	sshll.u32 s26, $0x1;
	_ =	strace $0x80000049;
	[dreg:$0x1] =	wrdreg $0xFFFFFFFF  }
0xad: {  	s28 =	simm.s32 $_size_execute0_lowered;
	s3 =	sadd.s32 s3, s5;
	[dreg:$0x0] =	wrdreg $0x0  }
0xae: {  	s5 =	sshll.u32 s28, $0x1;
	[dreg:$0x2] =	wrdreg s3  }
0xaf: {  	[dreg:$0x3] =	wrdreg s5  }
0xb0: {  	[dreg:$0x4] =	wrdreg $0xC0  }
0xb1: {  	_ =	task [dreg:s7], $0x5FFFF  }
0xb2: {  	[dreg:$0x1] =	wrdreg $0xFFFFFFFF  }
0xb3: {  	[dreg:$0x0] =	wrdreg $0x60  }
0xb4: {  	[dreg:$0x2] =	wrdreg s24  }
0xb5: {  	[dreg:$0x3] =	wrdreg s16  }
0xb6: {  	[dreg:$0x4] =	wrdreg $0x9  }
0xb7: {  	_ =	task.clear_ibuf [dreg:s7], $0x5FFFF;
	_ =	strace $0x90000049  }
0xb8: {  	s29 =	simm.s32 $0x9;
	_ =	strace $0x8000004B  }
0xb9: {  	_ =	swait.ge [sflag:s29], $0x1  }
0xba: {  	[sflag:s29] =	ssyncadd.s32 $0xFFFFFFFF  }
0xbb: {  	_ =	strace $0x9000004B  }
0xbc: {  	_ =	sfence  }
0xbd: {  	s30 =	sld [smem:$0x0];
	_ =	sdelay $0x2  }
0xbe: {  	s31 =	sshll.u32 s1, $0xD;
	s1 =	sshrl.u32 s1, $0x2  }
0xbf: {  	s3 =	sand.u32 $0x4000, s31;
	s1 =	sadd.s32 s1, s30  }
0xc0: {  	s0 =	sor.u32 s3, s0;
	s1 =	sshll.u32 s1, $0x11  }
0xc1: {  	s0 =	sor.u32 s1, s0  }
0xc2: {  	s0 =	sadd.s32 $0x8F2B, s0  }
0xc3: {  	[sflag:s0] =	ssyncadd.remote.s32 $0x1  }
0xc4: {  	_ =	sfence.sel $0xFFFF  }
0xc5: {  	[dreg:$0x0] =	wrdreg $0xFFFFFFFF;
	(pc) =	sbr.abs _section_cstart, $3  }
0xc6: {  	[dreg:$0x1] =	wrdreg $0xFFFFFFFF  }
0xc7: {  	_ =	task.clear_ibuf [dreg:s7], $0x2FFFF;
	_ =	strace $0x9FFFFFFF  }
0xc8: {  	(tm) =	ssettm $0x7FFFFFFF  }
0xc9: {  	_ =	shalt  }
tec
execute0_lowered:
.L_overlay_start_1:
0x0: {  	(tag) =	ssettag $0x1  }
0x1: {  	s3 =	rddreg [dreg:$0x0]  }
0x2: {  	s6 =	rddreg [dreg:$0x1]  }
0x3: {  	s0 =	rddreg [dreg:$0x2];
	s4 =	srdreg.scid;
	v0 =	vlaneseq.u32  }
0x4: {  	s2 =	simm.s32 $0x0;
	s1 =	stileid.u32;
	s9 =	simm.s32 $0x3;
	v0 =	vmul.u32 $0x80, v0  }
0x5: {  	s10 =	simm.s32 $0x80;
	s11 =	simm.s32 $0x2000;
	s12 =	simm.s32 $0x2200  }
0x6: {  	s13 =	simm.s32 $0x2080;
	s14 =	simm.s32 $0x6200;
	s15 =	simm.s32 $0x2100;
	v1 =	vor.u32 $0x800, v0;
	v2 =	vor.u32 $0x1000, v0  }
0x7: {  	s16 =	simm.s32 $0xA200;
	s17 =	simm.s32 $0x1;
	s18 =	simm.s32 $0x2;
	v3 =	vor.u32 $0x1800, v0;
	v4 =	vor.u32 $0x1, v0;
	v5 =	vor.u32 $0x801, v0  }
0x8: {  	s19 =	simm.s32 $0x10200;
	s20 =	simm.s32 $0x0;
	s4 =	sand.u32 $0x1, s4;
	v6 =	vor.u32 $0x1001, v0;
	v7 =	vor.u32 $0x1801, v0;
	v8 =	vor.u32 $0x2, v0  }
0x9: {  	[smem:$0x7FF] =	sst s2;
	s5 =	sshll.u32 s1, $0xB;
	s7 =	sshll.u32 s4, $0xA;
	v9 =	vor.u32 $0x802, v0;
	v10 =	vor.u32 $0x1002, v0;
	v11 =	vor.u32 $0x1802, v0  }
0xa: {  	_ =	strace $0x8000004A;
	s4 =	ssub.s32 $0x2, s4;
	s7 =	sor.u32 s7, s5;
	v12 =	vor.u32 $0x3, v0;
	v13 =	vor.u32 $0x803, v0;
	v14 =	vor.u32 $0x1003, v0  }
0xb: {  	s8 =	sshrl.u32 s4, $0x1;
	v15 =	vor.u32 $0x1803, v0;
	v16 =	vor.u32 $0x4, v0;
	v17 =	vor.u32 $0x804, v0;
	s5 =	sadd.s32 s7, s3;
	s3 =	sadd.s32 $0x3AA00, s3  }
0xc: {  	v18 =	vor.u32 $0x1004, v0;
	v19 =	vor.u32 $0x1804, v0;
	v20 =	vor.u32 $0x5, v0;
	s8 =	ssub.s32 s4, s8;
	s6 =	sadd.s32 s6, s7;
	s4 =	sadd.s32 $0x32A00, s5  }
0xd: {  	v21 =	vor.u32 $0x805, v0;
	v22 =	vor.u32 $0x1005, v0;
	v23 =	vor.u32 $0x1805, v0;
	s5 =	sadd.s32 $0x2A00, s5;
	s7 =	smax.u32 s8, $0x1;
	s8 =	simm.s32 $0xE200  }
.LBB2_1:
0xe: {  	[tilespmem:s8], [sflag:$0x1] =	stream.linear.gather [hbm4b:s4+s2], $0x2000, $0x38;
	[tilespmem:$0x12200] =	vst v63  }
0xf: {  	_ = 	snop  }
0x10: {  	[tilespmem:s2], [sflag:$0x3] =	stream.linear.gather [hbm4b:s5+s2], $0x2000, $0x38;
	[tilespmem:$0x12200] =	vst v63  }
0x11: {  	_ =	swait.ge [sflag:s9], $0x2000  }
0x12: {  	[sflag:s9] =	ssyncset.done $0x0  }
0x13: {  	[sflag:s9] =	ssyncadd.s32 $0xFFFFE000  }
0x14: {  	v24 =	vld.idx.msk [tilespmem:v0+s2+$0x0], $0xffff;
	_ =	sdelay $0x4  }
0x15: {  	[tilespmem:$0x2000] =	vst v24  }
0x16: {  	v24 =	vld.idx.msk [tilespmem:v1+s2+$0x0], $0xffff;
	_ =	sdelay $0x4  }
0x17: {  	[tilespmem:$0x2010] =	vst v24  }
0x18: {  	v24 =	vld.idx.msk [tilespmem:v2+s2+$0x0], $0xffff;
	_ =	sdelay $0x4  }
0x19: {  	[tilespmem:$0x2020] =	vst v24  }
0x1a: {  	v24 =	vld.idx.msk [tilespmem:v3+s2+$0x0], $0xffff;
	_ =	sdelay $0x4  }
0x1b: {  	[tilespmem:$0x2030] =	vst v24  }
0x1c: {  	v24 =	vld.idx.msk [tilespmem:v4+s2+$0x0], $0xffff;
	_ =	sdelay $0x4  }
0x1d: {  	[tilespmem:$0x2040] =	vst v24  }
0x1e: {  	v24 =	vld.idx.msk [tilespmem:v5+s2+$0x0], $0xffff;
	_ =	sdelay $0x4  }
0x1f: {  	[tilespmem:$0x2050] =	vst v24  }
0x20: {  	v24 =	vld.idx.msk [tilespmem:v6+s2+$0x0], $0xffff;
	_ =	sdelay $0x4  }
0x21: {  	[tilespmem:$0x2060] =	vst v24  }
0x22: {  	v24 =	vld.idx.msk [tilespmem:v7+s2+$0x0], $0xffff;
	_ =	sdelay $0x4  }
0x23: {  	[tilespmem:$0x2070] =	vst v24  }
0x24: {  	v24 =	vld.idx.msk [tilespmem:v8+s2+$0x0], $0xffff;
	_ =	sdelay $0x4  }
0x25: {  	[tilespmem:$0x2080] =	vst v24  }
0x26: {  	v24 =	vld.idx.msk [tilespmem:v9+s2+$0x0], $0xffff;
	_ =	sdelay $0x4  }
0x27: {  	[tilespmem:$0x2090] =	vst v24  }
0x28: {  	v24 =	vld.idx.msk [tilespmem:v10+s2+$0x0], $0xffff;
	_ =	sdelay $0x4  }
0x29: {  	[tilespmem:$0x20A0] =	vst v24  }
0x2a: {  	v24 =	vld.idx.msk [tilespmem:v11+s2+$0x0], $0xffff;
	_ =	sdelay $0x4  }
0x2b: {  	[tilespmem:$0x20B0] =	vst v24  }
0x2c: {  	v24 =	vld.idx.msk [tilespmem:v12+s2+$0x0], $0xffff;
	_ =	sdelay $0x4  }
0x2d: {  	[tilespmem:$0x20C0] =	vst v24  }
0x2e: {  	v24 =	vld.idx.msk [tilespmem:v13+s2+$0x0], $0xffff;
	_ =	sdelay $0x4  }
0x2f: {  	[tilespmem:$0x20D0] =	vst v24  }
0x30: {  	v24 =	vld.idx.msk [tilespmem:v14+s2+$0x0], $0xffff;
	_ =	sdelay $0x4  }
0x31: {  	[tilespmem:$0x20E0] =	vst v24  }
0x32: {  	v24 =	vld.idx.msk [tilespmem:v15+s2+$0x0], $0xffff;
	_ =	sdelay $0x4  }
0x33: {  	[tilespmem:$0x20F0] =	vst v24  }
0x34: {  	v24 =	vld.idx.msk [tilespmem:v16+s2+$0x0], $0xffff;
	_ =	sdelay $0x4  }
0x35: {  	[tilespmem:$0x2100] =	vst v24  }
0x36: {  	v24 =	vld.idx.msk [tilespmem:v17+s2+$0x0], $0xffff;
	_ =	sdelay $0x4  }
0x37: {  	[tilespmem:$0x2110] =	vst v24  }
0x38: {  	v24 =	vld.idx.msk [tilespmem:v18+s2+$0x0], $0xffff;
	_ =	sdelay $0x4  }
0x39: {  	[tilespmem:$0x2120] =	vst v24  }
0x3a: {  	v24 =	vld.idx.msk [tilespmem:v19+s2+$0x0], $0xffff;
	_ =	sdelay $0x4  }
0x3b: {  	[tilespmem:$0x2130] =	vst v24  }
0x3c: {  	v24 =	vld.idx.msk [tilespmem:v20+s2+$0x0], $0xffff;
	_ =	sdelay $0x4  }
0x3d: {  	[tilespmem:$0x2140] =	vst v24  }
0x3e: {  	v24 =	vld.idx.msk [tilespmem:v21+s2+$0x0], $0xffff;
	_ =	sdelay $0x4  }
0x3f: {  	[tilespmem:$0x2150] =	vst v24  }
0x40: {  	v24 =	vld.idx.msk [tilespmem:v22+s2+$0x0], $0xffff;
	_ =	sdelay $0x4  }
0x41: {  	[tilespmem:$0x2160] =	vst v24  }
0x42: {  	v24 =	vld.idx.msk [tilespmem:v23+s2+$0x0], $0xffff;
	_ =	sdelay $0x4  }
0x43: {  	[tilespmem:$0x2170] =	vst v24  }
0x44: {  	[tilespmem:s12], [sflag:$0x2] =	stream.indirect.gather [hbm4b:s3+s10], $0x80, s11, s10, $0xb8;
	[tilespmem:$0x12200] =	vst v63  }
0x45: {  	_ = 	snop  }
0x46: {  	[tilespmem:s14], [sflag:$0x2] =	stream.indirect.gather [hbm4b:s3+s10], $0x80, s13, s10, $0xb8;
	[tilespmem:$0x12200] =	vst v63  }
0x47: {  	_ = 	snop  }
0x48: {  	[tilespmem:s16], [sflag:$0x2] =	stream.indirect.gather [hbm4b:s3+s10], $0x80, s15, s10, $0xb8;
	[tilespmem:$0x12200] =	vst v63  }
0x49: {  	_ =	swait.ge [sflag:s17], $0x2000  }
0x4a: {  	[sflag:s17] =	ssyncset.done $0x0  }
0x4b: {  	[sflag:s17] =	ssyncadd.s32 $0xFFFFE000  }
0x4c: {  	_ =	swait.ge [sflag:s18], $0x4000  }
0x4d: {  	[sflag:s18] =	ssyncset.done $0x0  }
0x4e: {  	[sflag:s18] =	ssyncadd.s32 $0xFFFFC000  }
0x4f: {  	_ =	swait.ge [sflag:s18], $0x4000  }
0x50: {  	[sflag:s18] =	ssyncset.done $0x0  }
0x51: {  	[sflag:s18] =	ssyncadd.s32 $0xFFFFC000  }
0x52: {  	_ =	swait.ge [sflag:s18], $0x4000  }
0x53: {  	[sflag:s18] =	ssyncset.done $0x0  }
0x54: {  	s21 =	simm.s32 $0x0;
	[sflag:s18] =	ssyncadd.s32 $0xFFFFC000  }
0x55: {  	v24 =	vld [tilespmem:s21+$0xE270]  }
0x56: {  	v25 =	vld [tilespmem:s21+$0x2270]  }
0x57: {  	v26 =	vld [tilespmem:s21+$0xE200]  }
0x58: {  	v27 =	vld [tilespmem:s21+$0x4270]  }
0x59: {  	v28 =	vld [tilespmem:s21+$0x2200]  }
0x5a: {  	v29 =	vld [tilespmem:s21+$0x6270]  }
0x5b: {  	v30 =	vld [tilespmem:s21+$0xE210]  }
0x5c: {  	v31 =	vld [tilespmem:s21+$0x2210]  }
0x5d: {  	v32 =	vld [tilespmem:s21+$0xE220]  }
0x5e: {  	v33 =	vld [tilespmem:s21+$0x2220]  }
0x5f: {  	v34 =	vld [tilespmem:s21+$0x2230]  }
0x60: {  	v35 =	vld [tilespmem:s21+$0x2240]  }
0x61: {  	v36 =	vld [tilespmem:s21+$0x2250]  }
0x62: {  	v37 =	vld [tilespmem:s21+$0x2260]  }
0x63: {  	v38 =	vld [tilespmem:s21+$0x4200]  }
0x64: {  	v39 =	vld [tilespmem:s21+$0x4210]  }
0x65: {  	v40 =	vld [tilespmem:s21+$0x4220]  }
0x66: {  	v41 =	vld [tilespmem:s21+$0x4230]  }
0x67: {  	v42 =	vld [tilespmem:s21+$0x4240]  }
0x68: {  	v43 =	vld [tilespmem:s21+$0x4250]  }
0x69: {  	v44 =	vld [tilespmem:s21+$0x4260]  }
0x6a: {  	v45 =	vld [tilespmem:s21+$0x6200]  }
0x6b: {  	v46 =	vld [tilespmem:s21+$0x6210]  }
0x6c: {  	v47 =	vld [tilespmem:s21+$0x6220]  }
0x6d: {  	v48 =	vld [tilespmem:s21+$0x6230]  }
0x6e: {  	v49 =	vld [tilespmem:s21+$0x6240]  }
0x6f: {  	v50 =	vld [tilespmem:s21+$0x6250]  }
0x70: {  	v51 =	vld [tilespmem:s21+$0x6260]  }
0x71: {  	v52 =	vld [tilespmem:s21+$0x8200]  }
0x72: {  	v53 =	vld [tilespmem:s21+$0x8210]  }
0x73: {  	v54 =	vld [tilespmem:s21+$0x8220]  }
0x74: {  	v55 =	vld [tilespmem:s21+$0x8230];
	v24 =	vadd.f32 v25, v24  }
0x75: {  	v25 =	vld [tilespmem:s21+$0x8270]  }
0x76: {  	v59 =	vld [tilespmem:s21+$0x8250];
	v24 =	vadd.f32 v27, v24  }
0x77: {  	v27 =	vld [tilespmem:s21+$0xA270]  }
0x78: {  	v60 =	vld [tilespmem:s21+$0xA200];
	v24 =	vadd.f32 v29, v24  }
0x79: {  	v26 =	vadd.f32 v28, v26;
	v28 =	vadd.f32 v31, v30;
	v29 =	vld [tilespmem:s21+$0xC270]  }
0x7a: {  	v61 =	vld [tilespmem:s21+$0xA210];
	v31 =	vadd.f32 v33, v32;
	v24 =	vadd.f32 v25, v24  }
0x7b: {  	v62 =	vld [tilespmem:s21+$0xA220];
	v26 =	vadd.f32 v38, v26;
	v28 =	vadd.f32 v39, v28  }
0x7c: {  	v31 =	vadd.f32 v40, v31;
	v25 =	vld [tilespmem:s21+$0xE230];
	v24 =	vadd.f32 v27, v24  }
0x7d: {  	v26 =	vadd.f32 v45, v26;
	v28 =	vadd.f32 v46, v28;
	v27 =	vld [tilespmem:s21+$0xE240]  }
0x7e: {  	v63 =	vld [tilespmem:s21+$0xA240];
	v31 =	vadd.f32 v47, v31;
	v24 =	vadd.f32 v29, v24  }
0x7f: {  	v26 =	vadd.f32 v52, v26;
	v29 =	vld [tilespmem:s21+$0xE250]  }
0x80: {  	v28 =	vadd.f32 v53, v28;
	v56 =	vadd.f32 v54, v31;
	[tilespmem:s21+$0x10270] =	vst v24;
	v24 =	vld [tilespmem:s21+$0xE260]  }
0x81: {  	v57 =	vld [tilespmem:s21+$0xC210];
	v60 =	vadd.f32 v60, v26;
	v25 =	vadd.f32 v34, v25  }
0x82: {  	v58 =	vld [tilespmem:s21+$0xC220];
	v61 =	vadd.f32 v61, v28;
	v27 =	vadd.f32 v35, v27  }
0x83: {  	v30 =	vld [tilespmem:s21+$0x8240];
	v62 =	vadd.f32 v62, v56;
	v25 =	vadd.f32 v41, v25  }
0x84: {  	v33 =	vld [tilespmem:s21+$0x8260];
	v29 =	vadd.f32 v36, v29;
	v27 =	vadd.f32 v42, v27  }
0x85: {  	v52 =	vld [tilespmem:s21+$0xC200];
	v25 =	vadd.f32 v48, v25;
	v24 =	vadd.f32 v37, v24  }
0x86: {  	v48 =	vld [tilespmem:s21+$0xA250];
	v29 =	vadd.f32 v43, v29;
	v27 =	vadd.f32 v49, v27  }
0x87: {  	v34 =	vadd.f32 v58, v62;
	v37 =	vld [tilespmem:s21+$0xA230];
	v24 =	vadd.f32 v44, v24  }
0x88: {  	v29 =	vadd.f32 v50, v29;
	v50 =	vld [tilespmem:s21+$0xA260];
	v27 =	vadd.f32 v30, v27  }
0x89: {  	v31 =	vld [tilespmem:s21+$0xC230];
	v25 =	vadd.f32 v55, v25;
	v24 =	vadd.f32 v51, v24  }
0x8a: {  	v28 =	vld [tilespmem:s21+$0xC240];
	v59 =	vadd.f32 v59, v29;
	v26 =	vadd.f32 v63, v27  }
0x8b: {  	v29 =	vld [tilespmem:s21+$0xC250];
	v63 =	vadd.f32 v52, v60;
	v24 =	vadd.f32 v33, v24  }
0x8c: {  	s23 =	simm.s32 $0x80;
	v32 =	vld [tilespmem:s21+$0xC260];
	v30 =	vadd.f32 v37, v25;
	v33 =	vadd.f32 v57, v61  }
0x8d: {  	s22 =	simm.s32 $0x400;
	v25 =	vld [tilespmem:s23+$0xE270];
	v27 =	vadd.f32 v48, v59;
	[tilespmem:s21+$0x10200] =	vst v63;
	v24 =	vadd.f32 v50, v24  }
.LBB2_2:
0x8e: {  	p0 =	sne.s32 s22, $0x7E00;
	v35 =	vld [tilespmem:s23+$0x2270];
	[tilespmem:s21+$0x10210] =	vst v33;
	v30 =	vadd.f32 v31, v30  }
0x8f: {  	v31 =	vld [tilespmem:s23+$0xE200];
	[tilespmem:s21+$0x10220] =	vst v34;
	v26 =	vadd.f32 v28, v26  }
0x90: {  	v28 =	vld [tilespmem:s23+$0x4270];
	[tilespmem:s21+$0x10230] =	vst v30;
	v27 =	vadd.f32 v29, v27  }
0x91: {  	v29 =	vld [tilespmem:s23+$0x2200];
	[tilespmem:s21+$0x10240] =	vst v26;
	v24 =	vadd.f32 v32, v24  }
0x92: {  	v26 =	vld [tilespmem:s23+$0x6270];
	[tilespmem:s21+$0x10250] =	vst v27  }
0x93: {  	v27 =	vld [tilespmem:s23+$0xE210];
	v25 =	vadd.f32 v35, v25;
	[tilespmem:s21+$0x10260] =	vst v24;
	s21 =	smov.u32 s23  }
0x94: {  	v24 =	vld [tilespmem:s21+$0x8270]  }
0x95: {  	v30 =	vld [tilespmem:s21+$0x2210];
	v25 =	vadd.f32 v28, v25  }
0x96: {  	v28 =	vadd.f32 v29, v31;
	v29 =	vld [tilespmem:s21+$0xA270]  }
0x97: {  	v31 =	vld [tilespmem:s21+$0xE220];
	v25 =	vadd.f32 v26, v25  }
0x98: {  	v26 =	vld [tilespmem:s21+$0xC270]  }
0x99: {  	v32 =	vld [tilespmem:s21+$0x2220];
	v24 =	vadd.f32 v24, v25  }
0x9a: {  	v25 =	vadd.f32 v30, v27;
	v27 =	vld [tilespmem:s21+$0xE230]  }
0x9b: {  	v30 =	vld [tilespmem:s21+$0x2230];
	v24 =	vadd.f32 v29, v24  }
0x9c: {  	v29 =	vld [tilespmem:s21+$0xE240]  }
0x9d: {  	v33 =	vld [tilespmem:s21+$0x2240];
	v24 =	vadd.f32 v26, v24  }
0x9e: {  	v26 =	vadd.f32 v32, v31;
	v31 =	vld [tilespmem:s21+$0xE250]  }
0x9f: {  	v32 =	vld [tilespmem:s21+$0x2250];
	[tilespmem:s21+$0x10270] =	vst v24  }
0xa0: {  	v24 =	vadd.f32 v30, v27;
	v27 =	vld [tilespmem:s21+$0xE260]  }
0xa1: {  	v30 =	vld [tilespmem:s21+$0x2260]  }
0xa2: {  	v34 =	vld [tilespmem:s21+$0x4200];
	v29 =	vadd.f32 v33, v29  }
0xa3: {  	v33 =	vld [tilespmem:s21+$0x4210]  }
0xa4: {  	v35 =	vld [tilespmem:s21+$0x4220];
	v31 =	vadd.f32 v32, v31  }
0xa5: {  	v32 =	vld [tilespmem:s21+$0x4230]  }
0xa6: {  	v36 =	vld [tilespmem:s21+$0x4240];
	v27 =	vadd.f32 v30, v27  }
0xa7: {  	v28 =	vadd.f32 v34, v28;
	v30 =	vld [tilespmem:s21+$0x4250]  }
0xa8: {  	v25 =	vadd.f32 v33, v25;
	v33 =	vld [tilespmem:s21+$0x4260]  }
0xa9: {  	v34 =	vld [tilespmem:s21+$0x6200];
	v26 =	vadd.f32 v35, v26  }
0xaa: {  	v35 =	vld [tilespmem:s21+$0x6210];
	v24 =	vadd.f32 v32, v24  }
0xab: {  	v32 =	vld [tilespmem:s21+$0x6220];
	v29 =	vadd.f32 v36, v29  }
0xac: {  	v36 =	vld [tilespmem:s21+$0x6230];
	v30 =	vadd.f32 v30, v31  }
0xad: {  	v31 =	vld [tilespmem:s21+$0x6240];
	v27 =	vadd.f32 v33, v27  }
0xae: {  	v28 =	vadd.f32 v34, v28;
	v33 =	vld [tilespmem:s21+$0x6250]  }
0xaf: {  	v25 =	vadd.f32 v35, v25;
	v34 =	vld [tilespmem:s21+$0x6260]  }
0xb0: {  	v35 =	vld [tilespmem:s21+$0x8200];
	v26 =	vadd.f32 v32, v26  }
0xb1: {  	v32 =	vld [tilespmem:s21+$0x8210];
	v24 =	vadd.f32 v36, v24  }
0xb2: {  	v36 =	vld [tilespmem:s21+$0x8220];
	v29 =	vadd.f32 v31, v29  }
0xb3: {  	v31 =	vld [tilespmem:s21+$0x8230];
	v30 =	vadd.f32 v33, v30  }
0xb4: {  	v33 =	vld [tilespmem:s21+$0x8240];
	v27 =	vadd.f32 v34, v27  }
0xb5: {  	v28 =	vadd.f32 v35, v28;
	v34 =	vld [tilespmem:s21+$0x8250]  }
0xb6: {  	v25 =	vadd.f32 v32, v25;
	v32 =	vld [tilespmem:s21+$0x8260]  }
0xb7: {  	v35 =	vld [tilespmem:s21+$0xA200];
	v26 =	vadd.f32 v36, v26  }
0xb8: {  	v36 =	vld [tilespmem:s21+$0xA210];
	v24 =	vadd.f32 v31, v24  }
0xb9: {  	v31 =	vld [tilespmem:s21+$0xA220];
	v29 =	vadd.f32 v33, v29  }
0xba: {  	v33 =	vld [tilespmem:s21+$0xA230];
	v34 =	vadd.f32 v34, v30  }
0xbb: {  	v37 =	vld [tilespmem:s21+$0xA240];
	v32 =	vadd.f32 v32, v27  }
0xbc: {  	v35 =	vadd.f32 v35, v28;
	v27 =	vld [tilespmem:s21+$0xA250]  }
0xbd: {  	v25 =	vadd.f32 v36, v25;
	v36 =	vld [tilespmem:s21+$0xA260]  }
0xbe: {  	v38 =	vld [tilespmem:s21+$0xC200];
	v39 =	vadd.f32 v31, v26  }
0xbf: {  	v40 =	vld [tilespmem:s21+$0xC210];
	v30 =	vadd.f32 v33, v24  }
0xc0: {  	v41 =	vld [tilespmem:s21+$0xC220];
	v26 =	vadd.f32 v37, v29  }
.Ltmp0:
0xc1: {  	v31 =	vld [tilespmem:s21+$0xC230];
	v27 =	vadd.f32 v27, v34;
	(pc) =	sbr.rel @p0 .LBB2_2-.Ltmp0, $4  }
0xc2: {  	v28 =	vld [tilespmem:s21+$0xC240];
	v24 =	vadd.f32 v36, v32  }
0xc3: {  	v34 =	vadd.f32 v38, v35;
	v29 =	vld [tilespmem:s21+$0xC250]  }
0xc4: {  	s23 =	sshra.s32 s22, $0x2;
	v33 =	vadd.f32 v40, v25;
	v32 =	vld [tilespmem:s21+$0xC260]  }
0xc5: {  	s22 =	sadd.s32 $0x200, s22;
	v25 =	vld [tilespmem:s23+$0xE270];
	[tilespmem:s21+$0x10200] =	vst v34;
	v34 =	vadd.f32 v41, v39  }
0xc6: {  	v35 =	vld [tilespmem:s23+$0x2270];
	[tilespmem:s21+$0x10210] =	vst v33;
	v30 =	vadd.f32 v31, v30  }
0xc7: {  	v33 =	vld [tilespmem:s23+$0xE200];
	[tilespmem:s21+$0x10220] =	vst v34;
	v26 =	vadd.f32 v28, v26  }
0xc8: {  	v54 =	vld [tilespmem:s23+$0x4270];
	[tilespmem:s21+$0x10230] =	vst v30;
	v27 =	vadd.f32 v29, v27  }
0xc9: {  	v28 =	vld [tilespmem:s23+$0x2200];
	[tilespmem:s21+$0x10240] =	vst v26;
	v24 =	vadd.f32 v32, v24  }
0xca: {  	v26 =	vld [tilespmem:s23+$0x6270];
	[tilespmem:s21+$0x10250] =	vst v27  }
0xcb: {  	v27 =	vld [tilespmem:s23+$0xE210];
	[tilespmem:s21+$0x10260] =	vst v24  }
0xcc: {  	v56 =	vld [tilespmem:s23+$0x8270]  }
0xcd: {  	v29 =	vld [tilespmem:s23+$0x2210]  }
0xce: {  	v30 =	vld [tilespmem:s23+$0xA270]  }
0xcf: {  	v31 =	vld [tilespmem:s23+$0xE220]  }
0xd0: {  	v57 =	vld [tilespmem:s23+$0xC270]  }
0xd1: {  	v58 =	vld [tilespmem:s23+$0x2220]  }
0xd2: {  	v59 =	vld [tilespmem:s23+$0xE230]  }
0xd3: {  	v34 =	vld [tilespmem:s23+$0x2230]  }
0xd4: {  	v60 =	vld [tilespmem:s23+$0xE240]  }
0xd5: {  	v61 =	vld [tilespmem:s23+$0x2240]  }
0xd6: {  	v62 =	vld [tilespmem:s23+$0xE250]  }
0xd7: {  	v36 =	vld [tilespmem:s23+$0x2250]  }
0xd8: {  	v63 =	vld [tilespmem:s23+$0xE260]  }
0xd9: {  	v37 =	vld [tilespmem:s23+$0x2260]  }
0xda: {  	v38 =	vld [tilespmem:s23+$0x4200]  }
0xdb: {  	v39 =	vld [tilespmem:s23+$0x4210]  }
0xdc: {  	v40 =	vld [tilespmem:s23+$0x4220]  }
0xdd: {  	v41 =	vld [tilespmem:s23+$0x4230]  }
0xde: {  	v42 =	vld [tilespmem:s23+$0x4240]  }
0xdf: {  	v43 =	vld [tilespmem:s23+$0x4250]  }
0xe0: {  	v44 =	vld [tilespmem:s23+$0x4260]  }
0xe1: {  	v45 =	vld [tilespmem:s23+$0x6200]  }
0xe2: {  	v46 =	vld [tilespmem:s23+$0x6210]  }
0xe3: {  	v47 =	vld [tilespmem:s23+$0x6220]  }
0xe4: {  	v48 =	vld [tilespmem:s23+$0x6230]  }
0xe5: {  	v55 =	vadd.f32 v35, v25;
	v49 =	vld [tilespmem:s23+$0x6240]  }
0xe6: {  	v50 =	vld [tilespmem:s23+$0x6250]  }
0xe7: {  	v51 =	vld [tilespmem:s23+$0x6260];
	v24 =	vadd.f32 v54, v55  }
0xe8: {  	v52 =	vld [tilespmem:s23+$0x8200]  }
0xe9: {  	v53 =	vld [tilespmem:s23+$0x8210];
	v24 =	vadd.f32 v26, v24  }
0xea: {  	v54 =	vld [tilespmem:s23+$0x8220];
	v28 =	vadd.f32 v28, v33  }
0xeb: {  	v55 =	vld [tilespmem:s23+$0x8230];
	v24 =	vadd.f32 v56, v24;
	v27 =	vadd.f32 v29, v27  }
0xec: {  	v31 =	vadd.f32 v58, v31;
	v25 =	vadd.f32 v34, v59;
	v58 =	vld [tilespmem:s23+$0x8250]  }
0xed: {  	v26 =	vadd.f32 v36, v62;
	v59 =	vld [tilespmem:s23+$0x8260];
	v28 =	vadd.f32 v38, v28  }
0xee: {  	v62 =	vld [tilespmem:s23+$0xA220];
	v24 =	vadd.f32 v30, v24;
	v30 =	vadd.f32 v61, v60  }
0xef: {  	v56 =	vld [tilespmem:s23+$0xC220];
	v27 =	vadd.f32 v39, v27;
	v31 =	vadd.f32 v40, v31  }
0xf0: {  	v60 =	vld [tilespmem:s23+$0xA200];
	v25 =	vadd.f32 v41, v25;
	v26 =	vadd.f32 v43, v26  }
0xf1: {  	v61 =	vld [tilespmem:s23+$0xA210];
	v28 =	vadd.f32 v45, v28;
	v24 =	vadd.f32 v57, v24  }
0xf2: {  	v57 =	vld [tilespmem:s23+$0x8240];
	v30 =	vadd.f32 v42, v30;
	v27 =	vadd.f32 v46, v27  }
0xf3: {  	v46 =	vld [tilespmem:s23+$0xA240];
	v31 =	vadd.f32 v47, v31;
	v25 =	vadd.f32 v48, v25  }
0xf4: {  	v48 =	vld [tilespmem:s23+$0xA250];
	v26 =	vadd.f32 v50, v26;
	v28 =	vadd.f32 v52, v28  }
0xf5: {  	v50 =	vld [tilespmem:s23+$0xA260];
	[tilespmem:s23+$0x10270] =	vst v24;
	v24 =	vadd.f32 v37, v63;
	v30 =	vadd.f32 v49, v30  }
0xf6: {  	v52 =	vld [tilespmem:s23+$0xC200];
	v27 =	vadd.f32 v53, v27;
	v31 =	vadd.f32 v54, v31  }
0xf7: {  	v63 =	vld [tilespmem:s23+$0xA230];
	v25 =	vadd.f32 v55, v25;
	v26 =	vadd.f32 v58, v26  }
0xf8: {  	v54 =	vld [tilespmem:s23+$0xC210];
	v28 =	vadd.f32 v60, v28;
	v24 =	vadd.f32 v44, v24  }
0xf9: {  	v58 =	vld [tilespmem:s23+$0xC240];
	v27 =	vadd.f32 v61, v27;
	v31 =	vadd.f32 v62, v31  }
0xfa: {  	v29 =	vadd.f32 v57, v30;
	v57 =	vld [tilespmem:s23+$0xC230];
	v24 =	vadd.f32 v51, v24  }
0xfb: {  	v60 =	vld [tilespmem:s23+$0xC260];
	v28 =	vadd.f32 v52, v28;
	v61 =	vadd.f32 v56, v31  }
0xfc: {  	v29 =	vadd.f32 v46, v29;
	v24 =	vadd.f32 v59, v24;
	v59 =	vld [tilespmem:s23+$0xC250]  }
0xfd: {  	v25 =	vadd.f32 v63, v25;
	v27 =	vadd.f32 v54, v27;
	[tilespmem:s23+$0x10200] =	vst v28  }
0xfe: {  	[tilespmem:s23+$0x10220] =	vst v61;
	v62 =	vadd.f32 v58, v29;
	v24 =	vadd.f32 v50, v24  }
0xff: {  	v26 =	vadd.f32 v48, v26;
	[tilespmem:s23+$0x10210] =	vst v27;
	v25 =	vadd.f32 v57, v25  }
0x100: {  	[tilespmem:s23+$0x10240] =	vst v62;
	v24 =	vadd.f32 v60, v24  }
0x101: {  	s20 =	sadd.s32 $0x1, s20;
	[tilespmem:s23+$0x10230] =	vst v25;
	v63 =	vadd.f32 v59, v26  }
0x102: {  	p0 =	sne.s32 s20, s7;
	[tilespmem:s23+$0x10260] =	vst v24  }
.Ltmp1:
0x103: {  	[tilespmem:s23+$0x10250] =	vst v63;
	(pc) =	sbr.rel @p0 .LBB2_1-.Ltmp1, $4  }
0x104: {  	[hbm4b:s6+s2] =	stream.linear.scatter [tilespmem:s19], [sflag:$0x3], $0x2000, $0x38;
	[tilespmem:$0x12200] =	vst v63  }
0x105: {  	_ =	swait.ge [sflag:s9], $0x2000  }
0x106: {  	[sflag:s9] =	ssyncset.done $0x0  }
0x107: {  	[sflag:s9] =	ssyncadd.s32 $0xFFFFE000  }
0x108: {  	_ =	sfence.sel $0x180000  }
0x109: {  	[bflag:$0x0] =	sbarrier.arrive $0xFFFF  }
0x10a: {  	p0 =	sne.s32 s1, $0x0;
	_ =	strace $0x9000004A  }
0x10b: {  	s0 =	sadd.s32 @!p0 $0x100000, s0;
	[bflag:$0x2] =	sbarrier.arrive $0xFFFF  }
0x10c: {  	[sflag:s0] =	ssyncadd.tile.s32 @!p0 $0x1;
	_ =	shalt  }
.Lfunc_end2:
_tile_overlayer_lowered:
.L_overlay_start_2:
0x10d: {  	(tag) =	ssettag $0x2  }
0x10e: {  	s0 =	rddreg [dreg:$0x0];
	s2 =	stileid.u32  }
0x10f: {  	s1 =	rddreg [dreg:$0x1];
	p0 =	sne.s32 s2, $0x0  }
0x110: {  	s3 =	rddreg [dreg:$0x2];
	[bflag:$0x3] =	sbarrier.arrive $0xFFFF;
	s2 =	simm.s32 @!p0 $0x1C03  }
0x111: {  	[timem:s3], [sflag:s2] =	dma.local @!p0 [hbm:s0], s1  }
0x112: {  	s0 =	simm.s32 @!p0 $0x3  }
0x113: {  	_ =	swait.ge @!p0 [sflag:s0], s1  }
0x114: {  	s1 =	ssub.s32 @!p0 $0x0, s1;
	[sflag:s0] =	ssyncset.done @!p0 $0x0  }
0x115: {  	[sflag:s0] =	ssyncadd.s32 @!p0 s1  }
0x116: {  	[bflag:$0x3] =	sbarrier.arrive $0xFFFF  }
0x117: {  	_ =	shalt  }

</sc_bundles>
